<compile_context>
chip_gen: v7x
topology: tpu7x:2x2x1
jax: 0.10.2.dev20260603
libtpu: 0.0.44.dev20260713+nightly
codegen_flags: <defaults>
</compile_context>

<pallas_src>
import dataclasses
import functools

import jax
import jax.numpy as jnp
from jax import lax
from jax.experimental import pallas as pl
from jax.experimental.pallas import tpu as pltpu
from jax.experimental.pallas import tpu_sc as plsc

N = 10000
NP = 10112
E = 320000
NTILES = 32
CH = 96
NCH = 106
EPT = NCH * CH
RPT = NP // 16

D = 128
D_IN = 128
D_HID = 64
D_OUT = 121

_SC_PARAMS = pltpu.CompilerParams()
if "needs_layout_passes" in pltpu.CompilerParams.__dataclass_fields__:
  _SC_PARAMS = dataclasses.replace(_SC_PARAMS, needs_layout_passes=False)


def _make_sc_agg(den_col):
  dblk, dlane = den_col // 16, den_col % 16
  mesh = plsc.VectorSubcoreMesh(core_axis_name="c", subcore_axis_name="s")

  @functools.partial(
      pl.kernel,
      compiler_params=_SC_PARAMS,
      out_type=jax.ShapeDtypeStruct((2, NP, D), jnp.float32),
      mesh=mesh,
      scratch_types=[
          pltpu.VMEM((NP,), jnp.float32),
          pltpu.VMEM((NP,), jnp.float32),
          pltpu.VMEM((2, CH), jnp.int32),
          pltpu.VMEM((2, CH), jnp.int32),
          pltpu.VMEM((1, CH), jnp.int32),
          pltpu.VMEM((1, CH), jnp.int32),
          pltpu.VMEM((CH,), jnp.float32),
          pltpu.VMEM((CH,), jnp.float32),
          pltpu.VMEM((CH, D), jnp.float32),
          pltpu.VMEM((CH, D), jnp.float32),
          pltpu.VMEM_SHARED((NP, D), jnp.float32),
          pltpu.SemaphoreType.DMA,
          pltpu.SemaphoreType.DMA,
          pltpu.SemaphoreType.DMA,
          pltpu.SemaphoreType.DMA,
          pltpu.SemaphoreType.DMA,
          pltpu.SemaphoreType.DMA,
      ],
  )
  def sc_agg(edg_hbm, asv_hbm, adv_hbm, h_hbm, out_hbm,
             as_v, ad_v, ebA, ebB, dbA, dbB, exbA, exbB, gbA, gbB, acc,
             isemA, isemB, gsemA, gsemB, ssemA, ssemB):
    cid = lax.axis_index("c")
    sid = lax.axis_index("s")
    wid = cid * 16 + sid

    pltpu.sync_copy(asv_hbm, as_v)
    pltpu.sync_copy(adv_hbm, ad_v)

    zero16 = jnp.zeros((16,), jnp.float32)
    dmask = jnp.where(lax.iota(jnp.int32, 16) == dlane, 1.0, 0.0)

    @pl.loop(0, CH)
    def _zrow(j):
      for t in range(D // 16):
        gbA[j, pl.ds(t * 16, 16)] = zero16

    for m in range(RPT // CH):
      pltpu.sync_copy(gbA, acc.at[pl.ds(sid * RPT + m * CH, CH)])
    rem = RPT - (RPT // CH) * CH
    if rem:
      pltpu.sync_copy(gbA.at[pl.ds(0, rem)],
                      acc.at[pl.ds(sid * RPT + (RPT // CH) * CH, rem)])
    plsc.subcore_barrier()

    def do_chunk(c, eb, db, exb, gb, isem, gsem, ssem,
                 ebn, dbn, gbn, isemn, gsemn, ssemn):
      for k in range(0, CH, 16):
        si = eb[0, pl.ds(k, 16)]
        di = eb[1, pl.ds(k, 16)]
        db[0, pl.ds(k, 16)] = di
        e = plsc.load_gather(as_v, [si]) + plsc.load_gather(ad_v, [di])
        e = jnp.where(e >= 0.0, e, 0.2 * e)
        exb[pl.ds(k, 16)] = jnp.exp(e)

      pltpu.make_async_copy(h_hbm.at[eb.at[0]], gb, gsem).wait()

      @pl.when(c + 2 < NCH)
      def _():
        pltpu.async_copy(edg_hbm.at[wid, c + 2], eb, isem)

      @pl.when(c + 1 < NCH)
      def _():
        pltpu.make_async_copy(edg_hbm.at[wid, c + 1], ebn, isemn).wait()

        @pl.when(c >= 1)
        def _():
          pltpu.make_async_copy(gbn, acc.at[dbn.at[0]], ssemn).wait()

        pltpu.async_copy(h_hbm.at[ebn.at[0]], gbn, gsemn)

      @pl.loop(0, CH, step=2)
      def _scale(j):
        ex0 = plsc.load_gather(exb, [jnp.zeros((16,), jnp.int32) + j])
        ex1 = plsc.load_gather(exb, [jnp.zeros((16,), jnp.int32) + (j + 1)])
        for t in range(dblk + 1):
          p0 = gb[j, pl.ds(t * 16, 16)] * ex0
          p1 = gb[j + 1, pl.ds(t * 16, 16)] * ex1
          if t == dblk:
            p0 = p0 + ex0 * dmask
            p1 = p1 + ex1 * dmask
          gb[j, pl.ds(t * 16, 16)] = p0
          gb[j + 1, pl.ds(t * 16, 16)] = p1

      pltpu.async_copy(gb, acc.at[db.at[0]], ssem, add=True)

    pltpu.async_copy(edg_hbm.at[wid, 0], ebA, isemA)
    pltpu.async_copy(edg_hbm.at[wid, 1], ebB, isemB)
    pltpu.make_async_copy(edg_hbm.at[wid, 0], ebA, isemA).wait()
    pltpu.async_copy(h_hbm.at[ebA.at[0]], gbA, gsemA)

    @pl.loop(0, NCH, step=2)
    def _chunks(c):
      do_chunk(c, ebA, dbA, exbA, gbA, isemA, gsemA, ssemA,
               ebB, dbB, gbB, isemB, gsemB, ssemB)
      do_chunk(c + 1, ebB, dbB, exbB, gbB, isemB, gsemB, ssemB,
               ebA, dbA, gbA, isemA, gsemA, ssemA)

    pltpu.make_async_copy(gbA, acc.at[dbA.at[0]], ssemA).wait()
    pltpu.make_async_copy(gbB, acc.at[dbB.at[0]], ssemB).wait()

    plsc.subcore_barrier()
    pltpu.sync_copy(acc.at[pl.ds(sid * RPT, RPT)],
                    out_hbm.at[cid, pl.ds(sid * RPT, RPT)])

  return sc_agg


_sc_agg1 = _make_sc_agg(D_HID)
_sc_agg2 = _make_sc_agg(D_OUT)


def _tc_front_body(x_ref, w_ref, asr, adr, h_ref, asc, adc):
  h = jnp.dot(x_ref[...], w_ref[...], preferred_element_type=jnp.float32,
              precision=lax.Precision.HIGHEST)
  h_ref[...] = h
  asc[...] = jnp.sum(h * asr[...], axis=1, keepdims=True)
  adc[...] = jnp.sum(h * adr[...], axis=1, keepdims=True)


def _tc_front(x_pad, W1p, a1s, a1d):
  R = 1264
  return pl.pallas_call(
      _tc_front_body,
      grid=(NP // R,),
      in_specs=[
          pl.BlockSpec((R, D_IN), lambda i: (i, 0)),
          pl.BlockSpec((D_IN, D), lambda i: (0, 0)),
          pl.BlockSpec((1, D), lambda i: (0, 0)),
          pl.BlockSpec((1, D), lambda i: (0, 0)),
      ],
      out_specs=[
          pl.BlockSpec((R, D), lambda i: (i, 0)),
          pl.BlockSpec((R, 1), lambda i: (i, 0)),
          pl.BlockSpec((R, 1), lambda i: (i, 0)),
      ],
      out_shape=[
          jax.ShapeDtypeStruct((NP, D), jnp.float32),
          jax.ShapeDtypeStruct((NP, 1), jnp.float32),
          jax.ShapeDtypeStruct((NP, 1), jnp.float32),
      ],
  )(x_pad, W1p, a1s, a1d)


def _tc_mid_body(acca, accb, asc, adc, h1, b1r, w2, a2s, a2d,
                 h2_ref, as2, ad2):
  e = asc[...] + adc[...]
  base = jnp.exp(jnp.where(e >= 0.0, e, 0.2 * e))
  num = acca[:, :D_HID] + accb[:, :D_HID] + base * h1[:, :D_HID]
  den = (acca[:, D_HID:D_HID + 1] + accb[:, D_HID:D_HID + 1] + base + 1e-16)
  g = jnp.maximum(num / den + b1r[...], 0.0)
  h2 = jnp.dot(g, w2[...], preferred_element_type=jnp.float32,
               precision=lax.Precision.HIGHEST)
  h2_ref[...] = h2
  as2[...] = jnp.sum(h2 * a2s[...], axis=1, keepdims=True)
  ad2[...] = jnp.sum(h2 * a2d[...], axis=1, keepdims=True)


def _tc_mid(acc_a, acc_b, as1, ad1, h1, b1r, W2p, a2s, a2d):
  R = 1264
  return pl.pallas_call(
      _tc_mid_body,
      grid=(NP // R,),
      in_specs=[
          pl.BlockSpec((R, D), lambda i: (i, 0)),
          pl.BlockSpec((R, D), lambda i: (i, 0)),
          pl.BlockSpec((R, 1), lambda i: (i, 0)),
          pl.BlockSpec((R, 1), lambda i: (i, 0)),
          pl.BlockSpec((R, D), lambda i: (i, 0)),
          pl.BlockSpec((1, D_HID), lambda i: (0, 0)),
          pl.BlockSpec((D_HID, D), lambda i: (0, 0)),
          pl.BlockSpec((1, D), lambda i: (0, 0)),
          pl.BlockSpec((1, D), lambda i: (0, 0)),
      ],
      out_specs=[
          pl.BlockSpec((R, D), lambda i: (i, 0)),
          pl.BlockSpec((R, 1), lambda i: (i, 0)),
          pl.BlockSpec((R, 1), lambda i: (i, 0)),
      ],
      out_shape=[
          jax.ShapeDtypeStruct((NP, D), jnp.float32),
          jax.ShapeDtypeStruct((NP, 1), jnp.float32),
          jax.ShapeDtypeStruct((NP, 1), jnp.float32),
      ],
  )(acc_a, acc_b, as1, ad1, h1, b1r, W2p, a2s, a2d)


def _tc_final_body(acca, accb, asc, adc, h2, b2r, out_ref):
  e = asc[...] + adc[...]
  base = jnp.exp(jnp.where(e >= 0.0, e, 0.2 * e))
  num = acca[...] + accb[...] + base * h2[...]
  den = (acca[:, D_OUT:D_OUT + 1] + accb[:, D_OUT:D_OUT + 1] + base + 1e-16)
  z = num / den + b2r[...]
  out_ref[...] = 1.0 / (1.0 + jnp.exp(-z))


def _tc_final(acc_a, acc_b, as2, ad2, h2, b2r):
  R = 1264
  return pl.pallas_call(
      _tc_final_body,
      grid=(NP // R,),
      in_specs=[
          pl.BlockSpec((R, D), lambda i: (i, 0)),
          pl.BlockSpec((R, D), lambda i: (i, 0)),
          pl.BlockSpec((R, 1), lambda i: (i, 0)),
          pl.BlockSpec((R, 1), lambda i: (i, 0)),
          pl.BlockSpec((R, D), lambda i: (i, 0)),
          pl.BlockSpec((1, D), lambda i: (0, 0)),
      ],
      out_specs=pl.BlockSpec((R, D), lambda i: (i, 0)),
      out_shape=jax.ShapeDtypeStruct((NP, D), jnp.float32),
  )(acc_a, acc_b, as2, ad2, h2, b2r)


def kernel(x, edge_index, W1, a_src1, a_dst1, b1, W2, a_src2, a_dst2, b2):
  x_pad = x
  npad = NTILES * EPT - E
  pad_idx = N + (jnp.arange(npad, dtype=jnp.int32) % (NP - N))
  srcp = jnp.concatenate([edge_index[0].astype(jnp.int32), pad_idx])
  dstp = jnp.concatenate([edge_index[1].astype(jnp.int32), pad_idx])
  edg = jnp.stack([srcp.reshape(NTILES, NCH, CH),
                   dstp.reshape(NTILES, NCH, CH)], axis=2)

  W1p = jnp.zeros((D_IN, D), jnp.float32).at[:, :D_HID].set(W1)
  a1sp = jnp.zeros((1, D), jnp.float32).at[0, :D_HID].set(a_src1)
  a1dp = jnp.zeros((1, D), jnp.float32).at[0, :D_HID].set(a_dst1)
  b1r = b1.reshape(1, D_HID)
  W2p = jnp.zeros((D_HID, D), jnp.float32).at[:, :D_OUT].set(W2)
  a2sp = jnp.zeros((1, D), jnp.float32).at[0, :D_OUT].set(a_src2)
  a2dp = jnp.zeros((1, D), jnp.float32).at[0, :D_OUT].set(a_dst2)
  b2r = jnp.zeros((1, D), jnp.float32).at[0, :D_OUT].set(b2)

  h1, as1, ad1 = _tc_front(x_pad, W1p, a1sp, a1dp)
  acc1 = _sc_agg1(edg, as1.reshape(NP), ad1.reshape(NP), h1)
  h2, as2, ad2 = _tc_mid(acc1[0], acc1[1], as1, ad1, h1, b1r, W2p,
                         a2sp, a2dp)
  acc2 = _sc_agg2(edg, as2.reshape(NP), ad2.reshape(NP), h2)
  outp = _tc_final(acc2[0], acc2[1], as2, ad2, h2, b2r)
  return outp[:N, :D_OUT]

# --- scband reference (transcript-rebuilt; emitter-appended) ---
"""Pipeline reference for scband-gatnet-36266703847567 (READ-ONLY COPY).

The authoritative reference and input builder live on the scoring server;
editing this copy changes nothing except your own understanding.
"""

import jax, jax.numpy as jnp
import numpy as np

N = 10000
E = 320000
D_IN = 128
D_HID = 64
D_OUT = 121


def setup_inputs(seed: int = 0) -> dict:
    key = jax.random.key(seed)
    ks = jax.random.split(key, 12)
    x = jax.random.normal(ks[0], (N, D_IN), dtype=jnp.float32)
    edge_index = jax.random.randint(ks[1], (2, E), 0, N, dtype=jnp.int32)
    W1 = jax.random.normal(ks[2], (D_IN, D_HID), dtype=jnp.float32) * (1.0 / np.sqrt(D_IN))
    a_src1 = jax.random.normal(ks[3], (D_HID,), dtype=jnp.float32) * 0.1
    a_dst1 = jax.random.normal(ks[4], (D_HID,), dtype=jnp.float32) * 0.1
    b1 = jnp.zeros((D_HID,), dtype=jnp.float32)
    W2 = jax.random.normal(ks[5], (D_HID, D_OUT), dtype=jnp.float32) * (1.0 / np.sqrt(D_HID))
    a_src2 = jax.random.normal(ks[6], (D_OUT,), dtype=jnp.float32) * 0.1
    a_dst2 = jax.random.normal(ks[7], (D_OUT,), dtype=jnp.float32) * 0.1
    b2 = jnp.zeros((D_OUT,), dtype=jnp.float32)
    return {"x": x, "edge_index": edge_index, "W1": W1, "a_src1": a_src1, "a_dst1": a_dst1, "b1": b1, "W2": W2, "a_src2": a_src2, "a_dst2": a_dst2, "b2": b2}


def _gat_conv(x, src, dst, W, a_src, a_dst, b, n):
    # PyG GATConv, heads=1, concat=True, negative_slope=0.2, add_self_loops handled by caller
    h = x @ W                                   # [n, d_out]
    alpha_s = jnp.sum(h * a_src, axis=-1)       # [n]
    alpha_d = jnp.sum(h * a_dst, axis=-1)       # [n]
    e = alpha_s[src] + alpha_d[dst]             # gather per edge
    e = jax.nn.leaky_relu(e, negative_slope=0.2)
    # softmax over incoming edges of each dst node
    m = jax.ops.segment_max(e, dst, num_segments=n)
    m = jnp.where(jnp.isfinite(m), m, 0.0)
    ex = jnp.exp(e - m[dst])
    s = jax.ops.segment_sum(ex, dst, num_segments=n)
    alpha = ex / (s[dst] + 1e-16)
    out = jax.ops.segment_sum(h[src] * alpha[:, None], dst, num_segments=n)
    return out + b


def reference(x, edge_index, W1, a_src1, a_dst1, b1, W2, a_src2, a_dst2, b2):
    loops = jnp.arange(N, dtype=edge_index.dtype)
    src = jnp.concatenate([edge_index[0], loops])
    dst = jnp.concatenate([edge_index[1], loops])
    h = _gat_conv(x, src, dst, W1, a_src1, a_dst1, b1, N)
    h = jax.nn.relu(h)
    # F.dropout with training=False is identity (eval mode)
    h = _gat_conv(h, src, dst, W2, a_src2, a_dst2, b2, N)
    return jax.nn.sigmoid(h)  # CUR_DATASET == 'PPI'

if __name__ == "__main__":
    import jax
    _d = setup_inputs()
    print(jax.jit(kernel)(*tuple(_d.values())))

</pallas_src>

<mosaic_0001>
#map = affine_map<(d0, d1) -> (0, 0, 0, 0)>
#map1 = affine_map<(d0, d1) -> (0)>
#map2 = affine_map<(d0, d1) -> (0, 0)>
#map3 = affine_map<(d0, d1) -> (0, 0, 0)>
module attributes {stable_mosaic.version = 14 : i64} {
  func.func @sc_agg(%arg0: i32, %arg1: i32, %arg2: memref<32x106x2x96xi32, #tpu.memory_space<hbm>>, %arg3: memref<10112xf32, #tpu.memory_space<hbm>>, %arg4: memref<10112xf32, #tpu.memory_space<hbm>>, %arg5: memref<10112x128xf32, #tpu.memory_space<hbm>>, %arg6: memref<2x10112x128xf32, #tpu.memory_space<hbm>>, %arg7: memref<10112xf32, #tpu.memory_space<vmem>>, %arg8: memref<10112xf32, #tpu.memory_space<vmem>>, %arg9: memref<2x96xi32, #tpu.memory_space<vmem>>, %arg10: memref<2x96xi32, #tpu.memory_space<vmem>>, %arg11: memref<1x96xi32, #tpu.memory_space<vmem>>, %arg12: memref<1x96xi32, #tpu.memory_space<vmem>>, %arg13: memref<96xf32, #tpu.memory_space<vmem>>, %arg14: memref<96xf32, #tpu.memory_space<vmem>>, %arg15: memref<96x128xf32, #tpu.memory_space<vmem>>, %arg16: memref<96x128xf32, #tpu.memory_space<vmem>>, %arg17: memref<10112x128xf32, #tpu.memory_space<vmem_shared>>, %arg18: memref<!tpu.dma_semaphore, #tpu.memory_space<semaphore_mem>>, %arg19: memref<!tpu.dma_semaphore, #tpu.memory_space<semaphore_mem>>, %arg20: memref<!tpu.dma_semaphore, #tpu.memory_space<semaphore_mem>>, %arg21: memref<!tpu.dma_semaphore, #tpu.memory_space<semaphore_mem>>, %arg22: memref<!tpu.dma_semaphore, #tpu.memory_space<semaphore_mem>>, %arg23: memref<!tpu.dma_semaphore, #tpu.memory_space<semaphore_mem>>) attributes {dimension_semantics = [#tpu.dimension_semantics<core_parallel>, #tpu.dimension_semantics<subcore_parallel>], iteration_bounds = array<i64: 2, 16>, scalar_prefetch = 0 : i64, scratch_operands = 17 : i64, tpu.core_type = #tpu.core_type<sc_vector_subcore>, window_params = [{transform_indices = #map}, {transform_indices = #map1}, {transform_indices = #map1}, {transform_indices = #map2}, {transform_indices = #map3}]} {
    %mul3A = arith.constant 16 : i32
    %mul3A_0 = arith.muli %arg0, %mul3A : i32
    %add3A = arith.addi %mul3A_0, %arg1 : i32
    "tpu.region"() ({
      %run_scoped3A = tpu.sem_alloc : memref<!tpu.dma_semaphore, #tpu.memory_space<semaphore_mem>>
      tpu.enqueue_dma source(%arg3 : memref<10112xf32, #tpu.memory_space<hbm>>) target(%arg7 : memref<10112xf32, #tpu.memory_space<vmem>>) target_semaphore(%run_scoped3A : memref<!tpu.dma_semaphore, #tpu.memory_space<semaphore_mem>>)
      tpu.wait_dma2 semaphore(%run_scoped3A : memref<!tpu.dma_semaphore, #tpu.memory_space<semaphore_mem>>) src(%arg3 : memref<10112xf32, #tpu.memory_space<hbm>>) dst(%arg7 : memref<10112xf32, #tpu.memory_space<vmem>>)
      tpu.yield
    }) : () -> ()
    "tpu.region"() ({
      %run_scoped3A = tpu.sem_alloc : memref<!tpu.dma_semaphore, #tpu.memory_space<semaphore_mem>>
      tpu.enqueue_dma source(%arg4 : memref<10112xf32, #tpu.memory_space<hbm>>) target(%arg8 : memref<10112xf32, #tpu.memory_space<vmem>>) target_semaphore(%run_scoped3A : memref<!tpu.dma_semaphore, #tpu.memory_space<semaphore_mem>>)
      tpu.wait_dma2 semaphore(%run_scoped3A : memref<!tpu.dma_semaphore, #tpu.memory_space<semaphore_mem>>) src(%arg4 : memref<10112xf32, #tpu.memory_space<hbm>>) dst(%arg8 : memref<10112xf32, #tpu.memory_space<vmem>>)
      tpu.yield
    }) : () -> ()
    %broadcast_in_dim3A = arith.constant 0.000000e+00 : f32
    %broadcast_in_dim3A_1 = vector.broadcast %broadcast_in_dim3A : f32 to vector<16xf32>
    %iota3A = tpu.iota {dimensions = array<i32: 0>} : vector<16xi32>
    %eq3A = arith.constant 9 : i32
    %eq3A_2 = vector.broadcast %eq3A : i32 to vector<16xi32>
    %eq3A_3 = arith.cmpi eq, %iota3A, %eq3A_2 : vector<16xi32>
    %jit3A = arith.constant 1.000000e+00 : f32
    %jit3A_4 = arith.constant 0.000000e+00 : f32
    %broadcast_in_dim3A_5 = vector.broadcast %jit3A : f32 to vector<16xf32>
    %broadcast_in_dim3A_6 = vector.broadcast %jit3A_4 : f32 to vector<16xf32>
    %select_n3A = arith.select %eq3A_3, %broadcast_in_dim3A_5, %broadcast_in_dim3A_6 : vector<16xi1>, vector<16xf32>
    %scan3A = arith.constant 0 : i32
    %scan3A_7 = arith.constant 96 : i32
    %scan3A_8 = arith.addi %scan3A, %scan3A_7 : i32
    %scan3A_9 = arith.constant 1 : i32
    scf.for %scan3A_95 = %scan3A to %scan3A_8 step %scan3A_9  : i32 {
      %mul3A_96 = arith.constant 1 : i32
      %mul3A_97 = arith.muli %scan3A_95, %mul3A_96 : i32
      %add3A_98 = arith.constant 0 : i32
      %add3A_99 = arith.addi %add3A_98, %mul3A_97 : i32
      %swap3A = arith.index_cast %add3A_99 : i32 to index
      %swap3A_100 = arith.constant 0 : index
      %swap3A_101 = tpu.vector_load %arg15[%swap3A, %swap3A_100] {strides = array<i32>} : memref<96x128xf32, #tpu.memory_space<vmem>>, vector<16xf32>,
      tpu.vector_store %arg15[%swap3A, %swap3A_100], %broadcast_in_dim3A_1 {strides = array<i32>} : memref<96x128xf32, #tpu.memory_space<vmem>>, vector<16xf32>,
      %swap3A_102 = arith.index_cast %add3A_99 : i32 to index
      %swap3A_103 = arith.constant 16 : index
      %swap3A_104 = tpu.vector_load %arg15[%swap3A_102, %swap3A_103] {strides = array<i32>} : memref<96x128xf32, #tpu.memory_space<vmem>>, vector<16xf32>,
      tpu.vector_store %arg15[%swap3A_102, %swap3A_103], %broadcast_in_dim3A_1 {strides = array<i32>} : memref<96x128xf32, #tpu.memory_space<vmem>>, vector<16xf32>,
      %swap3A_105 = arith.index_cast %add3A_99 : i32 to index
      %swap3A_106 = arith.constant 32 : index
      %swap3A_107 = tpu.vector_load %arg15[%swap3A_105, %swap3A_106] {strides = array<i32>} : memref<96x128xf32, #tpu.memory_space<vmem>>, vector<16xf32>,
      tpu.vector_store %arg15[%swap3A_105, %swap3A_106], %broadcast_in_dim3A_1 {strides = array<i32>} : memref<96x128xf32, #tpu.memory_space<vmem>>, vector<16xf32>,
      %swap3A_108 = arith.index_cast %add3A_99 : i32 to index
      %swap3A_109 = arith.constant 48 : index
      %swap3A_110 = tpu.vector_load %arg15[%swap3A_108, %swap3A_109] {strides = array<i32>} : memref<96x128xf32, #tpu.memory_space<vmem>>, vector<16xf32>,
      tpu.vector_store %arg15[%swap3A_108, %swap3A_109], %broadcast_in_dim3A_1 {strides = array<i32>} : memref<96x128xf32, #tpu.memory_space<vmem>>, vector<16xf32>,
      %swap3A_111 = arith.index_cast %add3A_99 : i32 to index
      %swap3A_112 = arith.constant 64 : index
      %swap3A_113 = tpu.vector_load %arg15[%swap3A_111, %swap3A_112] {strides = array<i32>} : memref<96x128xf32, #tpu.memory_space<vmem>>, vector<16xf32>,
      tpu.vector_store %arg15[%swap3A_111, %swap3A_112], %broadcast_in_dim3A_1 {strides = array<i32>} : memref<96x128xf32, #tpu.memory_space<vmem>>, vector<16xf32>,
      %swap3A_114 = arith.index_cast %add3A_99 : i32 to index
      %swap3A_115 = arith.constant 80 : index
      %swap3A_116 = tpu.vector_load %arg15[%swap3A_114, %swap3A_115] {strides = array<i32>} : memref<96x128xf32, #tpu.memory_space<vmem>>, vector<16xf32>,
      tpu.vector_store %arg15[%swap3A_114, %swap3A_115], %broadcast_in_dim3A_1 {strides = array<i32>} : memref<96x128xf32, #tpu.memory_space<vmem>>, vector<16xf32>,
      %swap3A_117 = arith.index_cast %add3A_99 : i32 to index
      %swap3A_118 = arith.constant 96 : index
      %swap3A_119 = tpu.vector_load %arg15[%swap3A_117, %swap3A_118] {strides = array<i32>} : memref<96x128xf32, #tpu.memory_space<vmem>>, vector<16xf32>,
      tpu.vector_store %arg15[%swap3A_117, %swap3A_118], %broadcast_in_dim3A_1 {strides = array<i32>} : memref<96x128xf32, #tpu.memory_space<vmem>>, vector<16xf32>,
      %swap3A_120 = arith.index_cast %add3A_99 : i32 to index
      %swap3A_121 = arith.constant 112 : index
      %swap3A_122 = tpu.vector_load %arg15[%swap3A_120, %swap3A_121] {strides = array<i32>} : memref<96x128xf32, #tpu.memory_space<vmem>>, vector<16xf32>,
      tpu.vector_store %arg15[%swap3A_120, %swap3A_121], %broadcast_in_dim3A_1 {strides = array<i32>} : memref<96x128xf32, #tpu.memory_space<vmem>>, vector<16xf32>,
    }
    %scan3A_10 = arith.constant 96 : i32
    %mul3A_11 = arith.constant 632 : i32
    %mul3A_12 = arith.muli %arg1, %mul3A_11 : i32
    %add3A_13 = arith.constant 0 : i32
    %add3A_14 = arith.addi %mul3A_12, %add3A_13 : i32
    "tpu.region"() ({
      %run_scoped3A = tpu.sem_alloc : memref<!tpu.dma_semaphore, #tpu.memory_space<semaphore_mem>>
      %dma_start3A_95 = arith.constant 0 : i32
      %dma_start3A_96 = tpu.memref_slice %arg17[%add3A_14, %dma_start3A_95] : memref<10112x128xf32, #tpu.memory_space<vmem_shared>> -> memref<96x128xf32, #tpu.memory_space<vmem_shared>>
      %dma_start3A_97 = arith.constant 0 : i32
      %dma_start3A_98 = tpu.memref_slice %arg17[%add3A_14, %dma_start3A_97] : memref<10112x128xf32, #tpu.memory_space<vmem_shared>> -> memref<96x128xf32, #tpu.memory_space<vmem_shared>>
      tpu.enqueue_dma source(%arg15 : memref<96x128xf32, #tpu.memory_space<vmem>>) target(%dma_start3A_98 : memref<96x128xf32, #tpu.memory_space<vmem_shared>>) target_semaphore(%run_scoped3A : memref<!tpu.dma_semaphore, #tpu.memory_space<semaphore_mem>>)
      %dma_wait3A_99 = arith.constant 0 : i32
      %dma_wait3A_100 = tpu.memref_slice %arg17[%add3A_14, %dma_wait3A_99] : memref<10112x128xf32, #tpu.memory_space<vmem_shared>> -> memref<96x128xf32, #tpu.memory_space<vmem_shared>>
      %dma_wait3A_101 = arith.constant 0 : i32
      %dma_wait3A_102 = tpu.memref_slice %arg17[%add3A_14, %dma_wait3A_101] : memref<10112x128xf32, #tpu.memory_space<vmem_shared>> -> memref<96x128xf32, #tpu.memory_space<vmem_shared>>
      tpu.wait_dma2 semaphore(%run_scoped3A : memref<!tpu.dma_semaphore, #tpu.memory_space<semaphore_mem>>) src(%arg15 : memref<96x128xf32, #tpu.memory_space<vmem>>) dst(%dma_wait3A_102 : memref<96x128xf32, #tpu.memory_space<vmem_shared>>)
      tpu.yield
    }) : () -> ()
    %mul3A_15 = arith.constant 632 : i32
    %mul3A_16 = arith.muli %arg1, %mul3A_15 : i32
    %add3A_17 = arith.constant 96 : i32
    %add3A_18 = arith.addi %mul3A_16, %add3A_17 : i32
    "tpu.region"() ({
      %run_scoped3A = tpu.sem_alloc : memref<!tpu.dma_semaphore, #tpu.memory_space<semaphore_mem>>
      %dma_start3A_95 = arith.constant 0 : i32
      %dma_start3A_96 = tpu.memref_slice %arg17[%add3A_18, %dma_start3A_95] : memref<10112x128xf32, #tpu.memory_space<vmem_shared>> -> memref<96x128xf32, #tpu.memory_space<vmem_shared>>
      %dma_start3A_97 = arith.constant 0 : i32
      %dma_start3A_98 = tpu.memref_slice %arg17[%add3A_18, %dma_start3A_97] : memref<10112x128xf32, #tpu.memory_space<vmem_shared>> -> memref<96x128xf32, #tpu.memory_space<vmem_shared>>
      tpu.enqueue_dma source(%arg15 : memref<96x128xf32, #tpu.memory_space<vmem>>) target(%dma_start3A_98 : memref<96x128xf32, #tpu.memory_space<vmem_shared>>) target_semaphore(%run_scoped3A : memref<!tpu.dma_semaphore, #tpu.memory_space<semaphore_mem>>)
      %dma_wait3A_99 = arith.constant 0 : i32
      %dma_wait3A_100 = tpu.memref_slice %arg17[%add3A_18, %dma_wait3A_99] : memref<10112x128xf32, #tpu.memory_space<vmem_shared>> -> memref<96x128xf32, #tpu.memory_space<vmem_shared>>
      %dma_wait3A_101 = arith.constant 0 : i32
      %dma_wait3A_102 = tpu.memref_slice %arg17[%add3A_18, %dma_wait3A_101] : memref<10112x128xf32, #tpu.memory_space<vmem_shared>> -> memref<96x128xf32, #tpu.memory_space<vmem_shared>>
      tpu.wait_dma2 semaphore(%run_scoped3A : memref<!tpu.dma_semaphore, #tpu.memory_space<semaphore_mem>>) src(%arg15 : memref<96x128xf32, #tpu.memory_space<vmem>>) dst(%dma_wait3A_102 : memref<96x128xf32, #tpu.memory_space<vmem_shared>>)
      tpu.yield
    }) : () -> ()
    %mul3A_19 = arith.constant 632 : i32
    %mul3A_20 = arith.muli %arg1, %mul3A_19 : i32
    %add3A_21 = arith.constant 192 : i32
    %add3A_22 = arith.addi %mul3A_20, %add3A_21 : i32
    "tpu.region"() ({
      %run_scoped3A = tpu.sem_alloc : memref<!tpu.dma_semaphore, #tpu.memory_space<semaphore_mem>>
      %dma_start3A_95 = arith.constant 0 : i32
      %dma_start3A_96 = tpu.memref_slice %arg17[%add3A_22, %dma_start3A_95] : memref<10112x128xf32, #tpu.memory_space<vmem_shared>> -> memref<96x128xf32, #tpu.memory_space<vmem_shared>>
      %dma_start3A_97 = arith.constant 0 : i32
      %dma_start3A_98 = tpu.memref_slice %arg17[%add3A_22, %dma_start3A_97] : memref<10112x128xf32, #tpu.memory_space<vmem_shared>> -> memref<96x128xf32, #tpu.memory_space<vmem_shared>>
      tpu.enqueue_dma source(%arg15 : memref<96x128xf32, #tpu.memory_space<vmem>>) target(%dma_start3A_98 : memref<96x128xf32, #tpu.memory_space<vmem_shared>>) target_semaphore(%run_scoped3A : memref<!tpu.dma_semaphore, #tpu.memory_space<semaphore_mem>>)
      %dma_wait3A_99 = arith.constant 0 : i32
      %dma_wait3A_100 = tpu.memref_slice %arg17[%add3A_22, %dma_wait3A_99] : memref<10112x128xf32, #tpu.memory_space<vmem_shared>> -> memref<96x128xf32, #tpu.memory_space<vmem_shared>>
      %dma_wait3A_101 = arith.constant 0 : i32
      %dma_wait3A_102 = tpu.memref_slice %arg17[%add3A_22, %dma_wait3A_101] : memref<10112x128xf32, #tpu.memory_space<vmem_shared>> -> memref<96x128xf32, #tpu.memory_space<vmem_shared>>
      tpu.wait_dma2 semaphore(%run_scoped3A : memref<!tpu.dma_semaphore, #tpu.memory_space<semaphore_mem>>) src(%arg15 : memref<96x128xf32, #tpu.memory_space<vmem>>) dst(%dma_wait3A_102 : memref<96x128xf32, #tpu.memory_space<vmem_shared>>)
      tpu.yield
    }) : () -> ()
    %mul3A_23 = arith.constant 632 : i32
    %mul3A_24 = arith.muli %arg1, %mul3A_23 : i32
    %add3A_25 = arith.constant 288 : i32
    %add3A_26 = arith.addi %mul3A_24, %add3A_25 : i32
    "tpu.region"() ({
      %run_scoped3A = tpu.sem_alloc : memref<!tpu.dma_semaphore, #tpu.memory_space<semaphore_mem>>
      %dma_start3A_95 = arith.constant 0 : i32
      %dma_start3A_96 = tpu.memref_slice %arg17[%add3A_26, %dma_start3A_95] : memref<10112x128xf32, #tpu.memory_space<vmem_shared>> -> memref<96x128xf32, #tpu.memory_space<vmem_shared>>
      %dma_start3A_97 = arith.constant 0 : i32
      %dma_start3A_98 = tpu.memref_slice %arg17[%add3A_26, %dma_start3A_97] : memref<10112x128xf32, #tpu.memory_space<vmem_shared>> -> memref<96x128xf32, #tpu.memory_space<vmem_shared>>
      tpu.enqueue_dma source(%arg15 : memref<96x128xf32, #tpu.memory_space<vmem>>) target(%dma_start3A_98 : memref<96x128xf32, #tpu.memory_space<vmem_shared>>) target_semaphore(%run_scoped3A : memref<!tpu.dma_semaphore, #tpu.memory_space<semaphore_mem>>)
      %dma_wait3A_99 = arith.constant 0 : i32
      %dma_wait3A_100 = tpu.memref_slice %arg17[%add3A_26, %dma_wait3A_99] : memref<10112x128xf32, #tpu.memory_space<vmem_shared>> -> memref<96x128xf32, #tpu.memory_space<vmem_shared>>
      %dma_wait3A_101 = arith.constant 0 : i32
      %dma_wait3A_102 = tpu.memref_slice %arg17[%add3A_26, %dma_wait3A_101] : memref<10112x128xf32, #tpu.memory_space<vmem_shared>> -> memref<96x128xf32, #tpu.memory_space<vmem_shared>>
      tpu.wait_dma2 semaphore(%run_scoped3A : memref<!tpu.dma_semaphore, #tpu.memory_space<semaphore_mem>>) src(%arg15 : memref<96x128xf32, #tpu.memory_space<vmem>>) dst(%dma_wait3A_102 : memref<96x128xf32, #tpu.memory_space<vmem_shared>>)
      tpu.yield
    }) : () -> ()
    %mul3A_27 = arith.constant 632 : i32
    %mul3A_28 = arith.muli %arg1, %mul3A_27 : i32
    %add3A_29 = arith.constant 384 : i32
    %add3A_30 = arith.addi %mul3A_28, %add3A_29 : i32
    "tpu.region"() ({
      %run_scoped3A = tpu.sem_alloc : memref<!tpu.dma_semaphore, #tpu.memory_space<semaphore_mem>>
      %dma_start3A_95 = arith.constant 0 : i32
      %dma_start3A_96 = tpu.memref_slice %arg17[%add3A_30, %dma_start3A_95] : memref<10112x128xf32, #tpu.memory_space<vmem_shared>> -> memref<96x128xf32, #tpu.memory_space<vmem_shared>>
      %dma_start3A_97 = arith.constant 0 : i32
      %dma_start3A_98 = tpu.memref_slice %arg17[%add3A_30, %dma_start3A_97] : memref<10112x128xf32, #tpu.memory_space<vmem_shared>> -> memref<96x128xf32, #tpu.memory_space<vmem_shared>>
      tpu.enqueue_dma source(%arg15 : memref<96x128xf32, #tpu.memory_space<vmem>>) target(%dma_start3A_98 : memref<96x128xf32, #tpu.memory_space<vmem_shared>>) target_semaphore(%run_scoped3A : memref<!tpu.dma_semaphore, #tpu.memory_space<semaphore_mem>>)
      %dma_wait3A_99 = arith.constant 0 : i32
      %dma_wait3A_100 = tpu.memref_slice %arg17[%add3A_30, %dma_wait3A_99] : memref<10112x128xf32, #tpu.memory_space<vmem_shared>> -> memref<96x128xf32, #tpu.memory_space<vmem_shared>>
      %dma_wait3A_101 = arith.constant 0 : i32
      %dma_wait3A_102 = tpu.memref_slice %arg17[%add3A_30, %dma_wait3A_101] : memref<10112x128xf32, #tpu.memory_space<vmem_shared>> -> memref<96x128xf32, #tpu.memory_space<vmem_shared>>
      tpu.wait_dma2 semaphore(%run_scoped3A : memref<!tpu.dma_semaphore, #tpu.memory_space<semaphore_mem>>) src(%arg15 : memref<96x128xf32, #tpu.memory_space<vmem>>) dst(%dma_wait3A_102 : memref<96x128xf32, #tpu.memory_space<vmem_shared>>)
      tpu.yield
    }) : () -> ()
    %mul3A_31 = arith.constant 632 : i32
    %mul3A_32 = arith.muli %arg1, %mul3A_31 : i32
    %add3A_33 = arith.constant 480 : i32
    %add3A_34 = arith.addi %mul3A_32, %add3A_33 : i32
    "tpu.region"() ({
      %run_scoped3A = tpu.sem_alloc : memref<!tpu.dma_semaphore, #tpu.memory_space<semaphore_mem>>
      %dma_start3A_95 = arith.constant 0 : i32
      %dma_start3A_96 = tpu.memref_slice %arg17[%add3A_34, %dma_start3A_95] : memref<10112x128xf32, #tpu.memory_space<vmem_shared>> -> memref<96x128xf32, #tpu.memory_space<vmem_shared>>
      %dma_start3A_97 = arith.constant 0 : i32
      %dma_start3A_98 = tpu.memref_slice %arg17[%add3A_34, %dma_start3A_97] : memref<10112x128xf32, #tpu.memory_space<vmem_shared>> -> memref<96x128xf32, #tpu.memory_space<vmem_shared>>
      tpu.enqueue_dma source(%arg15 : memref<96x128xf32, #tpu.memory_space<vmem>>) target(%dma_start3A_98 : memref<96x128xf32, #tpu.memory_space<vmem_shared>>) target_semaphore(%run_scoped3A : memref<!tpu.dma_semaphore, #tpu.memory_space<semaphore_mem>>)
      %dma_wait3A_99 = arith.constant 0 : i32
      %dma_wait3A_100 = tpu.memref_slice %arg17[%add3A_34, %dma_wait3A_99] : memref<10112x128xf32, #tpu.memory_space<vmem_shared>> -> memref<96x128xf32, #tpu.memory_space<vmem_shared>>
      %dma_wait3A_101 = arith.constant 0 : i32
      %dma_wait3A_102 = tpu.memref_slice %arg17[%add3A_34, %dma_wait3A_101] : memref<10112x128xf32, #tpu.memory_space<vmem_shared>> -> memref<96x128xf32, #tpu.memory_space<vmem_shared>>
      tpu.wait_dma2 semaphore(%run_scoped3A : memref<!tpu.dma_semaphore, #tpu.memory_space<semaphore_mem>>) src(%arg15 : memref<96x128xf32, #tpu.memory_space<vmem>>) dst(%dma_wait3A_102 : memref<96x128xf32, #tpu.memory_space<vmem_shared>>)
      tpu.yield
    }) : () -> ()
    %mul3A_35 = arith.constant 632 : i32
    %mul3A_36 = arith.muli %arg1, %mul3A_35 : i32
    %add3A_37 = arith.constant 576 : i32
    %add3A_38 = arith.addi %mul3A_36, %add3A_37 : i32
    "tpu.region"() ({
      %run_scoped3A = tpu.sem_alloc : memref<!tpu.dma_semaphore, #tpu.memory_space<semaphore_mem>>
      %dma_start3A_95 = arith.constant 0 : i32
      %dma_start3A_96 = arith.constant 0 : i32
      %dma_start3A_97 = tpu.memref_slice %arg15[%dma_start3A_95, %dma_start3A_96] : memref<96x128xf32, #tpu.memory_space<vmem>> -> memref<56x128xf32, #tpu.memory_space<vmem>>
      %dma_start3A_98 = arith.constant 0 : i32
      %dma_start3A_99 = tpu.memref_slice %arg17[%add3A_38, %dma_start3A_98] : memref<10112x128xf32, #tpu.memory_space<vmem_shared>> -> memref<56x128xf32, #tpu.memory_space<vmem_shared>>
      %dma_start3A_100 = arith.constant 0 : i32
      %dma_start3A_101 = tpu.memref_slice %arg17[%add3A_38, %dma_start3A_100] : memref<10112x128xf32, #tpu.memory_space<vmem_shared>> -> memref<56x128xf32, #tpu.memory_space<vmem_shared>>
      %dma_start3A_102 = arith.constant 0 : i32
      %dma_start3A_103 = arith.constant 0 : i32
      %dma_start3A_104 = tpu.memref_slice %arg15[%dma_start3A_102, %dma_start3A_103] : memref<96x128xf32, #tpu.memory_space<vmem>> -> memref<56x128xf32, #tpu.memory_space<vmem>>
      tpu.enqueue_dma source(%dma_start3A_104 : memref<56x128xf32, #tpu.memory_space<vmem>>) target(%dma_start3A_101 : memref<56x128xf32, #tpu.memory_space<vmem_shared>>) target_semaphore(%run_scoped3A : memref<!tpu.dma_semaphore, #tpu.memory_space<semaphore_mem>>)
      %dma_wait3A_105 = arith.constant 0 : i32
      %dma_wait3A_106 = arith.constant 0 : i32
      %dma_wait3A_107 = tpu.memref_slice %arg15[%dma_wait3A_105, %dma_wait3A_106] : memref<96x128xf32, #tpu.memory_space<vmem>> -> memref<56x128xf32, #tpu.memory_space<vmem>>
      %dma_wait3A_108 = arith.constant 0 : i32
      %dma_wait3A_109 = tpu.memref_slice %arg17[%add3A_38, %dma_wait3A_108] : memref<10112x128xf32, #tpu.memory_space<vmem_shared>> -> memref<56x128xf32, #tpu.memory_space<vmem_shared>>
      %dma_wait3A_110 = arith.constant 0 : i32
      %dma_wait3A_111 = tpu.memref_slice %arg17[%add3A_38, %dma_wait3A_110] : memref<10112x128xf32, #tpu.memory_space<vmem_shared>> -> memref<56x128xf32, #tpu.memory_space<vmem_shared>>
      %dma_wait3A_112 = arith.constant 0 : i32
      %dma_wait3A_113 = arith.constant 0 : i32
      %dma_wait3A_114 = tpu.memref_slice %arg15[%dma_wait3A_112, %dma_wait3A_113] : memref<96x128xf32, #tpu.memory_space<vmem>> -> memref<56x128xf32, #tpu.memory_space<vmem>>
      tpu.wait_dma2 semaphore(%run_scoped3A : memref<!tpu.dma_semaphore, #tpu.memory_space<semaphore_mem>>) src(%dma_wait3A_114 : memref<56x128xf32, #tpu.memory_space<vmem>>) dst(%dma_wait3A_111 : memref<56x128xf32, #tpu.memory_space<vmem_shared>>)
      tpu.yield
    }) : () -> ()
    %barrier3A = arith.constant 0 : index
    tpu.barrier barrier_id(%barrier3A)
    %dma_start3A = arith.constant 0 : i32
    %dma_start3A_39 = arith.constant 0 : i32
    %dma_start3A_40 = arith.constant 0 : i32
    %dma_start3A_41 = tpu.memref_slice %arg2[%add3A, %dma_start3A, %dma_start3A_39, %dma_start3A_40] : memref<32x106x2x96xi32, #tpu.memory_space<hbm>> -> memref<1x1x2x96xi32, #tpu.memory_space<hbm>>
    %dma_start3A_42 = tpu.memref_squeeze %dma_start3A_41 : memref<1x1x2x96xi32, #tpu.memory_space<hbm>> -> memref<2x96xi32, #tpu.memory_space<hbm>>
    %dma_start3A_43 = arith.constant 0 : i32
    %dma_start3A_44 = arith.constant 0 : i32
    %dma_start3A_45 = tpu.memref_slice %arg2[%add3A, %dma_start3A, %dma_start3A_43, %dma_start3A_44] : memref<32x106x2x96xi32, #tpu.memory_space<hbm>> -> memref<1x1x2x96xi32, #tpu.memory_space<hbm>>
    %dma_start3A_46 = tpu.memref_squeeze %dma_start3A_45 : memref<1x1x2x96xi32, #tpu.memory_space<hbm>> -> memref<2x96xi32, #tpu.memory_space<hbm>>
    tpu.enqueue_dma source(%dma_start3A_46 : memref<2x96xi32, #tpu.memory_space<hbm>>) target(%arg9 : memref<2x96xi32, #tpu.memory_space<vmem>>) target_semaphore(%arg18 : memref<!tpu.dma_semaphore, #tpu.memory_space<semaphore_mem>>)
    %dma_start3A_47 = arith.constant 1 : i32
    %dma_start3A_48 = arith.constant 0 : i32
    %dma_start3A_49 = arith.constant 0 : i32
    %dma_start3A_50 = tpu.memref_slice %arg2[%add3A, %dma_start3A_47, %dma_start3A_48, %dma_start3A_49] : memref<32x106x2x96xi32, #tpu.memory_space<hbm>> -> memref<1x1x2x96xi32, #tpu.memory_space<hbm>>
    %dma_start3A_51 = tpu.memref_squeeze %dma_start3A_50 : memref<1x1x2x96xi32, #tpu.memory_space<hbm>> -> memref<2x96xi32, #tpu.memory_space<hbm>>
    %dma_start3A_52 = arith.constant 0 : i32
    %dma_start3A_53 = arith.constant 0 : i32
    %dma_start3A_54 = tpu.memref_slice %arg2[%add3A, %dma_start3A_47, %dma_start3A_52, %dma_start3A_53] : memref<32x106x2x96xi32, #tpu.memory_space<hbm>> -> memref<1x1x2x96xi32, #tpu.memory_space<hbm>>
    %dma_start3A_55 = tpu.memref_squeeze %dma_start3A_54 : memref<1x1x2x96xi32, #tpu.memory_space<hbm>> -> memref<2x96xi32, #tpu.memory_space<hbm>>
    tpu.enqueue_dma source(%dma_start3A_55 : memref<2x96xi32, #tpu.memory_space<hbm>>) target(%arg10 : memref<2x96xi32, #tpu.memory_space<vmem>>) target_semaphore(%arg19 : memref<!tpu.dma_semaphore, #tpu.memory_space<semaphore_mem>>)
    %dma_wait3A = arith.constant 0 : i32
    %dma_wait3A_56 = arith.constant 0 : i32
    %dma_wait3A_57 = arith.constant 0 : i32
    %dma_wait3A_58 = tpu.memref_slice %arg2[%add3A, %dma_wait3A, %dma_wait3A_56, %dma_wait3A_57] : memref<32x106x2x96xi32, #tpu.memory_space<hbm>> -> memref<1x1x2x96xi32, #tpu.memory_space<hbm>>
    %dma_wait3A_59 = tpu.memref_squeeze %dma_wait3A_58 : memref<1x1x2x96xi32, #tpu.memory_space<hbm>> -> memref<2x96xi32, #tpu.memory_space<hbm>>
    %dma_wait3A_60 = arith.constant 0 : i32
    %dma_wait3A_61 = arith.constant 0 : i32
    %dma_wait3A_62 = tpu.memref_slice %arg2[%add3A, %dma_wait3A, %dma_wait3A_60, %dma_wait3A_61] : memref<32x106x2x96xi32, #tpu.memory_space<hbm>> -> memref<1x1x2x96xi32, #tpu.memory_space<hbm>>
    %dma_wait3A_63 = tpu.memref_squeeze %dma_wait3A_62 : memref<1x1x2x96xi32, #tpu.memory_space<hbm>> -> memref<2x96xi32, #tpu.memory_space<hbm>>
    tpu.wait_dma2 semaphore(%arg18 : memref<!tpu.dma_semaphore, #tpu.memory_space<semaphore_mem>>) src(%dma_wait3A_63 : memref<2x96xi32, #tpu.memory_space<hbm>>) dst(%arg9 : memref<2x96xi32, #tpu.memory_space<vmem>>)
    %dma_start3A_64 = arith.constant 0 : i32
    %dma_start3A_65 = arith.constant 0 : i32
    %dma_start3A_66 = tpu.memref_slice %arg9[%dma_start3A_64, %dma_start3A_65] : memref<2x96xi32, #tpu.memory_space<vmem>> -> memref<1x96xi32, #tpu.memory_space<vmem>>
    %dma_start3A_67 = tpu.memref_squeeze %dma_start3A_66 : memref<1x96xi32, #tpu.memory_space<vmem>> -> memref<96xi32, #tpu.memory_space<vmem>>
    %dma_start3A_68 = arith.constant 0 : i32
    %dma_start3A_69 = arith.constant 0 : i32
    %dma_start3A_70 = tpu.memref_slice %arg5[%dma_start3A_68, %dma_start3A_69] : memref<10112x128xf32, #tpu.memory_space<hbm>> -> memref<10112x128xf32, #tpu.memory_space<hbm>>
    tpu.enqueue_indirect_dma source(%dma_start3A_70 : memref<10112x128xf32, #tpu.memory_space<hbm>>) target(%arg15 : memref<96x128xf32, #tpu.memory_space<vmem>>) offsets(%dma_start3A_67 : memref<96xi32, #tpu.memory_space<vmem>>) semaphore(%arg20 : memref<!tpu.dma_semaphore, #tpu.memory_space<semaphore_mem>>)
    %scan3A_71 = arith.constant 0 : i32
    %scan3A_72 = arith.constant 53 : i32
    %scan3A_73 = arith.addi %scan3A_71, %scan3A_72 : i32
    %scan3A_74 = arith.constant 1 : i32
    scf.for %scan3A_95 = %scan3A_71 to %scan3A_73 step %scan3A_74  : i32 {
      %mul3A_96 = arith.constant 2 : i32
      %mul3A_97 = arith.muli %scan3A_95, %mul3A_96 : i32
      %add3A_98 = arith.constant 0 : i32
      %add3A_99 = arith.addi %add3A_98, %mul3A_97 : i32
      %get3A = arith.constant 0 : i32
      %get3A_100 = arith.index_cast %get3A : i32 to index
      %get3A_101 = arith.constant 0 : index
      %get3A_102 = tpu.vector_load %arg9[%get3A_100, %get3A_101] {strides = array<i32>} : memref<2x96xi32, #tpu.memory_space<vmem>>, vector<16xi32>,
      %get3A_103 = arith.constant 1 : i32
      %get3A_104 = arith.index_cast %get3A_103 : i32 to index
      %get3A_105 = arith.constant 0 : index
      %get3A_106 = tpu.vector_load %arg9[%get3A_104, %get3A_105] {strides = array<i32>} : memref<2x96xi32, #tpu.memory_space<vmem>>, vector<16xi32>,
      %swap3A = arith.constant 0 : i32
      %swap3A_107 = arith.index_cast %swap3A : i32 to index
      %swap3A_108 = arith.constant 0 : index
      %swap3A_109 = tpu.vector_load %arg11[%swap3A_107, %swap3A_108] {strides = array<i32>} : memref<1x96xi32, #tpu.memory_space<vmem>>, vector<16xi32>,
      tpu.vector_store %arg11[%swap3A_107, %swap3A_108], %get3A_106 {strides = array<i32>} : memref<1x96xi32, #tpu.memory_space<vmem>>, vector<16xi32>,
      %gather3A = tpu.vector_load_idx %arg7[%get3A_102] : memref<10112xf32, #tpu.memory_space<vmem>>[vector<16xi32>], vector<16xf32>,
      %gather3A_110 = tpu.vector_load_idx %arg8[%get3A_106] : memref<10112xf32, #tpu.memory_space<vmem>>[vector<16xi32>], vector<16xf32>,
      %add3A_111 = arith.addf %gather3A, %gather3A_110 : vector<16xf32>
      %ge3A = arith.constant 0.000000e+00 : f32
      %ge3A_112 = vector.broadcast %ge3A : f32 to vector<16xf32>
      %ge3A_113 = arith.cmpf oge, %add3A_111, %ge3A_112 : vector<16xf32>
      %mul3A_114 = arith.constant 2.000000e-01 : f32
      %mul3A_115 = vector.broadcast %mul3A_114 : f32 to vector<16xf32>
      %mul3A_116 = arith.mulf %mul3A_115, %add3A_111 : vector<16xf32>
      %select_n3A_117 = arith.select %ge3A_113, %add3A_111, %mul3A_116 : vector<16xi1>, vector<16xf32>
      %exp3A = math.exp %select_n3A_117 : vector<16xf32>
      %swap3A_118 = arith.constant 0 : index
      %swap3A_119 = tpu.vector_load %arg13[%swap3A_118] {strides = array<i32>} : memref<96xf32, #tpu.memory_space<vmem>>, vector<16xf32>,
      tpu.vector_store %arg13[%swap3A_118], %exp3A {strides = array<i32>} : memref<96xf32, #tpu.memory_space<vmem>>, vector<16xf32>,
      %get3A_120 = arith.constant 0 : i32
      %get3A_121 = arith.index_cast %get3A_120 : i32 to index
      %get3A_122 = arith.constant 16 : index
      %get3A_123 = tpu.vector_load %arg9[%get3A_121, %get3A_122] {strides = array<i32>} : memref<2x96xi32, #tpu.memory_space<vmem>>, vector<16xi32>,
      %get3A_124 = arith.constant 1 : i32
      %get3A_125 = arith.index_cast %get3A_124 : i32 to index
      %get3A_126 = arith.constant 16 : index
      %get3A_127 = tpu.vector_load %arg9[%get3A_125, %get3A_126] {strides = array<i32>} : memref<2x96xi32, #tpu.memory_space<vmem>>, vector<16xi32>,
      %swap3A_128 = arith.constant 0 : i32
      %swap3A_129 = arith.index_cast %swap3A_128 : i32 to index
      %swap3A_130 = arith.constant 16 : index
      %swap3A_131 = tpu.vector_load %arg11[%swap3A_129, %swap3A_130] {strides = array<i32>} : memref<1x96xi32, #tpu.memory_space<vmem>>, vector<16xi32>,
      tpu.vector_store %arg11[%swap3A_129, %swap3A_130], %get3A_127 {strides = array<i32>} : memref<1x96xi32, #tpu.memory_space<vmem>>, vector<16xi32>,
      %gather3A_132 = tpu.vector_load_idx %arg7[%get3A_123] : memref<10112xf32, #tpu.memory_space<vmem>>[vector<16xi32>], vector<16xf32>,
      %gather3A_133 = tpu.vector_load_idx %arg8[%get3A_127] : memref<10112xf32, #tpu.memory_space<vmem>>[vector<16xi32>], vector<16xf32>,
      %add3A_134 = arith.addf %gather3A_132, %gather3A_133 : vector<16xf32>
      %ge3A_135 = arith.constant 0.000000e+00 : f32
      %ge3A_136 = vector.broadcast %ge3A_135 : f32 to vector<16xf32>
      %ge3A_137 = arith.cmpf oge, %add3A_134, %ge3A_136 : vector<16xf32>
      %mul3A_138 = arith.constant 2.000000e-01 : f32
      %mul3A_139 = vector.broadcast %mul3A_138 : f32 to vector<16xf32>
      %mul3A_140 = arith.mulf %mul3A_139, %add3A_134 : vector<16xf32>
      %select_n3A_141 = arith.select %ge3A_137, %add3A_134, %mul3A_140 : vector<16xi1>, vector<16xf32>
      %exp3A_142 = math.exp %select_n3A_141 : vector<16xf32>
      %swap3A_143 = arith.constant 16 : index
      %swap3A_144 = tpu.vector_load %arg13[%swap3A_143] {strides = array<i32>} : memref<96xf32, #tpu.memory_space<vmem>>, vector<16xf32>,
      tpu.vector_store %arg13[%swap3A_143], %exp3A_142 {strides = array<i32>} : memref<96xf32, #tpu.memory_space<vmem>>, vector<16xf32>,
      %get3A_145 = arith.constant 0 : i32
      %get3A_146 = arith.index_cast %get3A_145 : i32 to index
      %get3A_147 = arith.constant 32 : index
      %get3A_148 = tpu.vector_load %arg9[%get3A_146, %get3A_147] {strides = array<i32>} : memref<2x96xi32, #tpu.memory_space<vmem>>, vector<16xi32>,
      %get3A_149 = arith.constant 1 : i32
      %get3A_150 = arith.index_cast %get3A_149 : i32 to index
      %get3A_151 = arith.constant 32 : index
      %get3A_152 = tpu.vector_load %arg9[%get3A_150, %get3A_151] {strides = array<i32>} : memref<2x96xi32, #tpu.memory_space<vmem>>, vector<16xi32>,
      %swap3A_153 = arith.constant 0 : i32
      %swap3A_154 = arith.index_cast %swap3A_153 : i32 to index
      %swap3A_155 = arith.constant 32 : index
      %swap3A_156 = tpu.vector_load %arg11[%swap3A_154, %swap3A_155] {strides = array<i32>} : memref<1x96xi32, #tpu.memory_space<vmem>>, vector<16xi32>,
      tpu.vector_store %arg11[%swap3A_154, %swap3A_155], %get3A_152 {strides = array<i32>} : memref<1x96xi32, #tpu.memory_space<vmem>>, vector<16xi32>,
      %gather3A_157 = tpu.vector_load_idx %arg7[%get3A_148] : memref<10112xf32, #tpu.memory_space<vmem>>[vector<16xi32>], vector<16xf32>,
      %gather3A_158 = tpu.vector_load_idx %arg8[%get3A_152] : memref<10112xf32, #tpu.memory_space<vmem>>[vector<16xi32>], vector<16xf32>,
      %add3A_159 = arith.addf %gather3A_157, %gather3A_158 : vector<16xf32>
      %ge3A_160 = arith.constant 0.000000e+00 : f32
      %ge3A_161 = vector.broadcast %ge3A_160 : f32 to vector<16xf32>
      %ge3A_162 = arith.cmpf oge, %add3A_159, %ge3A_161 : vector<16xf32>
      %mul3A_163 = arith.constant 2.000000e-01 : f32
      %mul3A_164 = vector.broadcast %mul3A_163 : f32 to vector<16xf32>
      %mul3A_165 = arith.mulf %mul3A_164, %add3A_159 : vector<16xf32>
      %select_n3A_166 = arith.select %ge3A_162, %add3A_159, %mul3A_165 : vector<16xi1>, vector<16xf32>
      %exp3A_167 = math.exp %select_n3A_166 : vector<16xf32>
      %swap3A_168 = arith.constant 32 : index
      %swap3A_169 = tpu.vector_load %arg13[%swap3A_168] {strides = array<i32>} : memref<96xf32, #tpu.memory_space<vmem>>, vector<16xf32>,
      tpu.vector_store %arg13[%swap3A_168], %exp3A_167 {strides = array<i32>} : memref<96xf32, #tpu.memory_space<vmem>>, vector<16xf32>,
      %get3A_170 = arith.constant 0 : i32
      %get3A_171 = arith.index_cast %get3A_170 : i32 to index
      %get3A_172 = arith.constant 48 : index
      %get3A_173 = tpu.vector_load %arg9[%get3A_171, %get3A_172] {strides = array<i32>} : memref<2x96xi32, #tpu.memory_space<vmem>>, vector<16xi32>,
      %get3A_174 = arith.constant 1 : i32
      %get3A_175 = arith.index_cast %get3A_174 : i32 to index
      %get3A_176 = arith.constant 48 : index
      %get3A_177 = tpu.vector_load %arg9[%get3A_175, %get3A_176] {strides = array<i32>} : memref<2x96xi32, #tpu.memory_space<vmem>>, vector<16xi32>,
      %swap3A_178 = arith.constant 0 : i32
      %swap3A_179 = arith.index_cast %swap3A_178 : i32 to index
      %swap3A_180 = arith.constant 48 : index
      %swap3A_181 = tpu.vector_load %arg11[%swap3A_179, %swap3A_180] {strides = array<i32>} : memref<1x96xi32, #tpu.memory_space<vmem>>, vector<16xi32>,
      tpu.vector_store %arg11[%swap3A_179, %swap3A_180], %get3A_177 {strides = array<i32>} : memref<1x96xi32, #tpu.memory_space<vmem>>, vector<16xi32>,
      %gather3A_182 = tpu.vector_load_idx %arg7[%get3A_173] : memref<10112xf32, #tpu.memory_space<vmem>>[vector<16xi32>], vector<16xf32>,
      %gather3A_183 = tpu.vector_load_idx %arg8[%get3A_177] : memref<10112xf32, #tpu.memory_space<vmem>>[vector<16xi32>], vector<16xf32>,
      %add3A_184 = arith.addf %gather3A_182, %gather3A_183 : vector<16xf32>
      %ge3A_185 = arith.constant 0.000000e+00 : f32
      %ge3A_186 = vector.broadcast %ge3A_185 : f32 to vector<16xf32>
      %ge3A_187 = arith.cmpf oge, %add3A_184, %ge3A_186 : vector<16xf32>
      %mul3A_188 = arith.constant 2.000000e-01 : f32
      %mul3A_189 = vector.broadcast %mul3A_188 : f32 to vector<16xf32>
      %mul3A_190 = arith.mulf %mul3A_189, %add3A_184 : vector<16xf32>
      %select_n3A_191 = arith.select %ge3A_187, %add3A_184, %mul3A_190 : vector<16xi1>, vector<16xf32>
      %exp3A_192 = math.exp %select_n3A_191 : vector<16xf32>
      %swap3A_193 = arith.constant 48 : index
      %swap3A_194 = tpu.vector_load %arg13[%swap3A_193] {strides = array<i32>} : memref<96xf32, #tpu.memory_space<vmem>>, vector<16xf32>,
      tpu.vector_store %arg13[%swap3A_193], %exp3A_192 {strides = array<i32>} : memref<96xf32, #tpu.memory_space<vmem>>, vector<16xf32>,
      %get3A_195 = arith.constant 0 : i32
      %get3A_196 = arith.index_cast %get3A_195 : i32 to index
      %get3A_197 = arith.constant 64 : index
      %get3A_198 = tpu.vector_load %arg9[%get3A_196, %get3A_197] {strides = array<i32>} : memref<2x96xi32, #tpu.memory_space<vmem>>, vector<16xi32>,
      %get3A_199 = arith.constant 1 : i32
      %get3A_200 = arith.index_cast %get3A_199 : i32 to index
      %get3A_201 = arith.constant 64 : index
      %get3A_202 = tpu.vector_load %arg9[%get3A_200, %get3A_201] {strides = array<i32>} : memref<2x96xi32, #tpu.memory_space<vmem>>, vector<16xi32>,
      %swap3A_203 = arith.constant 0 : i32
      %swap3A_204 = arith.index_cast %swap3A_203 : i32 to index
      %swap3A_205 = arith.constant 64 : index
      %swap3A_206 = tpu.vector_load %arg11[%swap3A_204, %swap3A_205] {strides = array<i32>} : memref<1x96xi32, #tpu.memory_space<vmem>>, vector<16xi32>,
      tpu.vector_store %arg11[%swap3A_204, %swap3A_205], %get3A_202 {strides = array<i32>} : memref<1x96xi32, #tpu.memory_space<vmem>>, vector<16xi32>,
      %gather3A_207 = tpu.vector_load_idx %arg7[%get3A_198] : memref<10112xf32, #tpu.memory_space<vmem>>[vector<16xi32>], vector<16xf32>,
      %gather3A_208 = tpu.vector_load_idx %arg8[%get3A_202] : memref<10112xf32, #tpu.memory_space<vmem>>[vector<16xi32>], vector<16xf32>,
      %add3A_209 = arith.addf %gather3A_207, %gather3A_208 : vector<16xf32>
      %ge3A_210 = arith.constant 0.000000e+00 : f32
      %ge3A_211 = vector.broadcast %ge3A_210 : f32 to vector<16xf32>
      %ge3A_212 = arith.cmpf oge, %add3A_209, %ge3A_211 : vector<16xf32>
      %mul3A_213 = arith.constant 2.000000e-01 : f32
      %mul3A_214 = vector.broadcast %mul3A_213 : f32 to vector<16xf32>
      %mul3A_215 = arith.mulf %mul3A_214, %add3A_209 : vector<16xf32>
      %select_n3A_216 = arith.select %ge3A_212, %add3A_209, %mul3A_215 : vector<16xi1>, vector<16xf32>
      %exp3A_217 = math.exp %select_n3A_216 : vector<16xf32>
      %swap3A_218 = arith.constant 64 : index
      %swap3A_219 = tpu.vector_load %arg13[%swap3A_218] {strides = array<i32>} : memref<96xf32, #tpu.memory_space<vmem>>, vector<16xf32>,
      tpu.vector_store %arg13[%swap3A_218], %exp3A_217 {strides = array<i32>} : memref<96xf32, #tpu.memory_space<vmem>>, vector<16xf32>,
      %get3A_220 = arith.constant 0 : i32
      %get3A_221 = arith.index_cast %get3A_220 : i32 to index
      %get3A_222 = arith.constant 80 : index
      %get3A_223 = tpu.vector_load %arg9[%get3A_221, %get3A_222] {strides = array<i32>} : memref<2x96xi32, #tpu.memory_space<vmem>>, vector<16xi32>,
      %get3A_224 = arith.constant 1 : i32
      %get3A_225 = arith.index_cast %get3A_224 : i32 to index
      %get3A_226 = arith.constant 80 : index
      %get3A_227 = tpu.vector_load %arg9[%get3A_225, %get3A_226] {strides = array<i32>} : memref<2x96xi32, #tpu.memory_space<vmem>>, vector<16xi32>,
      %swap3A_228 = arith.constant 0 : i32
      %swap3A_229 = arith.index_cast %swap3A_228 : i32 to index
      %swap3A_230 = arith.constant 80 : index
      %swap3A_231 = tpu.vector_load %arg11[%swap3A_229, %swap3A_230] {strides = array<i32>} : memref<1x96xi32, #tpu.memory_space<vmem>>, vector<16xi32>,
      tpu.vector_store %arg11[%swap3A_229, %swap3A_230], %get3A_227 {strides = array<i32>} : memref<1x96xi32, #tpu.memory_space<vmem>>, vector<16xi32>,
      %gather3A_232 = tpu.vector_load_idx %arg7[%get3A_223] : memref<10112xf32, #tpu.memory_space<vmem>>[vector<16xi32>], vector<16xf32>,
      %gather3A_233 = tpu.vector_load_idx %arg8[%get3A_227] : memref<10112xf32, #tpu.memory_space<vmem>>[vector<16xi32>], vector<16xf32>,
      %add3A_234 = arith.addf %gather3A_232, %gather3A_233 : vector<16xf32>
      %ge3A_235 = arith.constant 0.000000e+00 : f32
      %ge3A_236 = vector.broadcast %ge3A_235 : f32 to vector<16xf32>
      %ge3A_237 = arith.cmpf oge, %add3A_234, %ge3A_236 : vector<16xf32>
      %mul3A_238 = arith.constant 2.000000e-01 : f32
      %mul3A_239 = vector.broadcast %mul3A_238 : f32 to vector<16xf32>
      %mul3A_240 = arith.mulf %mul3A_239, %add3A_234 : vector<16xf32>
      %select_n3A_241 = arith.select %ge3A_237, %add3A_234, %mul3A_240 : vector<16xi1>, vector<16xf32>
      %exp3A_242 = math.exp %select_n3A_241 : vector<16xf32>
      %swap3A_243 = arith.constant 80 : index
      %swap3A_244 = tpu.vector_load %arg13[%swap3A_243] {strides = array<i32>} : memref<96xf32, #tpu.memory_space<vmem>>, vector<16xf32>,
      tpu.vector_store %arg13[%swap3A_243], %exp3A_242 {strides = array<i32>} : memref<96xf32, #tpu.memory_space<vmem>>, vector<16xf32>,
      %dma_wait3A_245 = arith.constant 0 : i32
      %dma_wait3A_246 = arith.constant 0 : i32
      %dma_wait3A_247 = tpu.memref_slice %arg9[%dma_wait3A_245, %dma_wait3A_246] : memref<2x96xi32, #tpu.memory_space<vmem>> -> memref<1x96xi32, #tpu.memory_space<vmem>>
      %dma_wait3A_248 = tpu.memref_squeeze %dma_wait3A_247 : memref<1x96xi32, #tpu.memory_space<vmem>> -> memref<96xi32, #tpu.memory_space<vmem>>
      %dma_wait3A_249 = arith.constant 0 : i32
      %dma_wait3A_250 = arith.constant 0 : i32
      %dma_wait3A_251 = tpu.memref_slice %arg5[%dma_wait3A_249, %dma_wait3A_250] : memref<10112x128xf32, #tpu.memory_space<hbm>> -> memref<10112x128xf32, #tpu.memory_space<hbm>>
      tpu.wait_indirect_dma semaphore(%arg20 : memref<!tpu.dma_semaphore, #tpu.memory_space<semaphore_mem>>) src(%dma_wait3A_251 : memref<10112x128xf32, #tpu.memory_space<hbm>>) dst(%arg15 : memref<96x128xf32, #tpu.memory_space<vmem>>)
      %add3A_252 = arith.constant 2 : i32
      %add3A_253 = arith.addi %add3A_99, %add3A_252 : i32
      %lt3A = arith.constant 106 : i32
      %lt3A_254 = arith.cmpi slt, %add3A_253, %lt3A : i32
      %convert_element_type3A = arith.extui %lt3A_254 : i1 to i32
      %cond3A = arith.constant 0 : i32
      %cond3A_255 = arith.cmpi ne, %convert_element_type3A, %cond3A : i32
      scf.if %cond3A_255 {
        %add3A_460 = arith.constant 2 : i32
        %add3A_461 = arith.addi %add3A_99, %add3A_460 : i32
        %dma_start3A_462 = arith.constant 0 : i32
        %dma_start3A_463 = arith.constant 0 : i32
        %dma_start3A_464 = tpu.memref_slice %arg2[%add3A, %add3A_461, %dma_start3A_462, %dma_start3A_463] : memref<32x106x2x96xi32, #tpu.memory_space<hbm>> -> memref<1x1x2x96xi32, #tpu.memory_space<hbm>>
        %dma_start3A_465 = tpu.memref_squeeze %dma_start3A_464 : memref<1x1x2x96xi32, #tpu.memory_space<hbm>> -> memref<2x96xi32, #tpu.memory_space<hbm>>
        %dma_start3A_466 = arith.constant 0 : i32
        %dma_start3A_467 = arith.constant 0 : i32
        %dma_start3A_468 = tpu.memref_slice %arg2[%add3A, %add3A_461, %dma_start3A_466, %dma_start3A_467] : memref<32x106x2x96xi32, #tpu.memory_space<hbm>> -> memref<1x1x2x96xi32, #tpu.memory_space<hbm>>
        %dma_start3A_469 = tpu.memref_squeeze %dma_start3A_468 : memref<1x1x2x96xi32, #tpu.memory_space<hbm>> -> memref<2x96xi32, #tpu.memory_space<hbm>>
        tpu.enqueue_dma source(%dma_start3A_469 : memref<2x96xi32, #tpu.memory_space<hbm>>) target(%arg9 : memref<2x96xi32, #tpu.memory_space<vmem>>) target_semaphore(%arg18 : memref<!tpu.dma_semaphore, #tpu.memory_space<semaphore_mem>>)
      } else {
      }
      %add3A_256 = arith.constant 1 : i32
      %add3A_257 = arith.addi %add3A_99, %add3A_256 : i32
      %lt3A_258 = arith.constant 106 : i32
      %lt3A_259 = arith.cmpi slt, %add3A_257, %lt3A_258 : i32
      %convert_element_type3A_260 = arith.extui %lt3A_259 : i1 to i32
      %cond3A_261 = arith.constant 0 : i32
      %cond3A_262 = arith.cmpi ne, %convert_element_type3A_260, %cond3A_261 : i32
      scf.if %cond3A_262 {
        %add3A_460 = arith.constant 1 : i32
        %add3A_461 = arith.addi %add3A_99, %add3A_460 : i32
        %dma_wait3A_462 = arith.constant 0 : i32
        %dma_wait3A_463 = arith.constant 0 : i32
        %dma_wait3A_464 = tpu.memref_slice %arg2[%add3A, %add3A_461, %dma_wait3A_462, %dma_wait3A_463] : memref<32x106x2x96xi32, #tpu.memory_space<hbm>> -> memref<1x1x2x96xi32, #tpu.memory_space<hbm>>
        %dma_wait3A_465 = tpu.memref_squeeze %dma_wait3A_464 : memref<1x1x2x96xi32, #tpu.memory_space<hbm>> -> memref<2x96xi32, #tpu.memory_space<hbm>>
        %dma_wait3A_466 = arith.constant 0 : i32
        %dma_wait3A_467 = arith.constant 0 : i32
        %dma_wait3A_468 = tpu.memref_slice %arg2[%add3A, %add3A_461, %dma_wait3A_466, %dma_wait3A_467] : memref<32x106x2x96xi32, #tpu.memory_space<hbm>> -> memref<1x1x2x96xi32, #tpu.memory_space<hbm>>
        %dma_wait3A_469 = tpu.memref_squeeze %dma_wait3A_468 : memref<1x1x2x96xi32, #tpu.memory_space<hbm>> -> memref<2x96xi32, #tpu.memory_space<hbm>>
        tpu.wait_dma2 semaphore(%arg19 : memref<!tpu.dma_semaphore, #tpu.memory_space<semaphore_mem>>) src(%dma_wait3A_469 : memref<2x96xi32, #tpu.memory_space<hbm>>) dst(%arg10 : memref<2x96xi32, #tpu.memory_space<vmem>>)
        %ge3A_470 = arith.constant 1 : i32
        %ge3A_471 = arith.cmpi sge, %add3A_99, %ge3A_470 : i32
        %convert_element_type3A_472 = arith.extui %ge3A_471 : i1 to i32
        %cond3A_473 = arith.constant 0 : i32
        %cond3A_474 = arith.cmpi ne, %convert_element_type3A_472, %cond3A_473 : i32
        scf.if %cond3A_474 {
          %dma_wait3A_482 = arith.constant 0 : i32
          %dma_wait3A_483 = arith.constant 0 : i32
          %dma_wait3A_484 = tpu.memref_slice %arg12[%dma_wait3A_482, %dma_wait3A_483] : memref<1x96xi32, #tpu.memory_space<vmem>> -> memref<1x96xi32, #tpu.memory_space<vmem>>
          %dma_wait3A_485 = tpu.memref_squeeze %dma_wait3A_484 : memref<1x96xi32, #tpu.memory_space<vmem>> -> memref<96xi32, #tpu.memory_space<vmem>>
          %dma_wait3A_486 = arith.constant 0 : i32
          %dma_wait3A_487 = arith.constant 0 : i32
          %dma_wait3A_488 = tpu.memref_slice %arg17[%dma_wait3A_486, %dma_wait3A_487] : memref<10112x128xf32, #tpu.memory_space<vmem_shared>> -> memref<10112x128xf32, #tpu.memory_space<vmem_shared>>
          tpu.wait_indirect_dma semaphore(%arg23 : memref<!tpu.dma_semaphore, #tpu.memory_space<semaphore_mem>>) src(%arg16 : memref<96x128xf32, #tpu.memory_space<vmem>>) dst(%dma_wait3A_488 : memref<10112x128xf32, #tpu.memory_space<vmem_shared>>)
        } else {
        }
        %dma_start3A_475 = arith.constant 0 : i32
        %dma_start3A_476 = arith.constant 0 : i32
        %dma_start3A_477 = tpu.memref_slice %arg10[%dma_start3A_475, %dma_start3A_476] : memref<2x96xi32, #tpu.memory_space<vmem>> -> memref<1x96xi32, #tpu.memory_space<vmem>>
        %dma_start3A_478 = tpu.memref_squeeze %dma_start3A_477 : memref<1x96xi32, #tpu.memory_space<vmem>> -> memref<96xi32, #tpu.memory_space<vmem>>
        %dma_start3A_479 = arith.constant 0 : i32
        %dma_start3A_480 = arith.constant 0 : i32
        %dma_start3A_481 = tpu.memref_slice %arg5[%dma_start3A_479, %dma_start3A_480] : memref<10112x128xf32, #tpu.memory_space<hbm>> -> memref<10112x128xf32, #tpu.memory_space<hbm>>
        tpu.enqueue_indirect_dma source(%dma_start3A_481 : memref<10112x128xf32, #tpu.memory_space<hbm>>) target(%arg16 : memref<96x128xf32, #tpu.memory_space<vmem>>) offsets(%dma_start3A_478 : memref<96xi32, #tpu.memory_space<vmem>>) semaphore(%arg21 : memref<!tpu.dma_semaphore, #tpu.memory_space<semaphore_mem>>)
      } else {
      }
      %scan3A_263 = arith.constant 0 : i32
      %scan3A_264 = arith.constant 48 : i32
      %scan3A_265 = arith.addi %scan3A_263, %scan3A_264 : i32
      %scan3A_266 = arith.constant 1 : i32
      scf.for %scan3A_460 = %scan3A_263 to %scan3A_265 step %scan3A_266  : i32 {
        %mul3A_461 = arith.constant 2 : i32
        %mul3A_462 = arith.muli %scan3A_460, %mul3A_461 : i32
        %add3A_463 = arith.constant 0 : i32
        %add3A_464 = arith.addi %add3A_463, %mul3A_462 : i32
        %broadcast_in_dim3A_465 = arith.constant 0 : i32
        %broadcast_in_dim3A_466 = vector.broadcast %broadcast_in_dim3A_465 : i32 to vector<16xi32>
        %add3A_467 = vector.broadcast %add3A_464 : i32 to vector<16xi32>
        %add3A_468 = arith.addi %broadcast_in_dim3A_466, %add3A_467 : vector<16xi32>
        %gather3A_469 = tpu.vector_load_idx %arg13[%add3A_468] : memref<96xf32, #tpu.memory_space<vmem>>[vector<16xi32>], vector<16xf32>,
        %broadcast_in_dim3A_470 = arith.constant 0 : i32
        %broadcast_in_dim3A_471 = vector.broadcast %broadcast_in_dim3A_470 : i32 to vector<16xi32>
        %add3A_472 = arith.constant 1 : i32
        %add3A_473 = arith.addi %add3A_464, %add3A_472 : i32
        %add3A_474 = vector.broadcast %add3A_473 : i32 to vector<16xi32>
        %add3A_475 = arith.addi %broadcast_in_dim3A_471, %add3A_474 : vector<16xi32>
        %gather3A_476 = tpu.vector_load_idx %arg13[%add3A_475] : memref<96xf32, #tpu.memory_space<vmem>>[vector<16xi32>], vector<16xf32>,
        %get3A_477 = arith.index_cast %add3A_464 : i32 to index
        %get3A_478 = arith.constant 0 : index
        %get3A_479 = tpu.vector_load %arg15[%get3A_477, %get3A_478] {strides = array<i32>} : memref<96x128xf32, #tpu.memory_space<vmem>>, vector<16xf32>,
        %mul3A_480 = arith.mulf %get3A_479, %gather3A_469 : vector<16xf32>
        %add3A_481 = arith.constant 1 : i32
        %add3A_482 = arith.addi %add3A_464, %add3A_481 : i32
        %get3A_483 = arith.index_cast %add3A_482 : i32 to index
        %get3A_484 = arith.constant 0 : index
        %get3A_485 = tpu.vector_load %arg15[%get3A_483, %get3A_484] {strides = array<i32>} : memref<96x128xf32, #tpu.memory_space<vmem>>, vector<16xf32>,
        %mul3A_486 = arith.mulf %get3A_485, %gather3A_476 : vector<16xf32>
        %swap3A_487 = arith.index_cast %add3A_464 : i32 to index
        %swap3A_488 = arith.constant 0 : index
        %swap3A_489 = tpu.vector_load %arg15[%swap3A_487, %swap3A_488] {strides = array<i32>} : memref<96x128xf32, #tpu.memory_space<vmem>>, vector<16xf32>,
        tpu.vector_store %arg15[%swap3A_487, %swap3A_488], %mul3A_480 {strides = array<i32>} : memref<96x128xf32, #tpu.memory_space<vmem>>, vector<16xf32>,
        %add3A_490 = arith.constant 1 : i32
        %add3A_491 = arith.addi %add3A_464, %add3A_490 : i32
        %swap3A_492 = arith.index_cast %add3A_491 : i32 to index
        %swap3A_493 = arith.constant 0 : index
        %swap3A_494 = tpu.vector_load %arg15[%swap3A_492, %swap3A_493] {strides = array<i32>} : memref<96x128xf32, #tpu.memory_space<vmem>>, vector<16xf32>,
        tpu.vector_store %arg15[%swap3A_492, %swap3A_493], %mul3A_486 {strides = array<i32>} : memref<96x128xf32, #tpu.memory_space<vmem>>, vector<16xf32>,
        %get3A_495 = arith.index_cast %add3A_464 : i32 to index
        %get3A_496 = arith.constant 16 : index
        %get3A_497 = tpu.vector_load %arg15[%get3A_495, %get3A_496] {strides = array<i32>} : memref<96x128xf32, #tpu.memory_space<vmem>>, vector<16xf32>,
        %mul3A_498 = arith.mulf %get3A_497, %gather3A_469 : vector<16xf32>
        %add3A_499 = arith.constant 1 : i32
        %add3A_500 = arith.addi %add3A_464, %add3A_499 : i32
        %get3A_501 = arith.index_cast %add3A_500 : i32 to index
        %get3A_502 = arith.constant 16 : index
        %get3A_503 = tpu.vector_load %arg15[%get3A_501, %get3A_502] {strides = array<i32>} : memref<96x128xf32, #tpu.memory_space<vmem>>, vector<16xf32>,
        %mul3A_504 = arith.mulf %get3A_503, %gather3A_476 : vector<16xf32>
        %swap3A_505 = arith.index_cast %add3A_464 : i32 to index
        %swap3A_506 = arith.constant 16 : index
        %swap3A_507 = tpu.vector_load %arg15[%swap3A_505, %swap3A_506] {strides = array<i32>} : memref<96x128xf32, #tpu.memory_space<vmem>>, vector<16xf32>,
        tpu.vector_store %arg15[%swap3A_505, %swap3A_506], %mul3A_498 {strides = array<i32>} : memref<96x128xf32, #tpu.memory_space<vmem>>, vector<16xf32>,
        %add3A_508 = arith.constant 1 : i32
        %add3A_509 = arith.addi %add3A_464, %add3A_508 : i32
        %swap3A_510 = arith.index_cast %add3A_509 : i32 to index
        %swap3A_511 = arith.constant 16 : index
        %swap3A_512 = tpu.vector_load %arg15[%swap3A_510, %swap3A_511] {strides = array<i32>} : memref<96x128xf32, #tpu.memory_space<vmem>>, vector<16xf32>,
        tpu.vector_store %arg15[%swap3A_510, %swap3A_511], %mul3A_504 {strides = array<i32>} : memref<96x128xf32, #tpu.memory_space<vmem>>, vector<16xf32>,
        %get3A_513 = arith.index_cast %add3A_464 : i32 to index
        %get3A_514 = arith.constant 32 : index
        %get3A_515 = tpu.vector_load %arg15[%get3A_513, %get3A_514] {strides = array<i32>} : memref<96x128xf32, #tpu.memory_space<vmem>>, vector<16xf32>,
        %mul3A_516 = arith.mulf %get3A_515, %gather3A_469 : vector<16xf32>
        %add3A_517 = arith.constant 1 : i32
        %add3A_518 = arith.addi %add3A_464, %add3A_517 : i32
        %get3A_519 = arith.index_cast %add3A_518 : i32 to index
        %get3A_520 = arith.constant 32 : index
        %get3A_521 = tpu.vector_load %arg15[%get3A_519, %get3A_520] {strides = array<i32>} : memref<96x128xf32, #tpu.memory_space<vmem>>, vector<16xf32>,
        %mul3A_522 = arith.mulf %get3A_521, %gather3A_476 : vector<16xf32>
        %swap3A_523 = arith.index_cast %add3A_464 : i32 to index
        %swap3A_524 = arith.constant 32 : index
        %swap3A_525 = tpu.vector_load %arg15[%swap3A_523, %swap3A_524] {strides = array<i32>} : memref<96x128xf32, #tpu.memory_space<vmem>>, vector<16xf32>,
        tpu.vector_store %arg15[%swap3A_523, %swap3A_524], %mul3A_516 {strides = array<i32>} : memref<96x128xf32, #tpu.memory_space<vmem>>, vector<16xf32>,
        %add3A_526 = arith.constant 1 : i32
        %add3A_527 = arith.addi %add3A_464, %add3A_526 : i32
        %swap3A_528 = arith.index_cast %add3A_527 : i32 to index
        %swap3A_529 = arith.constant 32 : index
        %swap3A_530 = tpu.vector_load %arg15[%swap3A_528, %swap3A_529] {strides = array<i32>} : memref<96x128xf32, #tpu.memory_space<vmem>>, vector<16xf32>,
        tpu.vector_store %arg15[%swap3A_528, %swap3A_529], %mul3A_522 {strides = array<i32>} : memref<96x128xf32, #tpu.memory_space<vmem>>, vector<16xf32>,
        %get3A_531 = arith.index_cast %add3A_464 : i32 to index
        %get3A_532 = arith.constant 48 : index
        %get3A_533 = tpu.vector_load %arg15[%get3A_531, %get3A_532] {strides = array<i32>} : memref<96x128xf32, #tpu.memory_space<vmem>>, vector<16xf32>,
        %mul3A_534 = arith.mulf %get3A_533, %gather3A_469 : vector<16xf32>
        %add3A_535 = arith.constant 1 : i32
        %add3A_536 = arith.addi %add3A_464, %add3A_535 : i32
        %get3A_537 = arith.index_cast %add3A_536 : i32 to index
        %get3A_538 = arith.constant 48 : index
        %get3A_539 = tpu.vector_load %arg15[%get3A_537, %get3A_538] {strides = array<i32>} : memref<96x128xf32, #tpu.memory_space<vmem>>, vector<16xf32>,
        %mul3A_540 = arith.mulf %get3A_539, %gather3A_476 : vector<16xf32>
        %swap3A_541 = arith.index_cast %add3A_464 : i32 to index
        %swap3A_542 = arith.constant 48 : index
        %swap3A_543 = tpu.vector_load %arg15[%swap3A_541, %swap3A_542] {strides = array<i32>} : memref<96x128xf32, #tpu.memory_space<vmem>>, vector<16xf32>,
        tpu.vector_store %arg15[%swap3A_541, %swap3A_542], %mul3A_534 {strides = array<i32>} : memref<96x128xf32, #tpu.memory_space<vmem>>, vector<16xf32>,
        %add3A_544 = arith.constant 1 : i32
        %add3A_545 = arith.addi %add3A_464, %add3A_544 : i32
        %swap3A_546 = arith.index_cast %add3A_545 : i32 to index
        %swap3A_547 = arith.constant 48 : index
        %swap3A_548 = tpu.vector_load %arg15[%swap3A_546, %swap3A_547] {strides = array<i32>} : memref<96x128xf32, #tpu.memory_space<vmem>>, vector<16xf32>,
        tpu.vector_store %arg15[%swap3A_546, %swap3A_547], %mul3A_540 {strides = array<i32>} : memref<96x128xf32, #tpu.memory_space<vmem>>, vector<16xf32>,
        %get3A_549 = arith.index_cast %add3A_464 : i32 to index
        %get3A_550 = arith.constant 64 : index
        %get3A_551 = tpu.vector_load %arg15[%get3A_549, %get3A_550] {strides = array<i32>} : memref<96x128xf32, #tpu.memory_space<vmem>>, vector<16xf32>,
        %mul3A_552 = arith.mulf %get3A_551, %gather3A_469 : vector<16xf32>
        %add3A_553 = arith.constant 1 : i32
        %add3A_554 = arith.addi %add3A_464, %add3A_553 : i32
        %get3A_555 = arith.index_cast %add3A_554 : i32 to index
        %get3A_556 = arith.constant 64 : index
        %get3A_557 = tpu.vector_load %arg15[%get3A_555, %get3A_556] {strides = array<i32>} : memref<96x128xf32, #tpu.memory_space<vmem>>, vector<16xf32>,
        %mul3A_558 = arith.mulf %get3A_557, %gather3A_476 : vector<16xf32>
        %swap3A_559 = arith.index_cast %add3A_464 : i32 to index
        %swap3A_560 = arith.constant 64 : index
        %swap3A_561 = tpu.vector_load %arg15[%swap3A_559, %swap3A_560] {strides = array<i32>} : memref<96x128xf32, #tpu.memory_space<vmem>>, vector<16xf32>,
        tpu.vector_store %arg15[%swap3A_559, %swap3A_560], %mul3A_552 {strides = array<i32>} : memref<96x128xf32, #tpu.memory_space<vmem>>, vector<16xf32>,
        %add3A_562 = arith.constant 1 : i32
        %add3A_563 = arith.addi %add3A_464, %add3A_562 : i32
        %swap3A_564 = arith.index_cast %add3A_563 : i32 to index
        %swap3A_565 = arith.constant 64 : index
        %swap3A_566 = tpu.vector_load %arg15[%swap3A_564, %swap3A_565] {strides = array<i32>} : memref<96x128xf32, #tpu.memory_space<vmem>>, vector<16xf32>,
        tpu.vector_store %arg15[%swap3A_564, %swap3A_565], %mul3A_558 {strides = array<i32>} : memref<96x128xf32, #tpu.memory_space<vmem>>, vector<16xf32>,
        %get3A_567 = arith.index_cast %add3A_464 : i32 to index
        %get3A_568 = arith.constant 80 : index
        %get3A_569 = tpu.vector_load %arg15[%get3A_567, %get3A_568] {strides = array<i32>} : memref<96x128xf32, #tpu.memory_space<vmem>>, vector<16xf32>,
        %mul3A_570 = arith.mulf %get3A_569, %gather3A_469 : vector<16xf32>
        %add3A_571 = arith.constant 1 : i32
        %add3A_572 = arith.addi %add3A_464, %add3A_571 : i32
        %get3A_573 = arith.index_cast %add3A_572 : i32 to index
        %get3A_574 = arith.constant 80 : index
        %get3A_575 = tpu.vector_load %arg15[%get3A_573, %get3A_574] {strides = array<i32>} : memref<96x128xf32, #tpu.memory_space<vmem>>, vector<16xf32>,
        %mul3A_576 = arith.mulf %get3A_575, %gather3A_476 : vector<16xf32>
        %swap3A_577 = arith.index_cast %add3A_464 : i32 to index
        %swap3A_578 = arith.constant 80 : index
        %swap3A_579 = tpu.vector_load %arg15[%swap3A_577, %swap3A_578] {strides = array<i32>} : memref<96x128xf32, #tpu.memory_space<vmem>>, vector<16xf32>,
        tpu.vector_store %arg15[%swap3A_577, %swap3A_578], %mul3A_570 {strides = array<i32>} : memref<96x128xf32, #tpu.memory_space<vmem>>, vector<16xf32>,
        %add3A_580 = arith.constant 1 : i32
        %add3A_581 = arith.addi %add3A_464, %add3A_580 : i32
        %swap3A_582 = arith.index_cast %add3A_581 : i32 to index
        %swap3A_583 = arith.constant 80 : index
        %swap3A_584 = tpu.vector_load %arg15[%swap3A_582, %swap3A_583] {strides = array<i32>} : memref<96x128xf32, #tpu.memory_space<vmem>>, vector<16xf32>,
        tpu.vector_store %arg15[%swap3A_582, %swap3A_583], %mul3A_576 {strides = array<i32>} : memref<96x128xf32, #tpu.memory_space<vmem>>, vector<16xf32>,
        %get3A_585 = arith.index_cast %add3A_464 : i32 to index
        %get3A_586 = arith.constant 96 : index
        %get3A_587 = tpu.vector_load %arg15[%get3A_585, %get3A_586] {strides = array<i32>} : memref<96x128xf32, #tpu.memory_space<vmem>>, vector<16xf32>,
        %mul3A_588 = arith.mulf %get3A_587, %gather3A_469 : vector<16xf32>
        %add3A_589 = arith.constant 1 : i32
        %add3A_590 = arith.addi %add3A_464, %add3A_589 : i32
        %get3A_591 = arith.index_cast %add3A_590 : i32 to index
        %get3A_592 = arith.constant 96 : index
        %get3A_593 = tpu.vector_load %arg15[%get3A_591, %get3A_592] {strides = array<i32>} : memref<96x128xf32, #tpu.memory_space<vmem>>, vector<16xf32>,
        %mul3A_594 = arith.mulf %get3A_593, %gather3A_476 : vector<16xf32>
        %swap3A_595 = arith.index_cast %add3A_464 : i32 to index
        %swap3A_596 = arith.constant 96 : index
        %swap3A_597 = tpu.vector_load %arg15[%swap3A_595, %swap3A_596] {strides = array<i32>} : memref<96x128xf32, #tpu.memory_space<vmem>>, vector<16xf32>,
        tpu.vector_store %arg15[%swap3A_595, %swap3A_596], %mul3A_588 {strides = array<i32>} : memref<96x128xf32, #tpu.memory_space<vmem>>, vector<16xf32>,
        %add3A_598 = arith.constant 1 : i32
        %add3A_599 = arith.addi %add3A_464, %add3A_598 : i32
        %swap3A_600 = arith.index_cast %add3A_599 : i32 to index
        %swap3A_601 = arith.constant 96 : index
        %swap3A_602 = tpu.vector_load %arg15[%swap3A_600, %swap3A_601] {strides = array<i32>} : memref<96x128xf32, #tpu.memory_space<vmem>>, vector<16xf32>,
        tpu.vector_store %arg15[%swap3A_600, %swap3A_601], %mul3A_594 {strides = array<i32>} : memref<96x128xf32, #tpu.memory_space<vmem>>, vector<16xf32>,
        %get3A_603 = arith.index_cast %add3A_464 : i32 to index
        %get3A_604 = arith.constant 112 : index
        %get3A_605 = tpu.vector_load %arg15[%get3A_603, %get3A_604] {strides = array<i32>} : memref<96x128xf32, #tpu.memory_space<vmem>>, vector<16xf32>,
        %mul3A_606 = arith.mulf %get3A_605, %gather3A_469 : vector<16xf32>
        %add3A_607 = arith.constant 1 : i32
        %add3A_608 = arith.addi %add3A_464, %add3A_607 : i32
        %get3A_609 = arith.index_cast %add3A_608 : i32 to index
        %get3A_610 = arith.constant 112 : index
        %get3A_611 = tpu.vector_load %arg15[%get3A_609, %get3A_610] {strides = array<i32>} : memref<96x128xf32, #tpu.memory_space<vmem>>, vector<16xf32>,
        %mul3A_612 = arith.mulf %get3A_611, %gather3A_476 : vector<16xf32>
        %mul3A_613 = arith.mulf %gather3A_469, %select_n3A : vector<16xf32>
        %add3A_614 = arith.addf %mul3A_606, %mul3A_613 : vector<16xf32>
        %mul3A_615 = arith.mulf %gather3A_476, %select_n3A : vector<16xf32>
        %add3A_616 = arith.addf %mul3A_612, %mul3A_615 : vector<16xf32>
        %swap3A_617 = arith.index_cast %add3A_464 : i32 to index
        %swap3A_618 = arith.constant 112 : index
        %swap3A_619 = tpu.vector_load %arg15[%swap3A_617, %swap3A_618] {strides = array<i32>} : memref<96x128xf32, #tpu.memory_space<vmem>>, vector<16xf32>,
        tpu.vector_store %arg15[%swap3A_617, %swap3A_618], %add3A_614 {strides = array<i32>} : memref<96x128xf32, #tpu.memory_space<vmem>>, vector<16xf32>,
        %add3A_620 = arith.constant 1 : i32
        %add3A_621 = arith.addi %add3A_464, %add3A_620 : i32
        %swap3A_622 = arith.index_cast %add3A_621 : i32 to index
        %swap3A_623 = arith.constant 112 : index
        %swap3A_624 = tpu.vector_load %arg15[%swap3A_622, %swap3A_623] {strides = array<i32>} : memref<96x128xf32, #tpu.memory_space<vmem>>, vector<16xf32>,
        tpu.vector_store %arg15[%swap3A_622, %swap3A_623], %add3A_616 {strides = array<i32>} : memref<96x128xf32, #tpu.memory_space<vmem>>, vector<16xf32>,
      }
      %scan3A_267 = arith.constant 48 : i32
      %dma_start3A_268 = arith.constant 0 : i32
      %dma_start3A_269 = arith.constant 0 : i32
      %dma_start3A_270 = tpu.memref_slice %arg11[%dma_start3A_268, %dma_start3A_269] : memref<1x96xi32, #tpu.memory_space<vmem>> -> memref<1x96xi32, #tpu.memory_space<vmem>>
      %dma_start3A_271 = tpu.memref_squeeze %dma_start3A_270 : memref<1x96xi32, #tpu.memory_space<vmem>> -> memref<96xi32, #tpu.memory_space<vmem>>
      %dma_start3A_272 = arith.constant 0 : i32
      %dma_start3A_273 = arith.constant 0 : i32
      %dma_start3A_274 = tpu.memref_slice %arg17[%dma_start3A_272, %dma_start3A_273] : memref<10112x128xf32, #tpu.memory_space<vmem_shared>> -> memref<10112x128xf32, #tpu.memory_space<vmem_shared>>
      tpu.enqueue_indirect_dma source(%arg15 : memref<96x128xf32, #tpu.memory_space<vmem>>) target(%dma_start3A_274 : memref<10112x128xf32, #tpu.memory_space<vmem_shared>>) offsets(%dma_start3A_271 : memref<96xi32, #tpu.memory_space<vmem>>) semaphore(%arg22 : memref<!tpu.dma_semaphore, #tpu.memory_space<semaphore_mem>>) {add = true}
      %add3A_275 = arith.constant 1 : i32
      %add3A_276 = arith.addi %add3A_99, %add3A_275 : i32
      %get3A_277 = arith.constant 0 : i32
      %get3A_278 = arith.index_cast %get3A_277 : i32 to index
      %get3A_279 = arith.constant 0 : index
      %get3A_280 = tpu.vector_load %arg10[%get3A_278, %get3A_279] {strides = array<i32>} : memref<2x96xi32, #tpu.memory_space<vmem>>, vector<16xi32>,
      %get3A_281 = arith.constant 1 : i32
      %get3A_282 = arith.index_cast %get3A_281 : i32 to index
      %get3A_283 = arith.constant 0 : index
      %get3A_284 = tpu.vector_load %arg10[%get3A_282, %get3A_283] {strides = array<i32>} : memref<2x96xi32, #tpu.memory_space<vmem>>, vector<16xi32>,
      %swap3A_285 = arith.constant 0 : i32
      %swap3A_286 = arith.index_cast %swap3A_285 : i32 to index
      %swap3A_287 = arith.constant 0 : index
      %swap3A_288 = tpu.vector_load %arg12[%swap3A_286, %swap3A_287] {strides = array<i32>} : memref<1x96xi32, #tpu.memory_space<vmem>>, vector<16xi32>,
      tpu.vector_store %arg12[%swap3A_286, %swap3A_287], %get3A_284 {strides = array<i32>} : memref<1x96xi32, #tpu.memory_space<vmem>>, vector<16xi32>,
      %gather3A_289 = tpu.vector_load_idx %arg7[%get3A_280] : memref<10112xf32, #tpu.memory_space<vmem>>[vector<16xi32>], vector<16xf32>,
      %gather3A_290 = tpu.vector_load_idx %arg8[%get3A_284] : memref<10112xf32, #tpu.memory_space<vmem>>[vector<16xi32>], vector<16xf32>,
      %add3A_291 = arith.addf %gather3A_289, %gather3A_290 : vector<16xf32>
      %ge3A_292 = arith.constant 0.000000e+00 : f32
      %ge3A_293 = vector.broadcast %ge3A_292 : f32 to vector<16xf32>
      %ge3A_294 = arith.cmpf oge, %add3A_291, %ge3A_293 : vector<16xf32>
      %mul3A_295 = arith.constant 2.000000e-01 : f32
      %mul3A_296 = vector.broadcast %mul3A_295 : f32 to vector<16xf32>
      %mul3A_297 = arith.mulf %mul3A_296, %add3A_291 : vector<16xf32>
      %select_n3A_298 = arith.select %ge3A_294, %add3A_291, %mul3A_297 : vector<16xi1>, vector<16xf32>
      %exp3A_299 = math.exp %select_n3A_298 : vector<16xf32>
      %swap3A_300 = arith.constant 0 : index
      %swap3A_301 = tpu.vector_load %arg14[%swap3A_300] {strides = array<i32>} : memref<96xf32, #tpu.memory_space<vmem>>, vector<16xf32>,
      tpu.vector_store %arg14[%swap3A_300], %exp3A_299 {strides = array<i32>} : memref<96xf32, #tpu.memory_space<vmem>>, vector<16xf32>,
      %get3A_302 = arith.constant 0 : i32
      %get3A_303 = arith.index_cast %get3A_302 : i32 to index
      %get3A_304 = arith.constant 16 : index
      %get3A_305 = tpu.vector_load %arg10[%get3A_303, %get3A_304] {strides = array<i32>} : memref<2x96xi32, #tpu.memory_space<vmem>>, vector<16xi32>,
      %get3A_306 = arith.constant 1 : i32
      %get3A_307 = arith.index_cast %get3A_306 : i32 to index
      %get3A_308 = arith.constant 16 : index
      %get3A_309 = tpu.vector_load %arg10[%get3A_307, %get3A_308] {strides = array<i32>} : memref<2x96xi32, #tpu.memory_space<vmem>>, vector<16xi32>,
      %swap3A_310 = arith.constant 0 : i32
      %swap3A_311 = arith.index_cast %swap3A_310 : i32 to index
      %swap3A_312 = arith.constant 16 : index
      %swap3A_313 = tpu.vector_load %arg12[%swap3A_311, %swap3A_312] {strides = array<i32>} : memref<1x96xi32, #tpu.memory_space<vmem>>, vector<16xi32>,
      tpu.vector_store %arg12[%swap3A_311, %swap3A_312], %get3A_309 {strides = array<i32>} : memref<1x96xi32, #tpu.memory_space<vmem>>, vector<16xi32>,
      %gather3A_314 = tpu.vector_load_idx %arg7[%get3A_305] : memref<10112xf32, #tpu.memory_space<vmem>>[vector<16xi32>], vector<16xf32>,
      %gather3A_315 = tpu.vector_load_idx %arg8[%get3A_309] : memref<10112xf32, #tpu.memory_space<vmem>>[vector<16xi32>], vector<16xf32>,
      %add3A_316 = arith.addf %gather3A_314, %gather3A_315 : vector<16xf32>
      %ge3A_317 = arith.constant 0.000000e+00 : f32
      %ge3A_318 = vector.broadcast %ge3A_317 : f32 to vector<16xf32>
      %ge3A_319 = arith.cmpf oge, %add3A_316, %ge3A_318 : vector<16xf32>
      %mul3A_320 = arith.constant 2.000000e-01 : f32
      %mul3A_321 = vector.broadcast %mul3A_320 : f32 to vector<16xf32>
      %mul3A_322 = arith.mulf %mul3A_321, %add3A_316 : vector<16xf32>
      %select_n3A_323 = arith.select %ge3A_319, %add3A_316, %mul3A_322 : vector<16xi1>, vector<16xf32>
      %exp3A_324 = math.exp %select_n3A_323 : vector<16xf32>
      %swap3A_325 = arith.constant 16 : index
      %swap3A_326 = tpu.vector_load %arg14[%swap3A_325] {strides = array<i32>} : memref<96xf32, #tpu.memory_space<vmem>>, vector<16xf32>,
      tpu.vector_store %arg14[%swap3A_325], %exp3A_324 {strides = array<i32>} : memref<96xf32, #tpu.memory_space<vmem>>, vector<16xf32>,
      %get3A_327 = arith.constant 0 : i32
      %get3A_328 = arith.index_cast %get3A_327 : i32 to index
      %get3A_329 = arith.constant 32 : index
      %get3A_330 = tpu.vector_load %arg10[%get3A_328, %get3A_329] {strides = array<i32>} : memref<2x96xi32, #tpu.memory_space<vmem>>, vector<16xi32>,
      %get3A_331 = arith.constant 1 : i32
      %get3A_332 = arith.index_cast %get3A_331 : i32 to index
      %get3A_333 = arith.constant 32 : index
      %get3A_334 = tpu.vector_load %arg10[%get3A_332, %get3A_333] {strides = array<i32>} : memref<2x96xi32, #tpu.memory_space<vmem>>, vector<16xi32>,
      %swap3A_335 = arith.constant 0 : i32
      %swap3A_336 = arith.index_cast %swap3A_335 : i32 to index
      %swap3A_337 = arith.constant 32 : index
      %swap3A_338 = tpu.vector_load %arg12[%swap3A_336, %swap3A_337] {strides = array<i32>} : memref<1x96xi32, #tpu.memory_space<vmem>>, vector<16xi32>,
      tpu.vector_store %arg12[%swap3A_336, %swap3A_337], %get3A_334 {strides = array<i32>} : memref<1x96xi32, #tpu.memory_space<vmem>>, vector<16xi32>,
      %gather3A_339 = tpu.vector_load_idx %arg7[%get3A_330] : memref<10112xf32, #tpu.memory_space<vmem>>[vector<16xi32>], vector<16xf32>,
      %gather3A_340 = tpu.vector_load_idx %arg8[%get3A_334] : memref<10112xf32, #tpu.memory_space<vmem>>[vector<16xi32>], vector<16xf32>,
      %add3A_341 = arith.addf %gather3A_339, %gather3A_340 : vector<16xf32>
      %ge3A_342 = arith.constant 0.000000e+00 : f32
      %ge3A_343 = vector.broadcast %ge3A_342 : f32 to vector<16xf32>
      %ge3A_344 = arith.cmpf oge, %add3A_341, %ge3A_343 : vector<16xf32>
      %mul3A_345 = arith.constant 2.000000e-01 : f32
      %mul3A_346 = vector.broadcast %mul3A_345 : f32 to vector<16xf32>
      %mul3A_347 = arith.mulf %mul3A_346, %add3A_341 : vector<16xf32>
      %select_n3A_348 = arith.select %ge3A_344, %add3A_341, %mul3A_347 : vector<16xi1>, vector<16xf32>
      %exp3A_349 = math.exp %select_n3A_348 : vector<16xf32>
      %swap3A_350 = arith.constant 32 : index
      %swap3A_351 = tpu.vector_load %arg14[%swap3A_350] {strides = array<i32>} : memref<96xf32, #tpu.memory_space<vmem>>, vector<16xf32>,
      tpu.vector_store %arg14[%swap3A_350], %exp3A_349 {strides = array<i32>} : memref<96xf32, #tpu.memory_space<vmem>>, vector<16xf32>,
      %get3A_352 = arith.constant 0 : i32
      %get3A_353 = arith.index_cast %get3A_352 : i32 to index
      %get3A_354 = arith.constant 48 : index
      %get3A_355 = tpu.vector_load %arg10[%get3A_353, %get3A_354] {strides = array<i32>} : memref<2x96xi32, #tpu.memory_space<vmem>>, vector<16xi32>,
      %get3A_356 = arith.constant 1 : i32
      %get3A_357 = arith.index_cast %get3A_356 : i32 to index
      %get3A_358 = arith.constant 48 : index
      %get3A_359 = tpu.vector_load %arg10[%get3A_357, %get3A_358] {strides = array<i32>} : memref<2x96xi32, #tpu.memory_space<vmem>>, vector<16xi32>,
      %swap3A_360 = arith.constant 0 : i32
      %swap3A_361 = arith.index_cast %swap3A_360 : i32 to index
      %swap3A_362 = arith.constant 48 : index
      %swap3A_363 = tpu.vector_load %arg12[%swap3A_361, %swap3A_362] {strides = array<i32>} : memref<1x96xi32, #tpu.memory_space<vmem>>, vector<16xi32>,
      tpu.vector_store %arg12[%swap3A_361, %swap3A_362], %get3A_359 {strides = array<i32>} : memref<1x96xi32, #tpu.memory_space<vmem>>, vector<16xi32>,
      %gather3A_364 = tpu.vector_load_idx %arg7[%get3A_355] : memref<10112xf32, #tpu.memory_space<vmem>>[vector<16xi32>], vector<16xf32>,
      %gather3A_365 = tpu.vector_load_idx %arg8[%get3A_359] : memref<10112xf32, #tpu.memory_space<vmem>>[vector<16xi32>], vector<16xf32>,
      %add3A_366 = arith.addf %gather3A_364, %gather3A_365 : vector<16xf32>
      %ge3A_367 = arith.constant 0.000000e+00 : f32
      %ge3A_368 = vector.broadcast %ge3A_367 : f32 to vector<16xf32>
      %ge3A_369 = arith.cmpf oge, %add3A_366, %ge3A_368 : vector<16xf32>
      %mul3A_370 = arith.constant 2.000000e-01 : f32
      %mul3A_371 = vector.broadcast %mul3A_370 : f32 to vector<16xf32>
      %mul3A_372 = arith.mulf %mul3A_371, %add3A_366 : vector<16xf32>
      %select_n3A_373 = arith.select %ge3A_369, %add3A_366, %mul3A_372 : vector<16xi1>, vector<16xf32>
      %exp3A_374 = math.exp %select_n3A_373 : vector<16xf32>
      %swap3A_375 = arith.constant 48 : index
      %swap3A_376 = tpu.vector_load %arg14[%swap3A_375] {strides = array<i32>} : memref<96xf32, #tpu.memory_space<vmem>>, vector<16xf32>,
      tpu.vector_store %arg14[%swap3A_375], %exp3A_374 {strides = array<i32>} : memref<96xf32, #tpu.memory_space<vmem>>, vector<16xf32>,
      %get3A_377 = arith.constant 0 : i32
      %get3A_378 = arith.index_cast %get3A_377 : i32 to index
      %get3A_379 = arith.constant 64 : index
      %get3A_380 = tpu.vector_load %arg10[%get3A_378, %get3A_379] {strides = array<i32>} : memref<2x96xi32, #tpu.memory_space<vmem>>, vector<16xi32>,
      %get3A_381 = arith.constant 1 : i32
      %get3A_382 = arith.index_cast %get3A_381 : i32 to index
      %get3A_383 = arith.constant 64 : index
      %get3A_384 = tpu.vector_load %arg10[%get3A_382, %get3A_383] {strides = array<i32>} : memref<2x96xi32, #tpu.memory_space<vmem>>, vector<16xi32>,
      %swap3A_385 = arith.constant 0 : i32
      %swap3A_386 = arith.index_cast %swap3A_385 : i32 to index
      %swap3A_387 = arith.constant 64 : index
      %swap3A_388 = tpu.vector_load %arg12[%swap3A_386, %swap3A_387] {strides = array<i32>} : memref<1x96xi32, #tpu.memory_space<vmem>>, vector<16xi32>,
      tpu.vector_store %arg12[%swap3A_386, %swap3A_387], %get3A_384 {strides = array<i32>} : memref<1x96xi32, #tpu.memory_space<vmem>>, vector<16xi32>,
      %gather3A_389 = tpu.vector_load_idx %arg7[%get3A_380] : memref<10112xf32, #tpu.memory_space<vmem>>[vector<16xi32>], vector<16xf32>,
      %gather3A_390 = tpu.vector_load_idx %arg8[%get3A_384] : memref<10112xf32, #tpu.memory_space<vmem>>[vector<16xi32>], vector<16xf32>,
      %add3A_391 = arith.addf %gather3A_389, %gather3A_390 : vector<16xf32>
      %ge3A_392 = arith.constant 0.000000e+00 : f32
      %ge3A_393 = vector.broadcast %ge3A_392 : f32 to vector<16xf32>
      %ge3A_394 = arith.cmpf oge, %add3A_391, %ge3A_393 : vector<16xf32>
      %mul3A_395 = arith.constant 2.000000e-01 : f32
      %mul3A_396 = vector.broadcast %mul3A_395 : f32 to vector<16xf32>
      %mul3A_397 = arith.mulf %mul3A_396, %add3A_391 : vector<16xf32>
      %select_n3A_398 = arith.select %ge3A_394, %add3A_391, %mul3A_397 : vector<16xi1>, vector<16xf32>
      %exp3A_399 = math.exp %select_n3A_398 : vector<16xf32>
      %swap3A_400 = arith.constant 64 : index
      %swap3A_401 = tpu.vector_load %arg14[%swap3A_400] {strides = array<i32>} : memref<96xf32, #tpu.memory_space<vmem>>, vector<16xf32>,
      tpu.vector_store %arg14[%swap3A_400], %exp3A_399 {strides = array<i32>} : memref<96xf32, #tpu.memory_space<vmem>>, vector<16xf32>,
      %get3A_402 = arith.constant 0 : i32
      %get3A_403 = arith.index_cast %get3A_402 : i32 to index
      %get3A_404 = arith.constant 80 : index
      %get3A_405 = tpu.vector_load %arg10[%get3A_403, %get3A_404] {strides = array<i32>} : memref<2x96xi32, #tpu.memory_space<vmem>>, vector<16xi32>,
      %get3A_406 = arith.constant 1 : i32
      %get3A_407 = arith.index_cast %get3A_406 : i32 to index
      %get3A_408 = arith.constant 80 : index
      %get3A_409 = tpu.vector_load %arg10[%get3A_407, %get3A_408] {strides = array<i32>} : memref<2x96xi32, #tpu.memory_space<vmem>>, vector<16xi32>,
      %swap3A_410 = arith.constant 0 : i32
      %swap3A_411 = arith.index_cast %swap3A_410 : i32 to index
      %swap3A_412 = arith.constant 80 : index
      %swap3A_413 = tpu.vector_load %arg12[%swap3A_411, %swap3A_412] {strides = array<i32>} : memref<1x96xi32, #tpu.memory_space<vmem>>, vector<16xi32>,
      tpu.vector_store %arg12[%swap3A_411, %swap3A_412], %get3A_409 {strides = array<i32>} : memref<1x96xi32, #tpu.memory_space<vmem>>, vector<16xi32>,
      %gather3A_414 = tpu.vector_load_idx %arg7[%get3A_405] : memref<10112xf32, #tpu.memory_space<vmem>>[vector<16xi32>], vector<16xf32>,
      %gather3A_415 = tpu.vector_load_idx %arg8[%get3A_409] : memref<10112xf32, #tpu.memory_space<vmem>>[vector<16xi32>], vector<16xf32>,
      %add3A_416 = arith.addf %gather3A_414, %gather3A_415 : vector<16xf32>
      %ge3A_417 = arith.constant 0.000000e+00 : f32
      %ge3A_418 = vector.broadcast %ge3A_417 : f32 to vector<16xf32>
      %ge3A_419 = arith.cmpf oge, %add3A_416, %ge3A_418 : vector<16xf32>
      %mul3A_420 = arith.constant 2.000000e-01 : f32
      %mul3A_421 = vector.broadcast %mul3A_420 : f32 to vector<16xf32>
      %mul3A_422 = arith.mulf %mul3A_421, %add3A_416 : vector<16xf32>
      %select_n3A_423 = arith.select %ge3A_419, %add3A_416, %mul3A_422 : vector<16xi1>, vector<16xf32>
      %exp3A_424 = math.exp %select_n3A_423 : vector<16xf32>
      %swap3A_425 = arith.constant 80 : index
      %swap3A_426 = tpu.vector_load %arg14[%swap3A_425] {strides = array<i32>} : memref<96xf32, #tpu.memory_space<vmem>>, vector<16xf32>,
      tpu.vector_store %arg14[%swap3A_425], %exp3A_424 {strides = array<i32>} : memref<96xf32, #tpu.memory_space<vmem>>, vector<16xf32>,
      %dma_wait3A_427 = arith.constant 0 : i32
      %dma_wait3A_428 = arith.constant 0 : i32
      %dma_wait3A_429 = tpu.memref_slice %arg10[%dma_wait3A_427, %dma_wait3A_428] : memref<2x96xi32, #tpu.memory_space<vmem>> -> memref<1x96xi32, #tpu.memory_space<vmem>>
      %dma_wait3A_430 = tpu.memref_squeeze %dma_wait3A_429 : memref<1x96xi32, #tpu.memory_space<vmem>> -> memref<96xi32, #tpu.memory_space<vmem>>
      %dma_wait3A_431 = arith.constant 0 : i32
      %dma_wait3A_432 = arith.constant 0 : i32
      %dma_wait3A_433 = tpu.memref_slice %arg5[%dma_wait3A_431, %dma_wait3A_432] : memref<10112x128xf32, #tpu.memory_space<hbm>> -> memref<10112x128xf32, #tpu.memory_space<hbm>>
      tpu.wait_indirect_dma semaphore(%arg21 : memref<!tpu.dma_semaphore, #tpu.memory_space<semaphore_mem>>) src(%dma_wait3A_433 : memref<10112x128xf32, #tpu.memory_space<hbm>>) dst(%arg16 : memref<96x128xf32, #tpu.memory_space<vmem>>)
      %add3A_434 = arith.constant 2 : i32
      %add3A_435 = arith.addi %add3A_276, %add3A_434 : i32
      %lt3A_436 = arith.constant 106 : i32
      %lt3A_437 = arith.cmpi slt, %add3A_435, %lt3A_436 : i32
      %convert_element_type3A_438 = arith.extui %lt3A_437 : i1 to i32
      %cond3A_439 = arith.constant 0 : i32
      %cond3A_440 = arith.cmpi ne, %convert_element_type3A_438, %cond3A_439 : i32
      scf.if %cond3A_440 {
        %add3A_460 = arith.constant 2 : i32
        %add3A_461 = arith.addi %add3A_276, %add3A_460 : i32
        %dma_start3A_462 = arith.constant 0 : i32
        %dma_start3A_463 = arith.constant 0 : i32
        %dma_start3A_464 = tpu.memref_slice %arg2[%add3A, %add3A_461, %dma_start3A_462, %dma_start3A_463] : memref<32x106x2x96xi32, #tpu.memory_space<hbm>> -> memref<1x1x2x96xi32, #tpu.memory_space<hbm>>
        %dma_start3A_465 = tpu.memref_squeeze %dma_start3A_464 : memref<1x1x2x96xi32, #tpu.memory_space<hbm>> -> memref<2x96xi32, #tpu.memory_space<hbm>>
        %dma_start3A_466 = arith.constant 0 : i32
        %dma_start3A_467 = arith.constant 0 : i32
        %dma_start3A_468 = tpu.memref_slice %arg2[%add3A, %add3A_461, %dma_start3A_466, %dma_start3A_467] : memref<32x106x2x96xi32, #tpu.memory_space<hbm>> -> memref<1x1x2x96xi32, #tpu.memory_space<hbm>>
        %dma_start3A_469 = tpu.memref_squeeze %dma_start3A_468 : memref<1x1x2x96xi32, #tpu.memory_space<hbm>> -> memref<2x96xi32, #tpu.memory_space<hbm>>
        tpu.enqueue_dma source(%dma_start3A_469 : memref<2x96xi32, #tpu.memory_space<hbm>>) target(%arg10 : memref<2x96xi32, #tpu.memory_space<vmem>>) target_semaphore(%arg19 : memref<!tpu.dma_semaphore, #tpu.memory_space<semaphore_mem>>)
      } else {
      }
      %add3A_441 = arith.constant 1 : i32
      %add3A_442 = arith.addi %add3A_276, %add3A_441 : i32
      %lt3A_443 = arith.constant 106 : i32
      %lt3A_444 = arith.cmpi slt, %add3A_442, %lt3A_443 : i32
      %convert_element_type3A_445 = arith.extui %lt3A_444 : i1 to i32
      %cond3A_446 = arith.constant 0 : i32
      %cond3A_447 = arith.cmpi ne, %convert_element_type3A_445, %cond3A_446 : i32
      scf.if %cond3A_447 {
        %add3A_460 = arith.constant 1 : i32
        %add3A_461 = arith.addi %add3A_276, %add3A_460 : i32
        %dma_wait3A_462 = arith.constant 0 : i32
        %dma_wait3A_463 = arith.constant 0 : i32
        %dma_wait3A_464 = tpu.memref_slice %arg2[%add3A, %add3A_461, %dma_wait3A_462, %dma_wait3A_463] : memref<32x106x2x96xi32, #tpu.memory_space<hbm>> -> memref<1x1x2x96xi32, #tpu.memory_space<hbm>>
        %dma_wait3A_465 = tpu.memref_squeeze %dma_wait3A_464 : memref<1x1x2x96xi32, #tpu.memory_space<hbm>> -> memref<2x96xi32, #tpu.memory_space<hbm>>
        %dma_wait3A_466 = arith.constant 0 : i32
        %dma_wait3A_467 = arith.constant 0 : i32
        %dma_wait3A_468 = tpu.memref_slice %arg2[%add3A, %add3A_461, %dma_wait3A_466, %dma_wait3A_467] : memref<32x106x2x96xi32, #tpu.memory_space<hbm>> -> memref<1x1x2x96xi32, #tpu.memory_space<hbm>>
        %dma_wait3A_469 = tpu.memref_squeeze %dma_wait3A_468 : memref<1x1x2x96xi32, #tpu.memory_space<hbm>> -> memref<2x96xi32, #tpu.memory_space<hbm>>
        tpu.wait_dma2 semaphore(%arg18 : memref<!tpu.dma_semaphore, #tpu.memory_space<semaphore_mem>>) src(%dma_wait3A_469 : memref<2x96xi32, #tpu.memory_space<hbm>>) dst(%arg9 : memref<2x96xi32, #tpu.memory_space<vmem>>)
        %ge3A_470 = arith.constant 1 : i32
        %ge3A_471 = arith.cmpi sge, %add3A_276, %ge3A_470 : i32
        %convert_element_type3A_472 = arith.extui %ge3A_471 : i1 to i32
        %cond3A_473 = arith.constant 0 : i32
        %cond3A_474 = arith.cmpi ne, %convert_element_type3A_472, %cond3A_473 : i32
        scf.if %cond3A_474 {
          %dma_wait3A_482 = arith.constant 0 : i32
          %dma_wait3A_483 = arith.constant 0 : i32
          %dma_wait3A_484 = tpu.memref_slice %arg11[%dma_wait3A_482, %dma_wait3A_483] : memref<1x96xi32, #tpu.memory_space<vmem>> -> memref<1x96xi32, #tpu.memory_space<vmem>>
          %dma_wait3A_485 = tpu.memref_squeeze %dma_wait3A_484 : memref<1x96xi32, #tpu.memory_space<vmem>> -> memref<96xi32, #tpu.memory_space<vmem>>
          %dma_wait3A_486 = arith.constant 0 : i32
          %dma_wait3A_487 = arith.constant 0 : i32
          %dma_wait3A_488 = tpu.memref_slice %arg17[%dma_wait3A_486, %dma_wait3A_487] : memref<10112x128xf32, #tpu.memory_space<vmem_shared>> -> memref<10112x128xf32, #tpu.memory_space<vmem_shared>>
          tpu.wait_indirect_dma semaphore(%arg22 : memref<!tpu.dma_semaphore, #tpu.memory_space<semaphore_mem>>) src(%arg15 : memref<96x128xf32, #tpu.memory_space<vmem>>) dst(%dma_wait3A_488 : memref<10112x128xf32, #tpu.memory_space<vmem_shared>>)
        } else {
        }
        %dma_start3A_475 = arith.constant 0 : i32
        %dma_start3A_476 = arith.constant 0 : i32
        %dma_start3A_477 = tpu.memref_slice %arg9[%dma_start3A_475, %dma_start3A_476] : memref<2x96xi32, #tpu.memory_space<vmem>> -> memref<1x96xi32, #tpu.memory_space<vmem>>
        %dma_start3A_478 = tpu.memref_squeeze %dma_start3A_477 : memref<1x96xi32, #tpu.memory_space<vmem>> -> memref<96xi32, #tpu.memory_space<vmem>>
        %dma_start3A_479 = arith.constant 0 : i32
        %dma_start3A_480 = arith.constant 0 : i32
        %dma_start3A_481 = tpu.memref_slice %arg5[%dma_start3A_479, %dma_start3A_480] : memref<10112x128xf32, #tpu.memory_space<hbm>> -> memref<10112x128xf32, #tpu.memory_space<hbm>>
        tpu.enqueue_indirect_dma source(%dma_start3A_481 : memref<10112x128xf32, #tpu.memory_space<hbm>>) target(%arg15 : memref<96x128xf32, #tpu.memory_space<vmem>>) offsets(%dma_start3A_478 : memref<96xi32, #tpu.memory_space<vmem>>) semaphore(%arg20 : memref<!tpu.dma_semaphore, #tpu.memory_space<semaphore_mem>>)
      } else {
      }
      %scan3A_448 = arith.constant 0 : i32
      %scan3A_449 = arith.constant 48 : i32
      %scan3A_450 = arith.addi %scan3A_448, %scan3A_449 : i32
      %scan3A_451 = arith.constant 1 : i32
      scf.for %scan3A_460 = %scan3A_448 to %scan3A_450 step %scan3A_451  : i32 {
        %mul3A_461 = arith.constant 2 : i32
        %mul3A_462 = arith.muli %scan3A_460, %mul3A_461 : i32
        %add3A_463 = arith.constant 0 : i32
        %add3A_464 = arith.addi %add3A_463, %mul3A_462 : i32
        %broadcast_in_dim3A_465 = arith.constant 0 : i32
        %broadcast_in_dim3A_466 = vector.broadcast %broadcast_in_dim3A_465 : i32 to vector<16xi32>
        %add3A_467 = vector.broadcast %add3A_464 : i32 to vector<16xi32>
        %add3A_468 = arith.addi %broadcast_in_dim3A_466, %add3A_467 : vector<16xi32>
        %gather3A_469 = tpu.vector_load_idx %arg14[%add3A_468] : memref<96xf32, #tpu.memory_space<vmem>>[vector<16xi32>], vector<16xf32>,
        %broadcast_in_dim3A_470 = arith.constant 0 : i32
        %broadcast_in_dim3A_471 = vector.broadcast %broadcast_in_dim3A_470 : i32 to vector<16xi32>
        %add3A_472 = arith.constant 1 : i32
        %add3A_473 = arith.addi %add3A_464, %add3A_472 : i32
        %add3A_474 = vector.broadcast %add3A_473 : i32 to vector<16xi32>
        %add3A_475 = arith.addi %broadcast_in_dim3A_471, %add3A_474 : vector<16xi32>
        %gather3A_476 = tpu.vector_load_idx %arg14[%add3A_475] : memref<96xf32, #tpu.memory_space<vmem>>[vector<16xi32>], vector<16xf32>,
        %get3A_477 = arith.index_cast %add3A_464 : i32 to index
        %get3A_478 = arith.constant 0 : index
        %get3A_479 = tpu.vector_load %arg16[%get3A_477, %get3A_478] {strides = array<i32>} : memref<96x128xf32, #tpu.memory_space<vmem>>, vector<16xf32>,
        %mul3A_480 = arith.mulf %get3A_479, %gather3A_469 : vector<16xf32>
        %add3A_481 = arith.constant 1 : i32
        %add3A_482 = arith.addi %add3A_464, %add3A_481 : i32
        %get3A_483 = arith.index_cast %add3A_482 : i32 to index
        %get3A_484 = arith.constant 0 : index
        %get3A_485 = tpu.vector_load %arg16[%get3A_483, %get3A_484] {strides = array<i32>} : memref<96x128xf32, #tpu.memory_space<vmem>>, vector<16xf32>,
        %mul3A_486 = arith.mulf %get3A_485, %gather3A_476 : vector<16xf32>
        %swap3A_487 = arith.index_cast %add3A_464 : i32 to index
        %swap3A_488 = arith.constant 0 : index
        %swap3A_489 = tpu.vector_load %arg16[%swap3A_487, %swap3A_488] {strides = array<i32>} : memref<96x128xf32, #tpu.memory_space<vmem>>, vector<16xf32>,
        tpu.vector_store %arg16[%swap3A_487, %swap3A_488], %mul3A_480 {strides = array<i32>} : memref<96x128xf32, #tpu.memory_space<vmem>>, vector<16xf32>,
        %add3A_490 = arith.constant 1 : i32
        %add3A_491 = arith.addi %add3A_464, %add3A_490 : i32
        %swap3A_492 = arith.index_cast %add3A_491 : i32 to index
        %swap3A_493 = arith.constant 0 : index
        %swap3A_494 = tpu.vector_load %arg16[%swap3A_492, %swap3A_493] {strides = array<i32>} : memref<96x128xf32, #tpu.memory_space<vmem>>, vector<16xf32>,
        tpu.vector_store %arg16[%swap3A_492, %swap3A_493], %mul3A_486 {strides = array<i32>} : memref<96x128xf32, #tpu.memory_space<vmem>>, vector<16xf32>,
        %get3A_495 = arith.index_cast %add3A_464 : i32 to index
        %get3A_496 = arith.constant 16 : index
        %get3A_497 = tpu.vector_load %arg16[%get3A_495, %get3A_496] {strides = array<i32>} : memref<96x128xf32, #tpu.memory_space<vmem>>, vector<16xf32>,
        %mul3A_498 = arith.mulf %get3A_497, %gather3A_469 : vector<16xf32>
        %add3A_499 = arith.constant 1 : i32
        %add3A_500 = arith.addi %add3A_464, %add3A_499 : i32
        %get3A_501 = arith.index_cast %add3A_500 : i32 to index
        %get3A_502 = arith.constant 16 : index
        %get3A_503 = tpu.vector_load %arg16[%get3A_501, %get3A_502] {strides = array<i32>} : memref<96x128xf32, #tpu.memory_space<vmem>>, vector<16xf32>,
        %mul3A_504 = arith.mulf %get3A_503, %gather3A_476 : vector<16xf32>
        %swap3A_505 = arith.index_cast %add3A_464 : i32 to index
        %swap3A_506 = arith.constant 16 : index
        %swap3A_507 = tpu.vector_load %arg16[%swap3A_505, %swap3A_506] {strides = array<i32>} : memref<96x128xf32, #tpu.memory_space<vmem>>, vector<16xf32>,
        tpu.vector_store %arg16[%swap3A_505, %swap3A_506], %mul3A_498 {strides = array<i32>} : memref<96x128xf32, #tpu.memory_space<vmem>>, vector<16xf32>,
        %add3A_508 = arith.constant 1 : i32
        %add3A_509 = arith.addi %add3A_464, %add3A_508 : i32
        %swap3A_510 = arith.index_cast %add3A_509 : i32 to index
        %swap3A_511 = arith.constant 16 : index
        %swap3A_512 = tpu.vector_load %arg16[%swap3A_510, %swap3A_511] {strides = array<i32>} : memref<96x128xf32, #tpu.memory_space<vmem>>, vector<16xf32>,
        tpu.vector_store %arg16[%swap3A_510, %swap3A_511], %mul3A_504 {strides = array<i32>} : memref<96x128xf32, #tpu.memory_space<vmem>>, vector<16xf32>,
        %get3A_513 = arith.index_cast %add3A_464 : i32 to index
        %get3A_514 = arith.constant 32 : index
        %get3A_515 = tpu.vector_load %arg16[%get3A_513, %get3A_514] {strides = array<i32>} : memref<96x128xf32, #tpu.memory_space<vmem>>, vector<16xf32>,
        %mul3A_516 = arith.mulf %get3A_515, %gather3A_469 : vector<16xf32>
        %add3A_517 = arith.constant 1 : i32
        %add3A_518 = arith.addi %add3A_464, %add3A_517 : i32
        %get3A_519 = arith.index_cast %add3A_518 : i32 to index
        %get3A_520 = arith.constant 32 : index
        %get3A_521 = tpu.vector_load %arg16[%get3A_519, %get3A_520] {strides = array<i32>} : memref<96x128xf32, #tpu.memory_space<vmem>>, vector<16xf32>,
        %mul3A_522 = arith.mulf %get3A_521, %gather3A_476 : vector<16xf32>
        %swap3A_523 = arith.index_cast %add3A_464 : i32 to index
        %swap3A_524 = arith.constant 32 : index
        %swap3A_525 = tpu.vector_load %arg16[%swap3A_523, %swap3A_524] {strides = array<i32>} : memref<96x128xf32, #tpu.memory_space<vmem>>, vector<16xf32>,
        tpu.vector_store %arg16[%swap3A_523, %swap3A_524], %mul3A_516 {strides = array<i32>} : memref<96x128xf32, #tpu.memory_space<vmem>>, vector<16xf32>,
        %add3A_526 = arith.constant 1 : i32
        %add3A_527 = arith.addi %add3A_464, %add3A_526 : i32
        %swap3A_528 = arith.index_cast %add3A_527 : i32 to index
        %swap3A_529 = arith.constant 32 : index
        %swap3A_530 = tpu.vector_load %arg16[%swap3A_528, %swap3A_529] {strides = array<i32>} : memref<96x128xf32, #tpu.memory_space<vmem>>, vector<16xf32>,
        tpu.vector_store %arg16[%swap3A_528, %swap3A_529], %mul3A_522 {strides = array<i32>} : memref<96x128xf32, #tpu.memory_space<vmem>>, vector<16xf32>,
        %get3A_531 = arith.index_cast %add3A_464 : i32 to index
        %get3A_532 = arith.constant 48 : index
        %get3A_533 = tpu.vector_load %arg16[%get3A_531, %get3A_532] {strides = array<i32>} : memref<96x128xf32, #tpu.memory_space<vmem>>, vector<16xf32>,
        %mul3A_534 = arith.mulf %get3A_533, %gather3A_469 : vector<16xf32>
        %add3A_535 = arith.constant 1 : i32
        %add3A_536 = arith.addi %add3A_464, %add3A_535 : i32
        %get3A_537 = arith.index_cast %add3A_536 : i32 to index
        %get3A_538 = arith.constant 48 : index
        %get3A_539 = tpu.vector_load %arg16[%get3A_537, %get3A_538] {strides = array<i32>} : memref<96x128xf32, #tpu.memory_space<vmem>>, vector<16xf32>,
        %mul3A_540 = arith.mulf %get3A_539, %gather3A_476 : vector<16xf32>
        %swap3A_541 = arith.index_cast %add3A_464 : i32 to index
        %swap3A_542 = arith.constant 48 : index
        %swap3A_543 = tpu.vector_load %arg16[%swap3A_541, %swap3A_542] {strides = array<i32>} : memref<96x128xf32, #tpu.memory_space<vmem>>, vector<16xf32>,
        tpu.vector_store %arg16[%swap3A_541, %swap3A_542], %mul3A_534 {strides = array<i32>} : memref<96x128xf32, #tpu.memory_space<vmem>>, vector<16xf32>,
        %add3A_544 = arith.constant 1 : i32
        %add3A_545 = arith.addi %add3A_464, %add3A_544 : i32
        %swap3A_546 = arith.index_cast %add3A_545 : i32 to index
        %swap3A_547 = arith.constant 48 : index
        %swap3A_548 = tpu.vector_load %arg16[%swap3A_546, %swap3A_547] {strides = array<i32>} : memref<96x128xf32, #tpu.memory_space<vmem>>, vector<16xf32>,
        tpu.vector_store %arg16[%swap3A_546, %swap3A_547], %mul3A_540 {strides = array<i32>} : memref<96x128xf32, #tpu.memory_space<vmem>>, vector<16xf32>,
        %get3A_549 = arith.index_cast %add3A_464 : i32 to index
        %get3A_550 = arith.constant 64 : index
        %get3A_551 = tpu.vector_load %arg16[%get3A_549, %get3A_550] {strides = array<i32>} : memref<96x128xf32, #tpu.memory_space<vmem>>, vector<16xf32>,
        %mul3A_552 = arith.mulf %get3A_551, %gather3A_469 : vector<16xf32>
        %add3A_553 = arith.constant 1 : i32
        %add3A_554 = arith.addi %add3A_464, %add3A_553 : i32
        %get3A_555 = arith.index_cast %add3A_554 : i32 to index
        %get3A_556 = arith.constant 64 : index
        %get3A_557 = tpu.vector_load %arg16[%get3A_555, %get3A_556] {strides = array<i32>} : memref<96x128xf32, #tpu.memory_space<vmem>>, vector<16xf32>,
        %mul3A_558 = arith.mulf %get3A_557, %gather3A_476 : vector<16xf32>
        %swap3A_559 = arith.index_cast %add3A_464 : i32 to index
        %swap3A_560 = arith.constant 64 : index
        %swap3A_561 = tpu.vector_load %arg16[%swap3A_559, %swap3A_560] {strides = array<i32>} : memref<96x128xf32, #tpu.memory_space<vmem>>, vector<16xf32>,
        tpu.vector_store %arg16[%swap3A_559, %swap3A_560], %mul3A_552 {strides = array<i32>} : memref<96x128xf32, #tpu.memory_space<vmem>>, vector<16xf32>,
        %add3A_562 = arith.constant 1 : i32
        %add3A_563 = arith.addi %add3A_464, %add3A_562 : i32
        %swap3A_564 = arith.index_cast %add3A_563 : i32 to index
        %swap3A_565 = arith.constant 64 : index
        %swap3A_566 = tpu.vector_load %arg16[%swap3A_564, %swap3A_565] {strides = array<i32>} : memref<96x128xf32, #tpu.memory_space<vmem>>, vector<16xf32>,
        tpu.vector_store %arg16[%swap3A_564, %swap3A_565], %mul3A_558 {strides = array<i32>} : memref<96x128xf32, #tpu.memory_space<vmem>>, vector<16xf32>,
        %get3A_567 = arith.index_cast %add3A_464 : i32 to index
        %get3A_568 = arith.constant 80 : index
        %get3A_569 = tpu.vector_load %arg16[%get3A_567, %get3A_568] {strides = array<i32>} : memref<96x128xf32, #tpu.memory_space<vmem>>, vector<16xf32>,
        %mul3A_570 = arith.mulf %get3A_569, %gather3A_469 : vector<16xf32>
        %add3A_571 = arith.constant 1 : i32
        %add3A_572 = arith.addi %add3A_464, %add3A_571 : i32
        %get3A_573 = arith.index_cast %add3A_572 : i32 to index
        %get3A_574 = arith.constant 80 : index
        %get3A_575 = tpu.vector_load %arg16[%get3A_573, %get3A_574] {strides = array<i32>} : memref<96x128xf32, #tpu.memory_space<vmem>>, vector<16xf32>,
        %mul3A_576 = arith.mulf %get3A_575, %gather3A_476 : vector<16xf32>
        %swap3A_577 = arith.index_cast %add3A_464 : i32 to index
        %swap3A_578 = arith.constant 80 : index
        %swap3A_579 = tpu.vector_load %arg16[%swap3A_577, %swap3A_578] {strides = array<i32>} : memref<96x128xf32, #tpu.memory_space<vmem>>, vector<16xf32>,
        tpu.vector_store %arg16[%swap3A_577, %swap3A_578], %mul3A_570 {strides = array<i32>} : memref<96x128xf32, #tpu.memory_space<vmem>>, vector<16xf32>,
        %add3A_580 = arith.constant 1 : i32
        %add3A_581 = arith.addi %add3A_464, %add3A_580 : i32
        %swap3A_582 = arith.index_cast %add3A_581 : i32 to index
        %swap3A_583 = arith.constant 80 : index
        %swap3A_584 = tpu.vector_load %arg16[%swap3A_582, %swap3A_583] {strides = array<i32>} : memref<96x128xf32, #tpu.memory_space<vmem>>, vector<16xf32>,
        tpu.vector_store %arg16[%swap3A_582, %swap3A_583], %mul3A_576 {strides = array<i32>} : memref<96x128xf32, #tpu.memory_space<vmem>>, vector<16xf32>,
        %get3A_585 = arith.index_cast %add3A_464 : i32 to index
        %get3A_586 = arith.constant 96 : index
        %get3A_587 = tpu.vector_load %arg16[%get3A_585, %get3A_586] {strides = array<i32>} : memref<96x128xf32, #tpu.memory_space<vmem>>, vector<16xf32>,
        %mul3A_588 = arith.mulf %get3A_587, %gather3A_469 : vector<16xf32>
        %add3A_589 = arith.constant 1 : i32
        %add3A_590 = arith.addi %add3A_464, %add3A_589 : i32
        %get3A_591 = arith.index_cast %add3A_590 : i32 to index
        %get3A_592 = arith.constant 96 : index
        %get3A_593 = tpu.vector_load %arg16[%get3A_591, %get3A_592] {strides = array<i32>} : memref<96x128xf32, #tpu.memory_space<vmem>>, vector<16xf32>,
        %mul3A_594 = arith.mulf %get3A_593, %gather3A_476 : vector<16xf32>
        %swap3A_595 = arith.index_cast %add3A_464 : i32 to index
        %swap3A_596 = arith.constant 96 : index
        %swap3A_597 = tpu.vector_load %arg16[%swap3A_595, %swap3A_596] {strides = array<i32>} : memref<96x128xf32, #tpu.memory_space<vmem>>, vector<16xf32>,
        tpu.vector_store %arg16[%swap3A_595, %swap3A_596], %mul3A_588 {strides = array<i32>} : memref<96x128xf32, #tpu.memory_space<vmem>>, vector<16xf32>,
        %add3A_598 = arith.constant 1 : i32
        %add3A_599 = arith.addi %add3A_464, %add3A_598 : i32
        %swap3A_600 = arith.index_cast %add3A_599 : i32 to index
        %swap3A_601 = arith.constant 96 : index
        %swap3A_602 = tpu.vector_load %arg16[%swap3A_600, %swap3A_601] {strides = array<i32>} : memref<96x128xf32, #tpu.memory_space<vmem>>, vector<16xf32>,
        tpu.vector_store %arg16[%swap3A_600, %swap3A_601], %mul3A_594 {strides = array<i32>} : memref<96x128xf32, #tpu.memory_space<vmem>>, vector<16xf32>,
        %get3A_603 = arith.index_cast %add3A_464 : i32 to index
        %get3A_604 = arith.constant 112 : index
        %get3A_605 = tpu.vector_load %arg16[%get3A_603, %get3A_604] {strides = array<i32>} : memref<96x128xf32, #tpu.memory_space<vmem>>, vector<16xf32>,
        %mul3A_606 = arith.mulf %get3A_605, %gather3A_469 : vector<16xf32>
        %add3A_607 = arith.constant 1 : i32
        %add3A_608 = arith.addi %add3A_464, %add3A_607 : i32
        %get3A_609 = arith.index_cast %add3A_608 : i32 to index
        %get3A_610 = arith.constant 112 : index
        %get3A_611 = tpu.vector_load %arg16[%get3A_609, %get3A_610] {strides = array<i32>} : memref<96x128xf32, #tpu.memory_space<vmem>>, vector<16xf32>,
        %mul3A_612 = arith.mulf %get3A_611, %gather3A_476 : vector<16xf32>
        %mul3A_613 = arith.mulf %gather3A_469, %select_n3A : vector<16xf32>
        %add3A_614 = arith.addf %mul3A_606, %mul3A_613 : vector<16xf32>
        %mul3A_615 = arith.mulf %gather3A_476, %select_n3A : vector<16xf32>
        %add3A_616 = arith.addf %mul3A_612, %mul3A_615 : vector<16xf32>
        %swap3A_617 = arith.index_cast %add3A_464 : i32 to index
        %swap3A_618 = arith.constant 112 : index
        %swap3A_619 = tpu.vector_load %arg16[%swap3A_617, %swap3A_618] {strides = array<i32>} : memref<96x128xf32, #tpu.memory_space<vmem>>, vector<16xf32>,
        tpu.vector_store %arg16[%swap3A_617, %swap3A_618], %add3A_614 {strides = array<i32>} : memref<96x128xf32, #tpu.memory_space<vmem>>, vector<16xf32>,
        %add3A_620 = arith.constant 1 : i32
        %add3A_621 = arith.addi %add3A_464, %add3A_620 : i32
        %swap3A_622 = arith.index_cast %add3A_621 : i32 to index
        %swap3A_623 = arith.constant 112 : index
        %swap3A_624 = tpu.vector_load %arg16[%swap3A_622, %swap3A_623] {strides = array<i32>} : memref<96x128xf32, #tpu.memory_space<vmem>>, vector<16xf32>,
        tpu.vector_store %arg16[%swap3A_622, %swap3A_623], %add3A_616 {strides = array<i32>} : memref<96x128xf32, #tpu.memory_space<vmem>>, vector<16xf32>,
      }
      %scan3A_452 = arith.constant 48 : i32
      %dma_start3A_453 = arith.constant 0 : i32
      %dma_start3A_454 = arith.constant 0 : i32
      %dma_start3A_455 = tpu.memref_slice %arg12[%dma_start3A_453, %dma_start3A_454] : memref<1x96xi32, #tpu.memory_space<vmem>> -> memref<1x96xi32, #tpu.memory_space<vmem>>
      %dma_start3A_456 = tpu.memref_squeeze %dma_start3A_455 : memref<1x96xi32, #tpu.memory_space<vmem>> -> memref<96xi32, #tpu.memory_space<vmem>>
      %dma_start3A_457 = arith.constant 0 : i32
      %dma_start3A_458 = arith.constant 0 : i32
      %dma_start3A_459 = tpu.memref_slice %arg17[%dma_start3A_457, %dma_start3A_458] : memref<10112x128xf32, #tpu.memory_space<vmem_shared>> -> memref<10112x128xf32, #tpu.memory_space<vmem_shared>>
      tpu.enqueue_indirect_dma source(%arg16 : memref<96x128xf32, #tpu.memory_space<vmem>>) target(%dma_start3A_459 : memref<10112x128xf32, #tpu.memory_space<vmem_shared>>) offsets(%dma_start3A_456 : memref<96xi32, #tpu.memory_space<vmem>>) semaphore(%arg23 : memref<!tpu.dma_semaphore, #tpu.memory_space<semaphore_mem>>) {add = true}
    }
    %scan3A_75 = arith.constant 53 : i32
    %dma_wait3A_76 = arith.constant 0 : i32
    %dma_wait3A_77 = arith.constant 0 : i32
    %dma_wait3A_78 = tpu.memref_slice %arg11[%dma_wait3A_76, %dma_wait3A_77] : memref<1x96xi32, #tpu.memory_space<vmem>> -> memref<1x96xi32, #tpu.memory_space<vmem>>
    %dma_wait3A_79 = tpu.memref_squeeze %dma_wait3A_78 : memref<1x96xi32, #tpu.memory_space<vmem>> -> memref<96xi32, #tpu.memory_space<vmem>>
    %dma_wait3A_80 = arith.constant 0 : i32
    %dma_wait3A_81 = arith.constant 0 : i32
    %dma_wait3A_82 = tpu.memref_slice %arg17[%dma_wait3A_80, %dma_wait3A_81] : memref<10112x128xf32, #tpu.memory_space<vmem_shared>> -> memref<10112x128xf32, #tpu.memory_space<vmem_shared>>
    tpu.wait_indirect_dma semaphore(%arg22 : memref<!tpu.dma_semaphore, #tpu.memory_space<semaphore_mem>>) src(%arg15 : memref<96x128xf32, #tpu.memory_space<vmem>>) dst(%dma_wait3A_82 : memref<10112x128xf32, #tpu.memory_space<vmem_shared>>)
    %dma_wait3A_83 = arith.constant 0 : i32
    %dma_wait3A_84 = arith.constant 0 : i32
    %dma_wait3A_85 = tpu.memref_slice %arg12[%dma_wait3A_83, %dma_wait3A_84] : memref<1x96xi32, #tpu.memory_space<vmem>> -> memref<1x96xi32, #tpu.memory_space<vmem>>
    %dma_wait3A_86 = tpu.memref_squeeze %dma_wait3A_85 : memref<1x96xi32, #tpu.memory_space<vmem>> -> memref<96xi32, #tpu.memory_space<vmem>>
    %dma_wait3A_87 = arith.constant 0 : i32
    %dma_wait3A_88 = arith.constant 0 : i32
    %dma_wait3A_89 = tpu.memref_slice %arg17[%dma_wait3A_87, %dma_wait3A_88] : memref<10112x128xf32, #tpu.memory_space<vmem_shared>> -> memref<10112x128xf32, #tpu.memory_space<vmem_shared>>
    tpu.wait_indirect_dma semaphore(%arg23 : memref<!tpu.dma_semaphore, #tpu.memory_space<semaphore_mem>>) src(%arg16 : memref<96x128xf32, #tpu.memory_space<vmem>>) dst(%dma_wait3A_89 : memref<10112x128xf32, #tpu.memory_space<vmem_shared>>)
    %barrier3A_90 = arith.constant 0 : index
    tpu.barrier barrier_id(%barrier3A_90)
    %mul3A_91 = arith.constant 632 : i32
    %mul3A_92 = arith.muli %arg1, %mul3A_91 : i32
    %mul3A_93 = arith.constant 632 : i32
    %mul3A_94 = arith.muli %arg1, %mul3A_93 : i32
    "tpu.region"() ({
      %run_scoped3A = tpu.sem_alloc : memref<!tpu.dma_semaphore, #tpu.memory_space<semaphore_mem>>
      %dma_start3A_95 = arith.constant 0 : i32
      %dma_start3A_96 = tpu.memref_slice %arg6[%arg0, %mul3A_94, %dma_start3A_95] : memref<2x10112x128xf32, #tpu.memory_space<hbm>> -> memref<1x632x128xf32, #tpu.memory_space<hbm>>
      %dma_start3A_97 = tpu.memref_squeeze %dma_start3A_96 : memref<1x632x128xf32, #tpu.memory_space<hbm>> -> memref<632x128xf32, #tpu.memory_space<hbm>>
      %dma_start3A_98 = arith.constant 0 : i32
      %dma_start3A_99 = tpu.memref_slice %arg17[%mul3A_92, %dma_start3A_98] : memref<10112x128xf32, #tpu.memory_space<vmem_shared>> -> memref<632x128xf32, #tpu.memory_space<vmem_shared>>
      tpu.enqueue_dma source(%dma_start3A_99 : memref<632x128xf32, #tpu.memory_space<vmem_shared>>) target(%dma_start3A_97 : memref<632x128xf32, #tpu.memory_space<hbm>>) target_semaphore(%run_scoped3A : memref<!tpu.dma_semaphore, #tpu.memory_space<semaphore_mem>>)
      %dma_wait3A_100 = arith.constant 0 : i32
      %dma_wait3A_101 = tpu.memref_slice %arg6[%arg0, %mul3A_94, %dma_wait3A_100] : memref<2x10112x128xf32, #tpu.memory_space<hbm>> -> memref<1x632x128xf32, #tpu.memory_space<hbm>>
      %dma_wait3A_102 = tpu.memref_squeeze %dma_wait3A_101 : memref<1x632x128xf32, #tpu.memory_space<hbm>> -> memref<632x128xf32, #tpu.memory_space<hbm>>
      %dma_wait3A_103 = arith.constant 0 : i32
      %dma_wait3A_104 = tpu.memref_slice %arg17[%mul3A_92, %dma_wait3A_103] : memref<10112x128xf32, #tpu.memory_space<vmem_shared>> -> memref<632x128xf32, #tpu.memory_space<vmem_shared>>
      tpu.wait_dma2 semaphore(%run_scoped3A : memref<!tpu.dma_semaphore, #tpu.memory_space<semaphore_mem>>) src(%dma_wait3A_104 : memref<632x128xf32, #tpu.memory_space<vmem_shared>>) dst(%dma_wait3A_102 : memref<632x128xf32, #tpu.memory_space<hbm>>)
      tpu.yield
    }) : () -> ()
    return
  }
}

#map = affine_map<(d0, d1) -> (0, 0, 0, 0)>
#map1 = affine_map<(d0, d1) -> (0)>
#map2 = affine_map<(d0, d1) -> (0, 0)>
#map3 = affine_map<(d0, d1) -> (0, 0, 0)>
module attributes {stable_mosaic.version = 14 : i64} {
  func.func @sc_agg(%arg0: i32, %arg1: i32, %arg2: memref<32x106x2x96xi32, #tpu.memory_space<hbm>>, %arg3: memref<10112xf32, #tpu.memory_space<hbm>>, %arg4: memref<10112xf32, #tpu.memory_space<hbm>>, %arg5: memref<10112x128xf32, #tpu.memory_space<hbm>>, %arg6: memref<2x10112x128xf32, #tpu.memory_space<hbm>>, %arg7: memref<10112xf32, #tpu.memory_space<vmem>>, %arg8: memref<10112xf32, #tpu.memory_space<vmem>>, %arg9: memref<2x96xi32, #tpu.memory_space<vmem>>, %arg10: memref<2x96xi32, #tpu.memory_space<vmem>>, %arg11: memref<1x96xi32, #tpu.memory_space<vmem>>, %arg12: memref<1x96xi32, #tpu.memory_space<vmem>>, %arg13: memref<96xf32, #tpu.memory_space<vmem>>, %arg14: memref<96xf32, #tpu.memory_space<vmem>>, %arg15: memref<96x128xf32, #tpu.memory_space<vmem>>, %arg16: memref<96x128xf32, #tpu.memory_space<vmem>>, %arg17: memref<10112x128xf32, #tpu.memory_space<vmem_shared>>, %arg18: memref<!tpu.dma_semaphore, #tpu.memory_space<semaphore_mem>>, %arg19: memref<!tpu.dma_semaphore, #tpu.memory_space<semaphore_mem>>, %arg20: memref<!tpu.dma_semaphore, #tpu.memory_space<semaphore_mem>>, %arg21: memref<!tpu.dma_semaphore, #tpu.memory_space<semaphore_mem>>, %arg22: memref<!tpu.dma_semaphore, #tpu.memory_space<semaphore_mem>>, %arg23: memref<!tpu.dma_semaphore, #tpu.memory_space<semaphore_mem>>) attributes {dimension_semantics = [#tpu.dimension_semantics<core_parallel>, #tpu.dimension_semantics<subcore_parallel>], iteration_bounds = array<i64: 2, 16>, scalar_prefetch = 0 : i64, scratch_operands = 17 : i64, tpu.core_type = #tpu.core_type<sc_vector_subcore>, window_params = [{transform_indices = #map}, {transform_indices = #map1}, {transform_indices = #map1}, {transform_indices = #map2}, {transform_indices = #map3}]} {
    %mul3A = arith.constant 16 : i32
    %mul3A_0 = arith.muli %arg0, %mul3A : i32
    %add3A = arith.addi %mul3A_0, %arg1 : i32
    "tpu.region"() ({
      %run_scoped3A = tpu.sem_alloc : memref<!tpu.dma_semaphore, #tpu.memory_space<semaphore_mem>>
      tpu.enqueue_dma source(%arg3 : memref<10112xf32, #tpu.memory_space<hbm>>) target(%arg7 : memref<10112xf32, #tpu.memory_space<vmem>>) target_semaphore(%run_scoped3A : memref<!tpu.dma_semaphore, #tpu.memory_space<semaphore_mem>>)
      tpu.wait_dma2 semaphore(%run_scoped3A : memref<!tpu.dma_semaphore, #tpu.memory_space<semaphore_mem>>) src(%arg3 : memref<10112xf32, #tpu.memory_space<hbm>>) dst(%arg7 : memref<10112xf32, #tpu.memory_space<vmem>>)
      tpu.yield
    }) : () -> ()
    "tpu.region"() ({
      %run_scoped3A = tpu.sem_alloc : memref<!tpu.dma_semaphore, #tpu.memory_space<semaphore_mem>>
      tpu.enqueue_dma source(%arg4 : memref<10112xf32, #tpu.memory_space<hbm>>) target(%arg8 : memref<10112xf32, #tpu.memory_space<vmem>>) target_semaphore(%run_scoped3A : memref<!tpu.dma_semaphore, #tpu.memory_space<semaphore_mem>>)
      tpu.wait_dma2 semaphore(%run_scoped3A : memref<!tpu.dma_semaphore, #tpu.memory_space<semaphore_mem>>) src(%arg4 : memref<10112xf32, #tpu.memory_space<hbm>>) dst(%arg8 : memref<10112xf32, #tpu.memory_space<vmem>>)
      tpu.yield
    }) : () -> ()
    %broadcast_in_dim3A = arith.constant 0.000000e+00 : f32
    %broadcast_in_dim3A_1 = vector.broadcast %broadcast_in_dim3A : f32 to vector<16xf32>
    %iota3A = tpu.iota {dimensions = array<i32: 0>} : vector<16xi32>
    %eq3A = arith.constant 0 : i32
    %eq3A_2 = vector.broadcast %eq3A : i32 to vector<16xi32>
    %eq3A_3 = arith.cmpi eq, %iota3A, %eq3A_2 : vector<16xi32>
    %jit3A = arith.constant 1.000000e+00 : f32
    %jit3A_4 = arith.constant 0.000000e+00 : f32
    %broadcast_in_dim3A_5 = vector.broadcast %jit3A : f32 to vector<16xf32>
    %broadcast_in_dim3A_6 = vector.broadcast %jit3A_4 : f32 to vector<16xf32>
    %select_n3A = arith.select %eq3A_3, %broadcast_in_dim3A_5, %broadcast_in_dim3A_6 : vector<16xi1>, vector<16xf32>
    %scan3A = arith.constant 0 : i32
    %scan3A_7 = arith.constant 96 : i32
    %scan3A_8 = arith.addi %scan3A, %scan3A_7 : i32
    %scan3A_9 = arith.constant 1 : i32
    scf.for %scan3A_95 = %scan3A to %scan3A_8 step %scan3A_9  : i32 {
      %mul3A_96 = arith.constant 1 : i32
      %mul3A_97 = arith.muli %scan3A_95, %mul3A_96 : i32
      %add3A_98 = arith.constant 0 : i32
      %add3A_99 = arith.addi %add3A_98, %mul3A_97 : i32
      %swap3A = arith.index_cast %add3A_99 : i32 to index
      %swap3A_100 = arith.constant 0 : index
      %swap3A_101 = tpu.vector_load %arg15[%swap3A, %swap3A_100] {strides = array<i32>} : memref<96x128xf32, #tpu.memory_space<vmem>>, vector<16xf32>,
      tpu.vector_store %arg15[%swap3A, %swap3A_100], %broadcast_in_dim3A_1 {strides = array<i32>} : memref<96x128xf32, #tpu.memory_space<vmem>>, vector<16xf32>,
      %swap3A_102 = arith.index_cast %add3A_99 : i32 to index
      %swap3A_103 = arith.constant 16 : index
      %swap3A_104 = tpu.vector_load %arg15[%swap3A_102, %swap3A_103] {strides = array<i32>} : memref<96x128xf32, #tpu.memory_space<vmem>>, vector<16xf32>,
      tpu.vector_store %arg15[%swap3A_102, %swap3A_103], %broadcast_in_dim3A_1 {strides = array<i32>} : memref<96x128xf32, #tpu.memory_space<vmem>>, vector<16xf32>,
      %swap3A_105 = arith.index_cast %add3A_99 : i32 to index
      %swap3A_106 = arith.constant 32 : index
      %swap3A_107 = tpu.vector_load %arg15[%swap3A_105, %swap3A_106] {strides = array<i32>} : memref<96x128xf32, #tpu.memory_space<vmem>>, vector<16xf32>,
      tpu.vector_store %arg15[%swap3A_105, %swap3A_106], %broadcast_in_dim3A_1 {strides = array<i32>} : memref<96x128xf32, #tpu.memory_space<vmem>>, vector<16xf32>,
      %swap3A_108 = arith.index_cast %add3A_99 : i32 to index
      %swap3A_109 = arith.constant 48 : index
      %swap3A_110 = tpu.vector_load %arg15[%swap3A_108, %swap3A_109] {strides = array<i32>} : memref<96x128xf32, #tpu.memory_space<vmem>>, vector<16xf32>,
      tpu.vector_store %arg15[%swap3A_108, %swap3A_109], %broadcast_in_dim3A_1 {strides = array<i32>} : memref<96x128xf32, #tpu.memory_space<vmem>>, vector<16xf32>,
      %swap3A_111 = arith.index_cast %add3A_99 : i32 to index
      %swap3A_112 = arith.constant 64 : index
      %swap3A_113 = tpu.vector_load %arg15[%swap3A_111, %swap3A_112] {strides = array<i32>} : memref<96x128xf32, #tpu.memory_space<vmem>>, vector<16xf32>,
      tpu.vector_store %arg15[%swap3A_111, %swap3A_112], %broadcast_in_dim3A_1 {strides = array<i32>} : memref<96x128xf32, #tpu.memory_space<vmem>>, vector<16xf32>,
      %swap3A_114 = arith.index_cast %add3A_99 : i32 to index
      %swap3A_115 = arith.constant 80 : index
      %swap3A_116 = tpu.vector_load %arg15[%swap3A_114, %swap3A_115] {strides = array<i32>} : memref<96x128xf32, #tpu.memory_space<vmem>>, vector<16xf32>,
      tpu.vector_store %arg15[%swap3A_114, %swap3A_115], %broadcast_in_dim3A_1 {strides = array<i32>} : memref<96x128xf32, #tpu.memory_space<vmem>>, vector<16xf32>,
      %swap3A_117 = arith.index_cast %add3A_99 : i32 to index
      %swap3A_118 = arith.constant 96 : index
      %swap3A_119 = tpu.vector_load %arg15[%swap3A_117, %swap3A_118] {strides = array<i32>} : memref<96x128xf32, #tpu.memory_space<vmem>>, vector<16xf32>,
      tpu.vector_store %arg15[%swap3A_117, %swap3A_118], %broadcast_in_dim3A_1 {strides = array<i32>} : memref<96x128xf32, #tpu.memory_space<vmem>>, vector<16xf32>,
      %swap3A_120 = arith.index_cast %add3A_99 : i32 to index
      %swap3A_121 = arith.constant 112 : index
      %swap3A_122 = tpu.vector_load %arg15[%swap3A_120, %swap3A_121] {strides = array<i32>} : memref<96x128xf32, #tpu.memory_space<vmem>>, vector<16xf32>,
      tpu.vector_store %arg15[%swap3A_120, %swap3A_121], %broadcast_in_dim3A_1 {strides = array<i32>} : memref<96x128xf32, #tpu.memory_space<vmem>>, vector<16xf32>,
    }
    %scan3A_10 = arith.constant 96 : i32
    %mul3A_11 = arith.constant 632 : i32
    %mul3A_12 = arith.muli %arg1, %mul3A_11 : i32
    %add3A_13 = arith.constant 0 : i32
    %add3A_14 = arith.addi %mul3A_12, %add3A_13 : i32
    "tpu.region"() ({
      %run_scoped3A = tpu.sem_alloc : memref<!tpu.dma_semaphore, #tpu.memory_space<semaphore_mem>>
      %dma_start3A_95 = arith.constant 0 : i32
      %dma_start3A_96 = tpu.memref_slice %arg17[%add3A_14, %dma_start3A_95] : memref<10112x128xf32, #tpu.memory_space<vmem_shared>> -> memref<96x128xf32, #tpu.memory_space<vmem_shared>>
      %dma_start3A_97 = arith.constant 0 : i32
      %dma_start3A_98 = tpu.memref_slice %arg17[%add3A_14, %dma_start3A_97] : memref<10112x128xf32, #tpu.memory_space<vmem_shared>> -> memref<96x128xf32, #tpu.memory_space<vmem_shared>>
      tpu.enqueue_dma source(%arg15 : memref<96x128xf32, #tpu.memory_space<vmem>>) target(%dma_start3A_98 : memref<96x128xf32, #tpu.memory_space<vmem_shared>>) target_semaphore(%run_scoped3A : memref<!tpu.dma_semaphore, #tpu.memory_space<semaphore_mem>>)
      %dma_wait3A_99 = arith.constant 0 : i32
      %dma_wait3A_100 = tpu.memref_slice %arg17[%add3A_14, %dma_wait3A_99] : memref<10112x128xf32, #tpu.memory_space<vmem_shared>> -> memref<96x128xf32, #tpu.memory_space<vmem_shared>>
      %dma_wait3A_101 = arith.constant 0 : i32
      %dma_wait3A_102 = tpu.memref_slice %arg17[%add3A_14, %dma_wait3A_101] : memref<10112x128xf32, #tpu.memory_space<vmem_shared>> -> memref<96x128xf32, #tpu.memory_space<vmem_shared>>
      tpu.wait_dma2 semaphore(%run_scoped3A : memref<!tpu.dma_semaphore, #tpu.memory_space<semaphore_mem>>) src(%arg15 : memref<96x128xf32, #tpu.memory_space<vmem>>) dst(%dma_wait3A_102 : memref<96x128xf32, #tpu.memory_space<vmem_shared>>)
      tpu.yield
    }) : () -> ()
    %mul3A_15 = arith.constant 632 : i32
    %mul3A_16 = arith.muli %arg1, %mul3A_15 : i32
    %add3A_17 = arith.constant 96 : i32
    %add3A_18 = arith.addi %mul3A_16, %add3A_17 : i32
    "tpu.region"() ({
      %run_scoped3A = tpu.sem_alloc : memref<!tpu.dma_semaphore, #tpu.memory_space<semaphore_mem>>
      %dma_start3A_95 = arith.constant 0 : i32
      %dma_start3A_96 = tpu.memref_slice %arg17[%add3A_18, %dma_start3A_95] : memref<10112x128xf32, #tpu.memory_space<vmem_shared>> -> memref<96x128xf32, #tpu.memory_space<vmem_shared>>
      %dma_start3A_97 = arith.constant 0 : i32
      %dma_start3A_98 = tpu.memref_slice %arg17[%add3A_18, %dma_start3A_97] : memref<10112x128xf32, #tpu.memory_space<vmem_shared>> -> memref<96x128xf32, #tpu.memory_space<vmem_shared>>
      tpu.enqueue_dma source(%arg15 : memref<96x128xf32, #tpu.memory_space<vmem>>) target(%dma_start3A_98 : memref<96x128xf32, #tpu.memory_space<vmem_shared>>) target_semaphore(%run_scoped3A : memref<!tpu.dma_semaphore, #tpu.memory_space<semaphore_mem>>)
      %dma_wait3A_99 = arith.constant 0 : i32
      %dma_wait3A_100 = tpu.memref_slice %arg17[%add3A_18, %dma_wait3A_99] : memref<10112x128xf32, #tpu.memory_space<vmem_shared>> -> memref<96x128xf32, #tpu.memory_space<vmem_shared>>
      %dma_wait3A_101 = arith.constant 0 : i32
      %dma_wait3A_102 = tpu.memref_slice %arg17[%add3A_18, %dma_wait3A_101] : memref<10112x128xf32, #tpu.memory_space<vmem_shared>> -> memref<96x128xf32, #tpu.memory_space<vmem_shared>>
      tpu.wait_dma2 semaphore(%run_scoped3A : memref<!tpu.dma_semaphore, #tpu.memory_space<semaphore_mem>>) src(%arg15 : memref<96x128xf32, #tpu.memory_space<vmem>>) dst(%dma_wait3A_102 : memref<96x128xf32, #tpu.memory_space<vmem_shared>>)
      tpu.yield
    }) : () -> ()
    %mul3A_19 = arith.constant 632 : i32
    %mul3A_20 = arith.muli %arg1, %mul3A_19 : i32
    %add3A_21 = arith.constant 192 : i32
    %add3A_22 = arith.addi %mul3A_20, %add3A_21 : i32
    "tpu.region"() ({
      %run_scoped3A = tpu.sem_alloc : memref<!tpu.dma_semaphore, #tpu.memory_space<semaphore_mem>>
      %dma_start3A_95 = arith.constant 0 : i32
      %dma_start3A_96 = tpu.memref_slice %arg17[%add3A_22, %dma_start3A_95] : memref<10112x128xf32, #tpu.memory_space<vmem_shared>> -> memref<96x128xf32, #tpu.memory_space<vmem_shared>>
      %dma_start3A_97 = arith.constant 0 : i32
      %dma_start3A_98 = tpu.memref_slice %arg17[%add3A_22, %dma_start3A_97] : memref<10112x128xf32, #tpu.memory_space<vmem_shared>> -> memref<96x128xf32, #tpu.memory_space<vmem_shared>>
      tpu.enqueue_dma source(%arg15 : memref<96x128xf32, #tpu.memory_space<vmem>>) target(%dma_start3A_98 : memref<96x128xf32, #tpu.memory_space<vmem_shared>>) target_semaphore(%run_scoped3A : memref<!tpu.dma_semaphore, #tpu.memory_space<semaphore_mem>>)
      %dma_wait3A_99 = arith.constant 0 : i32
      %dma_wait3A_100 = tpu.memref_slice %arg17[%add3A_22, %dma_wait3A_99] : memref<10112x128xf32, #tpu.memory_space<vmem_shared>> -> memref<96x128xf32, #tpu.memory_space<vmem_shared>>
      %dma_wait3A_101 = arith.constant 0 : i32
      %dma_wait3A_102 = tpu.memref_slice %arg17[%add3A_22, %dma_wait3A_101] : memref<10112x128xf32, #tpu.memory_space<vmem_shared>> -> memref<96x128xf32, #tpu.memory_space<vmem_shared>>
      tpu.wait_dma2 semaphore(%run_scoped3A : memref<!tpu.dma_semaphore, #tpu.memory_space<semaphore_mem>>) src(%arg15 : memref<96x128xf32, #tpu.memory_space<vmem>>) dst(%dma_wait3A_102 : memref<96x128xf32, #tpu.memory_space<vmem_shared>>)
      tpu.yield
    }) : () -> ()
    %mul3A_23 = arith.constant 632 : i32
    %mul3A_24 = arith.muli %arg1, %mul3A_23 : i32
    %add3A_25 = arith.constant 288 : i32
    %add3A_26 = arith.addi %mul3A_24, %add3A_25 : i32
    "tpu.region"() ({
      %run_scoped3A = tpu.sem_alloc : memref<!tpu.dma_semaphore, #tpu.memory_space<semaphore_mem>>
      %dma_start3A_95 = arith.constant 0 : i32
      %dma_start3A_96 = tpu.memref_slice %arg17[%add3A_26, %dma_start3A_95] : memref<10112x128xf32, #tpu.memory_space<vmem_shared>> -> memref<96x128xf32, #tpu.memory_space<vmem_shared>>
      %dma_start3A_97 = arith.constant 0 : i32
      %dma_start3A_98 = tpu.memref_slice %arg17[%add3A_26, %dma_start3A_97] : memref<10112x128xf32, #tpu.memory_space<vmem_shared>> -> memref<96x128xf32, #tpu.memory_space<vmem_shared>>
      tpu.enqueue_dma source(%arg15 : memref<96x128xf32, #tpu.memory_space<vmem>>) target(%dma_start3A_98 : memref<96x128xf32, #tpu.memory_space<vmem_shared>>) target_semaphore(%run_scoped3A : memref<!tpu.dma_semaphore, #tpu.memory_space<semaphore_mem>>)
      %dma_wait3A_99 = arith.constant 0 : i32
      %dma_wait3A_100 = tpu.memref_slice %arg17[%add3A_26, %dma_wait3A_99] : memref<10112x128xf32, #tpu.memory_space<vmem_shared>> -> memref<96x128xf32, #tpu.memory_space<vmem_shared>>
      %dma_wait3A_101 = arith.constant 0 : i32
      %dma_wait3A_102 = tpu.memref_slice %arg17[%add3A_26, %dma_wait3A_101] : memref<10112x128xf32, #tpu.memory_space<vmem_shared>> -> memref<96x128xf32, #tpu.memory_space<vmem_shared>>
      tpu.wait_dma2 semaphore(%run_scoped3A : memref<!tpu.dma_semaphore, #tpu.memory_space<semaphore_mem>>) src(%arg15 : memref<96x128xf32, #tpu.memory_space<vmem>>) dst(%dma_wait3A_102 : memref<96x128xf32, #tpu.memory_space<vmem_shared>>)
      tpu.yield
    }) : () -> ()
    %mul3A_27 = arith.constant 632 : i32
    %mul3A_28 = arith.muli %arg1, %mul3A_27 : i32
    %add3A_29 = arith.constant 384 : i32
    %add3A_30 = arith.addi %mul3A_28, %add3A_29 : i32
    "tpu.region"() ({
      %run_scoped3A = tpu.sem_alloc : memref<!tpu.dma_semaphore, #tpu.memory_space<semaphore_mem>>
      %dma_start3A_95 = arith.constant 0 : i32
      %dma_start3A_96 = tpu.memref_slice %arg17[%add3A_30, %dma_start3A_95] : memref<10112x128xf32, #tpu.memory_space<vmem_shared>> -> memref<96x128xf32, #tpu.memory_space<vmem_shared>>
      %dma_start3A_97 = arith.constant 0 : i32
      %dma_start3A_98 = tpu.memref_slice %arg17[%add3A_30, %dma_start3A_97] : memref<10112x128xf32, #tpu.memory_space<vmem_shared>> -> memref<96x128xf32, #tpu.memory_space<vmem_shared>>
      tpu.enqueue_dma source(%arg15 : memref<96x128xf32, #tpu.memory_space<vmem>>) target(%dma_start3A_98 : memref<96x128xf32, #tpu.memory_space<vmem_shared>>) target_semaphore(%run_scoped3A : memref<!tpu.dma_semaphore, #tpu.memory_space<semaphore_mem>>)
      %dma_wait3A_99 = arith.constant 0 : i32
      %dma_wait3A_100 = tpu.memref_slice %arg17[%add3A_30, %dma_wait3A_99] : memref<10112x128xf32, #tpu.memory_space<vmem_shared>> -> memref<96x128xf32, #tpu.memory_space<vmem_shared>>
      %dma_wait3A_101 = arith.constant 0 : i32
      %dma_wait3A_102 = tpu.memref_slice %arg17[%add3A_30, %dma_wait3A_101] : memref<10112x128xf32, #tpu.memory_space<vmem_shared>> -> memref<96x128xf32, #tpu.memory_space<vmem_shared>>
      tpu.wait_dma2 semaphore(%run_scoped3A : memref<!tpu.dma_semaphore, #tpu.memory_space<semaphore_mem>>) src(%arg15 : memref<96x128xf32, #tpu.memory_space<vmem>>) dst(%dma_wait3A_102 : memref<96x128xf32, #tpu.memory_space<vmem_shared>>)
      tpu.yield
    }) : () -> ()
    %mul3A_31 = arith.constant 632 : i32
    %mul3A_32 = arith.muli %arg1, %mul3A_31 : i32
    %add3A_33 = arith.constant 480 : i32
    %add3A_34 = arith.addi %mul3A_32, %add3A_33 : i32
    "tpu.region"() ({
      %run_scoped3A = tpu.sem_alloc : memref<!tpu.dma_semaphore, #tpu.memory_space<semaphore_mem>>
      %dma_start3A_95 = arith.constant 0 : i32
      %dma_start3A_96 = tpu.memref_slice %arg17[%add3A_34, %dma_start3A_95] : memref<10112x128xf32, #tpu.memory_space<vmem_shared>> -> memref<96x128xf32, #tpu.memory_space<vmem_shared>>
      %dma_start3A_97 = arith.constant 0 : i32
      %dma_start3A_98 = tpu.memref_slice %arg17[%add3A_34, %dma_start3A_97] : memref<10112x128xf32, #tpu.memory_space<vmem_shared>> -> memref<96x128xf32, #tpu.memory_space<vmem_shared>>
      tpu.enqueue_dma source(%arg15 : memref<96x128xf32, #tpu.memory_space<vmem>>) target(%dma_start3A_98 : memref<96x128xf32, #tpu.memory_space<vmem_shared>>) target_semaphore(%run_scoped3A : memref<!tpu.dma_semaphore, #tpu.memory_space<semaphore_mem>>)
      %dma_wait3A_99 = arith.constant 0 : i32
      %dma_wait3A_100 = tpu.memref_slice %arg17[%add3A_34, %dma_wait3A_99] : memref<10112x128xf32, #tpu.memory_space<vmem_shared>> -> memref<96x128xf32, #tpu.memory_space<vmem_shared>>
      %dma_wait3A_101 = arith.constant 0 : i32
      %dma_wait3A_102 = tpu.memref_slice %arg17[%add3A_34, %dma_wait3A_101] : memref<10112x128xf32, #tpu.memory_space<vmem_shared>> -> memref<96x128xf32, #tpu.memory_space<vmem_shared>>
      tpu.wait_dma2 semaphore(%run_scoped3A : memref<!tpu.dma_semaphore, #tpu.memory_space<semaphore_mem>>) src(%arg15 : memref<96x128xf32, #tpu.memory_space<vmem>>) dst(%dma_wait3A_102 : memref<96x128xf32, #tpu.memory_space<vmem_shared>>)
      tpu.yield
    }) : () -> ()
    %mul3A_35 = arith.constant 632 : i32
    %mul3A_36 = arith.muli %arg1, %mul3A_35 : i32
    %add3A_37 = arith.constant 576 : i32
    %add3A_38 = arith.addi %mul3A_36, %add3A_37 : i32
    "tpu.region"() ({
      %run_scoped3A = tpu.sem_alloc : memref<!tpu.dma_semaphore, #tpu.memory_space<semaphore_mem>>
      %dma_start3A_95 = arith.constant 0 : i32
      %dma_start3A_96 = arith.constant 0 : i32
      %dma_start3A_97 = tpu.memref_slice %arg15[%dma_start3A_95, %dma_start3A_96] : memref<96x128xf32, #tpu.memory_space<vmem>> -> memref<56x128xf32, #tpu.memory_space<vmem>>
      %dma_start3A_98 = arith.constant 0 : i32
      %dma_start3A_99 = tpu.memref_slice %arg17[%add3A_38, %dma_start3A_98] : memref<10112x128xf32, #tpu.memory_space<vmem_shared>> -> memref<56x128xf32, #tpu.memory_space<vmem_shared>>
      %dma_start3A_100 = arith.constant 0 : i32
      %dma_start3A_101 = tpu.memref_slice %arg17[%add3A_38, %dma_start3A_100] : memref<10112x128xf32, #tpu.memory_space<vmem_shared>> -> memref<56x128xf32, #tpu.memory_space<vmem_shared>>
      %dma_start3A_102 = arith.constant 0 : i32
      %dma_start3A_103 = arith.constant 0 : i32
      %dma_start3A_104 = tpu.memref_slice %arg15[%dma_start3A_102, %dma_start3A_103] : memref<96x128xf32, #tpu.memory_space<vmem>> -> memref<56x128xf32, #tpu.memory_space<vmem>>
      tpu.enqueue_dma source(%dma_start3A_104 : memref<56x128xf32, #tpu.memory_space<vmem>>) target(%dma_start3A_101 : memref<56x128xf32, #tpu.memory_space<vmem_shared>>) target_semaphore(%run_scoped3A : memref<!tpu.dma_semaphore, #tpu.memory_space<semaphore_mem>>)
      %dma_wait3A_105 = arith.constant 0 : i32
      %dma_wait3A_106 = arith.constant 0 : i32
      %dma_wait3A_107 = tpu.memref_slice %arg15[%dma_wait3A_105, %dma_wait3A_106] : memref<96x128xf32, #tpu.memory_space<vmem>> -> memref<56x128xf32, #tpu.memory_space<vmem>>
      %dma_wait3A_108 = arith.constant 0 : i32
      %dma_wait3A_109 = tpu.memref_slice %arg17[%add3A_38, %dma_wait3A_108] : memref<10112x128xf32, #tpu.memory_space<vmem_shared>> -> memref<56x128xf32, #tpu.memory_space<vmem_shared>>
      %dma_wait3A_110 = arith.constant 0 : i32
      %dma_wait3A_111 = tpu.memref_slice %arg17[%add3A_38, %dma_wait3A_110] : memref<10112x128xf32, #tpu.memory_space<vmem_shared>> -> memref<56x128xf32, #tpu.memory_space<vmem_shared>>
      %dma_wait3A_112 = arith.constant 0 : i32
      %dma_wait3A_113 = arith.constant 0 : i32
      %dma_wait3A_114 = tpu.memref_slice %arg15[%dma_wait3A_112, %dma_wait3A_113] : memref<96x128xf32, #tpu.memory_space<vmem>> -> memref<56x128xf32, #tpu.memory_space<vmem>>
      tpu.wait_dma2 semaphore(%run_scoped3A : memref<!tpu.dma_semaphore, #tpu.memory_space<semaphore_mem>>) src(%dma_wait3A_114 : memref<56x128xf32, #tpu.memory_space<vmem>>) dst(%dma_wait3A_111 : memref<56x128xf32, #tpu.memory_space<vmem_shared>>)
      tpu.yield
    }) : () -> ()
    %barrier3A = arith.constant 0 : index
    tpu.barrier barrier_id(%barrier3A)
    %dma_start3A = arith.constant 0 : i32
    %dma_start3A_39 = arith.constant 0 : i32
    %dma_start3A_40 = arith.constant 0 : i32
    %dma_start3A_41 = tpu.memref_slice %arg2[%add3A, %dma_start3A, %dma_start3A_39, %dma_start3A_40] : memref<32x106x2x96xi32, #tpu.memory_space<hbm>> -> memref<1x1x2x96xi32, #tpu.memory_space<hbm>>
    %dma_start3A_42 = tpu.memref_squeeze %dma_start3A_41 : memref<1x1x2x96xi32, #tpu.memory_space<hbm>> -> memref<2x96xi32, #tpu.memory_space<hbm>>
    %dma_start3A_43 = arith.constant 0 : i32
    %dma_start3A_44 = arith.constant 0 : i32
    %dma_start3A_45 = tpu.memref_slice %arg2[%add3A, %dma_start3A, %dma_start3A_43, %dma_start3A_44] : memref<32x106x2x96xi32, #tpu.memory_space<hbm>> -> memref<1x1x2x96xi32, #tpu.memory_space<hbm>>
    %dma_start3A_46 = tpu.memref_squeeze %dma_start3A_45 : memref<1x1x2x96xi32, #tpu.memory_space<hbm>> -> memref<2x96xi32, #tpu.memory_space<hbm>>
    tpu.enqueue_dma source(%dma_start3A_46 : memref<2x96xi32, #tpu.memory_space<hbm>>) target(%arg9 : memref<2x96xi32, #tpu.memory_space<vmem>>) target_semaphore(%arg18 : memref<!tpu.dma_semaphore, #tpu.memory_space<semaphore_mem>>)
    %dma_start3A_47 = arith.constant 1 : i32
    %dma_start3A_48 = arith.constant 0 : i32
    %dma_start3A_49 = arith.constant 0 : i32
    %dma_start3A_50 = tpu.memref_slice %arg2[%add3A, %dma_start3A_47, %dma_start3A_48, %dma_start3A_49] : memref<32x106x2x96xi32, #tpu.memory_space<hbm>> -> memref<1x1x2x96xi32, #tpu.memory_space<hbm>>
    %dma_start3A_51 = tpu.memref_squeeze %dma_start3A_50 : memref<1x1x2x96xi32, #tpu.memory_space<hbm>> -> memref<2x96xi32, #tpu.memory_space<hbm>>
    %dma_start3A_52 = arith.constant 0 : i32
    %dma_start3A_53 = arith.constant 0 : i32
    %dma_start3A_54 = tpu.memref_slice %arg2[%add3A, %dma_start3A_47, %dma_start3A_52, %dma_start3A_53] : memref<32x106x2x96xi32, #tpu.memory_space<hbm>> -> memref<1x1x2x96xi32, #tpu.memory_space<hbm>>
    %dma_start3A_55 = tpu.memref_squeeze %dma_start3A_54 : memref<1x1x2x96xi32, #tpu.memory_space<hbm>> -> memref<2x96xi32, #tpu.memory_space<hbm>>
    tpu.enqueue_dma source(%dma_start3A_55 : memref<2x96xi32, #tpu.memory_space<hbm>>) target(%arg10 : memref<2x96xi32, #tpu.memory_space<vmem>>) target_semaphore(%arg19 : memref<!tpu.dma_semaphore, #tpu.memory_space<semaphore_mem>>)
    %dma_wait3A = arith.constant 0 : i32
    %dma_wait3A_56 = arith.constant 0 : i32
    %dma_wait3A_57 = arith.constant 0 : i32
    %dma_wait3A_58 = tpu.memref_slice %arg2[%add3A, %dma_wait3A, %dma_wait3A_56, %dma_wait3A_57] : memref<32x106x2x96xi32, #tpu.memory_space<hbm>> -> memref<1x1x2x96xi32, #tpu.memory_space<hbm>>
    %dma_wait3A_59 = tpu.memref_squeeze %dma_wait3A_58 : memref<1x1x2x96xi32, #tpu.memory_space<hbm>> -> memref<2x96xi32, #tpu.memory_space<hbm>>
    %dma_wait3A_60 = arith.constant 0 : i32
    %dma_wait3A_61 = arith.constant 0 : i32
    %dma_wait3A_62 = tpu.memref_slice %arg2[%add3A, %dma_wait3A, %dma_wait3A_60, %dma_wait3A_61] : memref<32x106x2x96xi32, #tpu.memory_space<hbm>> -> memref<1x1x2x96xi32, #tpu.memory_space<hbm>>
    %dma_wait3A_63 = tpu.memref_squeeze %dma_wait3A_62 : memref<1x1x2x96xi32, #tpu.memory_space<hbm>> -> memref<2x96xi32, #tpu.memory_space<hbm>>
    tpu.wait_dma2 semaphore(%arg18 : memref<!tpu.dma_semaphore, #tpu.memory_space<semaphore_mem>>) src(%dma_wait3A_63 : memref<2x96xi32, #tpu.memory_space<hbm>>) dst(%arg9 : memref<2x96xi32, #tpu.memory_space<vmem>>)
    %dma_start3A_64 = arith.constant 0 : i32
    %dma_start3A_65 = arith.constant 0 : i32
    %dma_start3A_66 = tpu.memref_slice %arg9[%dma_start3A_64, %dma_start3A_65] : memref<2x96xi32, #tpu.memory_space<vmem>> -> memref<1x96xi32, #tpu.memory_space<vmem>>
    %dma_start3A_67 = tpu.memref_squeeze %dma_start3A_66 : memref<1x96xi32, #tpu.memory_space<vmem>> -> memref<96xi32, #tpu.memory_space<vmem>>
    %dma_start3A_68 = arith.constant 0 : i32
    %dma_start3A_69 = arith.constant 0 : i32
    %dma_start3A_70 = tpu.memref_slice %arg5[%dma_start3A_68, %dma_start3A_69] : memref<10112x128xf32, #tpu.memory_space<hbm>> -> memref<10112x128xf32, #tpu.memory_space<hbm>>
    tpu.enqueue_indirect_dma source(%dma_start3A_70 : memref<10112x128xf32, #tpu.memory_space<hbm>>) target(%arg15 : memref<96x128xf32, #tpu.memory_space<vmem>>) offsets(%dma_start3A_67 : memref<96xi32, #tpu.memory_space<vmem>>) semaphore(%arg20 : memref<!tpu.dma_semaphore, #tpu.memory_space<semaphore_mem>>)
    %scan3A_71 = arith.constant 0 : i32
    %scan3A_72 = arith.constant 53 : i32
    %scan3A_73 = arith.addi %scan3A_71, %scan3A_72 : i32
    %scan3A_74 = arith.constant 1 : i32
    scf.for %scan3A_95 = %scan3A_71 to %scan3A_73 step %scan3A_74  : i32 {
      %mul3A_96 = arith.constant 2 : i32
      %mul3A_97 = arith.muli %scan3A_95, %mul3A_96 : i32
      %add3A_98 = arith.constant 0 : i32
      %add3A_99 = arith.addi %add3A_98, %mul3A_97 : i32
      %get3A = arith.constant 0 : i32
      %get3A_100 = arith.index_cast %get3A : i32 to index
      %get3A_101 = arith.constant 0 : index
      %get3A_102 = tpu.vector_load %arg9[%get3A_100, %get3A_101] {strides = array<i32>} : memref<2x96xi32, #tpu.memory_space<vmem>>, vector<16xi32>,
      %get3A_103 = arith.constant 1 : i32
      %get3A_104 = arith.index_cast %get3A_103 : i32 to index
      %get3A_105 = arith.constant 0 : index
      %get3A_106 = tpu.vector_load %arg9[%get3A_104, %get3A_105] {strides = array<i32>} : memref<2x96xi32, #tpu.memory_space<vmem>>, vector<16xi32>,
      %swap3A = arith.constant 0 : i32
      %swap3A_107 = arith.index_cast %swap3A : i32 to index
      %swap3A_108 = arith.constant 0 : index
      %swap3A_109 = tpu.vector_load %arg11[%swap3A_107, %swap3A_108] {strides = array<i32>} : memref<1x96xi32, #tpu.memory_space<vmem>>, vector<16xi32>,
      tpu.vector_store %arg11[%swap3A_107, %swap3A_108], %get3A_106 {strides = array<i32>} : memref<1x96xi32, #tpu.memory_space<vmem>>, vector<16xi32>,
      %gather3A = tpu.vector_load_idx %arg7[%get3A_102] : memref<10112xf32, #tpu.memory_space<vmem>>[vector<16xi32>], vector<16xf32>,
      %gather3A_110 = tpu.vector_load_idx %arg8[%get3A_106] : memref<10112xf32, #tpu.memory_space<vmem>>[vector<16xi32>], vector<16xf32>,
      %add3A_111 = arith.addf %gather3A, %gather3A_110 : vector<16xf32>
      %ge3A = arith.constant 0.000000e+00 : f32
      %ge3A_112 = vector.broadcast %ge3A : f32 to vector<16xf32>
      %ge3A_113 = arith.cmpf oge, %add3A_111, %ge3A_112 : vector<16xf32>
      %mul3A_114 = arith.constant 2.000000e-01 : f32
      %mul3A_115 = vector.broadcast %mul3A_114 : f32 to vector<16xf32>
      %mul3A_116 = arith.mulf %mul3A_115, %add3A_111 : vector<16xf32>
      %select_n3A_117 = arith.select %ge3A_113, %add3A_111, %mul3A_116 : vector<16xi1>, vector<16xf32>
      %exp3A = math.exp %select_n3A_117 : vector<16xf32>
      %swap3A_118 = arith.constant 0 : index
      %swap3A_119 = tpu.vector_load %arg13[%swap3A_118] {strides = array<i32>} : memref<96xf32, #tpu.memory_space<vmem>>, vector<16xf32>,
      tpu.vector_store %arg13[%swap3A_118], %exp3A {strides = array<i32>} : memref<96xf32, #tpu.memory_space<vmem>>, vector<16xf32>,
      %get3A_120 = arith.constant 0 : i32
      %get3A_121 = arith.index_cast %get3A_120 : i32 to index
      %get3A_122 = arith.constant 16 : index
      %get3A_123 = tpu.vector_load %arg9[%get3A_121, %get3A_122] {strides = array<i32>} : memref<2x96xi32, #tpu.memory_space<vmem>>, vector<16xi32>,
      %get3A_124 = arith.constant 1 : i32
      %get3A_125 = arith.index_cast %get3A_124 : i32 to index
      %get3A_126 = arith.constant 16 : index
      %get3A_127 = tpu.vector_load %arg9[%get3A_125, %get3A_126] {strides = array<i32>} : memref<2x96xi32, #tpu.memory_space<vmem>>, vector<16xi32>,
      %swap3A_128 = arith.constant 0 : i32
      %swap3A_129 = arith.index_cast %swap3A_128 : i32 to index
      %swap3A_130 = arith.constant 16 : index
      %swap3A_131 = tpu.vector_load %arg11[%swap3A_129, %swap3A_130] {strides = array<i32>} : memref<1x96xi32, #tpu.memory_space<vmem>>, vector<16xi32>,
      tpu.vector_store %arg11[%swap3A_129, %swap3A_130], %get3A_127 {strides = array<i32>} : memref<1x96xi32, #tpu.memory_space<vmem>>, vector<16xi32>,
      %gather3A_132 = tpu.vector_load_idx %arg7[%get3A_123] : memref<10112xf32, #tpu.memory_space<vmem>>[vector<16xi32>], vector<16xf32>,
      %gather3A_133 = tpu.vector_load_idx %arg8[%get3A_127] : memref<10112xf32, #tpu.memory_space<vmem>>[vector<16xi32>], vector<16xf32>,
      %add3A_134 = arith.addf %gather3A_132, %gather3A_133 : vector<16xf32>
      %ge3A_135 = arith.constant 0.000000e+00 : f32
      %ge3A_136 = vector.broadcast %ge3A_135 : f32 to vector<16xf32>
      %ge3A_137 = arith.cmpf oge, %add3A_134, %ge3A_136 : vector<16xf32>
      %mul3A_138 = arith.constant 2.000000e-01 : f32
      %mul3A_139 = vector.broadcast %mul3A_138 : f32 to vector<16xf32>
      %mul3A_140 = arith.mulf %mul3A_139, %add3A_134 : vector<16xf32>
      %select_n3A_141 = arith.select %ge3A_137, %add3A_134, %mul3A_140 : vector<16xi1>, vector<16xf32>
      %exp3A_142 = math.exp %select_n3A_141 : vector<16xf32>
      %swap3A_143 = arith.constant 16 : index
      %swap3A_144 = tpu.vector_load %arg13[%swap3A_143] {strides = array<i32>} : memref<96xf32, #tpu.memory_space<vmem>>, vector<16xf32>,
      tpu.vector_store %arg13[%swap3A_143], %exp3A_142 {strides = array<i32>} : memref<96xf32, #tpu.memory_space<vmem>>, vector<16xf32>,
      %get3A_145 = arith.constant 0 : i32
      %get3A_146 = arith.index_cast %get3A_145 : i32 to index
      %get3A_147 = arith.constant 32 : index
      %get3A_148 = tpu.vector_load %arg9[%get3A_146, %get3A_147] {strides = array<i32>} : memref<2x96xi32, #tpu.memory_space<vmem>>, vector<16xi32>,
      %get3A_149 = arith.constant 1 : i32
      %get3A_150 = arith.index_cast %get3A_149 : i32 to index
      %get3A_151 = arith.constant 32 : index
      %get3A_152 = tpu.vector_load %arg9[%get3A_150, %get3A_151] {strides = array<i32>} : memref<2x96xi32, #tpu.memory_space<vmem>>, vector<16xi32>,
      %swap3A_153 = arith.constant 0 : i32
      %swap3A_154 = arith.index_cast %swap3A_153 : i32 to index
      %swap3A_155 = arith.constant 32 : index
      %swap3A_156 = tpu.vector_load %arg11[%swap3A_154, %swap3A_155] {strides = array<i32>} : memref<1x96xi32, #tpu.memory_space<vmem>>, vector<16xi32>,
      tpu.vector_store %arg11[%swap3A_154, %swap3A_155], %get3A_152 {strides = array<i32>} : memref<1x96xi32, #tpu.memory_space<vmem>>, vector<16xi32>,
      %gather3A_157 = tpu.vector_load_idx %arg7[%get3A_148] : memref<10112xf32, #tpu.memory_space<vmem>>[vector<16xi32>], vector<16xf32>,
      %gather3A_158 = tpu.vector_load_idx %arg8[%get3A_152] : memref<10112xf32, #tpu.memory_space<vmem>>[vector<16xi32>], vector<16xf32>,
      %add3A_159 = arith.addf %gather3A_157, %gather3A_158 : vector<16xf32>
      %ge3A_160 = arith.constant 0.000000e+00 : f32
      %ge3A_161 = vector.broadcast %ge3A_160 : f32 to vector<16xf32>
      %ge3A_162 = arith.cmpf oge, %add3A_159, %ge3A_161 : vector<16xf32>
      %mul3A_163 = arith.constant 2.000000e-01 : f32
      %mul3A_164 = vector.broadcast %mul3A_163 : f32 to vector<16xf32>
      %mul3A_165 = arith.mulf %mul3A_164, %add3A_159 : vector<16xf32>
      %select_n3A_166 = arith.select %ge3A_162, %add3A_159, %mul3A_165 : vector<16xi1>, vector<16xf32>
      %exp3A_167 = math.exp %select_n3A_166 : vector<16xf32>
      %swap3A_168 = arith.constant 32 : index
      %swap3A_169 = tpu.vector_load %arg13[%swap3A_168] {strides = array<i32>} : memref<96xf32, #tpu.memory_space<vmem>>, vector<16xf32>,
      tpu.vector_store %arg13[%swap3A_168], %exp3A_167 {strides = array<i32>} : memref<96xf32, #tpu.memory_space<vmem>>, vector<16xf32>,
      %get3A_170 = arith.constant 0 : i32
      %get3A_171 = arith.index_cast %get3A_170 : i32 to index
      %get3A_172 = arith.constant 48 : index
      %get3A_173 = tpu.vector_load %arg9[%get3A_171, %get3A_172] {strides = array<i32>} : memref<2x96xi32, #tpu.memory_space<vmem>>, vector<16xi32>,
      %get3A_174 = arith.constant 1 : i32
      %get3A_175 = arith.index_cast %get3A_174 : i32 to index
      %get3A_176 = arith.constant 48 : index
      %get3A_177 = tpu.vector_load %arg9[%get3A_175, %get3A_176] {strides = array<i32>} : memref<2x96xi32, #tpu.memory_space<vmem>>, vector<16xi32>,
      %swap3A_178 = arith.constant 0 : i32
      %swap3A_179 = arith.index_cast %swap3A_178 : i32 to index
      %swap3A_180 = arith.constant 48 : index
      %swap3A_181 = tpu.vector_load %arg11[%swap3A_179, %swap3A_180] {strides = array<i32>} : memref<1x96xi32, #tpu.memory_space<vmem>>, vector<16xi32>,
      tpu.vector_store %arg11[%swap3A_179, %swap3A_180], %get3A_177 {strides = array<i32>} : memref<1x96xi32, #tpu.memory_space<vmem>>, vector<16xi32>,
      %gather3A_182 = tpu.vector_load_idx %arg7[%get3A_173] : memref<10112xf32, #tpu.memory_space<vmem>>[vector<16xi32>], vector<16xf32>,
      %gather3A_183 = tpu.vector_load_idx %arg8[%get3A_177] : memref<10112xf32, #tpu.memory_space<vmem>>[vector<16xi32>], vector<16xf32>,
      %add3A_184 = arith.addf %gather3A_182, %gather3A_183 : vector<16xf32>
      %ge3A_185 = arith.constant 0.000000e+00 : f32
      %ge3A_186 = vector.broadcast %ge3A_185 : f32 to vector<16xf32>
      %ge3A_187 = arith.cmpf oge, %add3A_184, %ge3A_186 : vector<16xf32>
      %mul3A_188 = arith.constant 2.000000e-01 : f32
      %mul3A_189 = vector.broadcast %mul3A_188 : f32 to vector<16xf32>
      %mul3A_190 = arith.mulf %mul3A_189, %add3A_184 : vector<16xf32>
      %select_n3A_191 = arith.select %ge3A_187, %add3A_184, %mul3A_190 : vector<16xi1>, vector<16xf32>
      %exp3A_192 = math.exp %select_n3A_191 : vector<16xf32>
      %swap3A_193 = arith.constant 48 : index
      %swap3A_194 = tpu.vector_load %arg13[%swap3A_193] {strides = array<i32>} : memref<96xf32, #tpu.memory_space<vmem>>, vector<16xf32>,
      tpu.vector_store %arg13[%swap3A_193], %exp3A_192 {strides = array<i32>} : memref<96xf32, #tpu.memory_space<vmem>>, vector<16xf32>,
      %get3A_195 = arith.constant 0 : i32
      %get3A_196 = arith.index_cast %get3A_195 : i32 to index
      %get3A_197 = arith.constant 64 : index
      %get3A_198 = tpu.vector_load %arg9[%get3A_196, %get3A_197] {strides = array<i32>} : memref<2x96xi32, #tpu.memory_space<vmem>>, vector<16xi32>,
      %get3A_199 = arith.constant 1 : i32
      %get3A_200 = arith.index_cast %get3A_199 : i32 to index
      %get3A_201 = arith.constant 64 : index
      %get3A_202 = tpu.vector_load %arg9[%get3A_200, %get3A_201] {strides = array<i32>} : memref<2x96xi32, #tpu.memory_space<vmem>>, vector<16xi32>,
      %swap3A_203 = arith.constant 0 : i32
      %swap3A_204 = arith.index_cast %swap3A_203 : i32 to index
      %swap3A_205 = arith.constant 64 : index
      %swap3A_206 = tpu.vector_load %arg11[%swap3A_204, %swap3A_205] {strides = array<i32>} : memref<1x96xi32, #tpu.memory_space<vmem>>, vector<16xi32>,
      tpu.vector_store %arg11[%swap3A_204, %swap3A_205], %get3A_202 {strides = array<i32>} : memref<1x96xi32, #tpu.memory_space<vmem>>, vector<16xi32>,
      %gather3A_207 = tpu.vector_load_idx %arg7[%get3A_198] : memref<10112xf32, #tpu.memory_space<vmem>>[vector<16xi32>], vector<16xf32>,
      %gather3A_208 = tpu.vector_load_idx %arg8[%get3A_202] : memref<10112xf32, #tpu.memory_space<vmem>>[vector<16xi32>], vector<16xf32>,
      %add3A_209 = arith.addf %gather3A_207, %gather3A_208 : vector<16xf32>
      %ge3A_210 = arith.constant 0.000000e+00 : f32
      %ge3A_211 = vector.broadcast %ge3A_210 : f32 to vector<16xf32>
      %ge3A_212 = arith.cmpf oge, %add3A_209, %ge3A_211 : vector<16xf32>
      %mul3A_213 = arith.constant 2.000000e-01 : f32
      %mul3A_214 = vector.broadcast %mul3A_213 : f32 to vector<16xf32>
      %mul3A_215 = arith.mulf %mul3A_214, %add3A_209 : vector<16xf32>
      %select_n3A_216 = arith.select %ge3A_212, %add3A_209, %mul3A_215 : vector<16xi1>, vector<16xf32>
      %exp3A_217 = math.exp %select_n3A_216 : vector<16xf32>
      %swap3A_218 = arith.constant 64 : index
      %swap3A_219 = tpu.vector_load %arg13[%swap3A_218] {strides = array<i32>} : memref<96xf32, #tpu.memory_space<vmem>>, vector<16xf32>,
      tpu.vector_store %arg13[%swap3A_218], %exp3A_217 {strides = array<i32>} : memref<96xf32, #tpu.memory_space<vmem>>, vector<16xf32>,
      %get3A_220 = arith.constant 0 : i32
      %get3A_221 = arith.index_cast %get3A_220 : i32 to index
      %get3A_222 = arith.constant 80 : index
      %get3A_223 = tpu.vector_load %arg9[%get3A_221, %get3A_222] {strides = array<i32>} : memref<2x96xi32, #tpu.memory_space<vmem>>, vector<16xi32>,
      %get3A_224 = arith.constant 1 : i32
      %get3A_225 = arith.index_cast %get3A_224 : i32 to index
      %get3A_226 = arith.constant 80 : index
      %get3A_227 = tpu.vector_load %arg9[%get3A_225, %get3A_226] {strides = array<i32>} : memref<2x96xi32, #tpu.memory_space<vmem>>, vector<16xi32>,
      %swap3A_228 = arith.constant 0 : i32
      %swap3A_229 = arith.index_cast %swap3A_228 : i32 to index
      %swap3A_230 = arith.constant 80 : index
      %swap3A_231 = tpu.vector_load %arg11[%swap3A_229, %swap3A_230] {strides = array<i32>} : memref<1x96xi32, #tpu.memory_space<vmem>>, vector<16xi32>,
      tpu.vector_store %arg11[%swap3A_229, %swap3A_230], %get3A_227 {strides = array<i32>} : memref<1x96xi32, #tpu.memory_space<vmem>>, vector<16xi32>,
      %gather3A_232 = tpu.vector_load_idx %arg7[%get3A_223] : memref<10112xf32, #tpu.memory_space<vmem>>[vector<16xi32>], vector<16xf32>,
      %gather3A_233 = tpu.vector_load_idx %arg8[%get3A_227] : memref<10112xf32, #tpu.memory_space<vmem>>[vector<16xi32>], vector<16xf32>,
      %add3A_234 = arith.addf %gather3A_232, %gather3A_233 : vector<16xf32>
      %ge3A_235 = arith.constant 0.000000e+00 : f32
      %ge3A_236 = vector.broadcast %ge3A_235 : f32 to vector<16xf32>
      %ge3A_237 = arith.cmpf oge, %add3A_234, %ge3A_236 : vector<16xf32>
      %mul3A_238 = arith.constant 2.000000e-01 : f32
      %mul3A_239 = vector.broadcast %mul3A_238 : f32 to vector<16xf32>
      %mul3A_240 = arith.mulf %mul3A_239, %add3A_234 : vector<16xf32>
      %select_n3A_241 = arith.select %ge3A_237, %add3A_234, %mul3A_240 : vector<16xi1>, vector<16xf32>
      %exp3A_242 = math.exp %select_n3A_241 : vector<16xf32>
      %swap3A_243 = arith.constant 80 : index
      %swap3A_244 = tpu.vector_load %arg13[%swap3A_243] {strides = array<i32>} : memref<96xf32, #tpu.memory_space<vmem>>, vector<16xf32>,
      tpu.vector_store %arg13[%swap3A_243], %exp3A_242 {strides = array<i32>} : memref<96xf32, #tpu.memory_space<vmem>>, vector<16xf32>,
      %dma_wait3A_245 = arith.constant 0 : i32
      %dma_wait3A_246 = arith.constant 0 : i32
      %dma_wait3A_247 = tpu.memref_slice %arg9[%dma_wait3A_245, %dma_wait3A_246] : memref<2x96xi32, #tpu.memory_space<vmem>> -> memref<1x96xi32, #tpu.memory_space<vmem>>
      %dma_wait3A_248 = tpu.memref_squeeze %dma_wait3A_247 : memref<1x96xi32, #tpu.memory_space<vmem>> -> memref<96xi32, #tpu.memory_space<vmem>>
      %dma_wait3A_249 = arith.constant 0 : i32
      %dma_wait3A_250 = arith.constant 0 : i32
      %dma_wait3A_251 = tpu.memref_slice %arg5[%dma_wait3A_249, %dma_wait3A_250] : memref<10112x128xf32, #tpu.memory_space<hbm>> -> memref<10112x128xf32, #tpu.memory_space<hbm>>
      tpu.wait_indirect_dma semaphore(%arg20 : memref<!tpu.dma_semaphore, #tpu.memory_space<semaphore_mem>>) src(%dma_wait3A_251 : memref<10112x128xf32, #tpu.memory_space<hbm>>) dst(%arg15 : memref<96x128xf32, #tpu.memory_space<vmem>>)
      %add3A_252 = arith.constant 2 : i32
      %add3A_253 = arith.addi %add3A_99, %add3A_252 : i32
      %lt3A = arith.constant 106 : i32
      %lt3A_254 = arith.cmpi slt, %add3A_253, %lt3A : i32
      %convert_element_type3A = arith.extui %lt3A_254 : i1 to i32
      %cond3A = arith.constant 0 : i32
      %cond3A_255 = arith.cmpi ne, %convert_element_type3A, %cond3A : i32
      scf.if %cond3A_255 {
        %add3A_460 = arith.constant 2 : i32
        %add3A_461 = arith.addi %add3A_99, %add3A_460 : i32
        %dma_start3A_462 = arith.constant 0 : i32
        %dma_start3A_463 = arith.constant 0 : i32
        %dma_start3A_464 = tpu.memref_slice %arg2[%add3A, %add3A_461, %dma_start3A_462, %dma_start3A_463] : memref<32x106x2x96xi32, #tpu.memory_space<hbm>> -> memref<1x1x2x96xi32, #tpu.memory_space<hbm>>
        %dma_start3A_465 = tpu.memref_squeeze %dma_start3A_464 : memref<1x1x2x96xi32, #tpu.memory_space<hbm>> -> memref<2x96xi32, #tpu.memory_space<hbm>>
        %dma_start3A_466 = arith.constant 0 : i32
        %dma_start3A_467 = arith.constant 0 : i32
        %dma_start3A_468 = tpu.memref_slice %arg2[%add3A, %add3A_461, %dma_start3A_466, %dma_start3A_467] : memref<32x106x2x96xi32, #tpu.memory_space<hbm>> -> memref<1x1x2x96xi32, #tpu.memory_space<hbm>>
        %dma_start3A_469 = tpu.memref_squeeze %dma_start3A_468 : memref<1x1x2x96xi32, #tpu.memory_space<hbm>> -> memref<2x96xi32, #tpu.memory_space<hbm>>
        tpu.enqueue_dma source(%dma_start3A_469 : memref<2x96xi32, #tpu.memory_space<hbm>>) target(%arg9 : memref<2x96xi32, #tpu.memory_space<vmem>>) target_semaphore(%arg18 : memref<!tpu.dma_semaphore, #tpu.memory_space<semaphore_mem>>)
      } else {
      }
      %add3A_256 = arith.constant 1 : i32
      %add3A_257 = arith.addi %add3A_99, %add3A_256 : i32
      %lt3A_258 = arith.constant 106 : i32
      %lt3A_259 = arith.cmpi slt, %add3A_257, %lt3A_258 : i32
      %convert_element_type3A_260 = arith.extui %lt3A_259 : i1 to i32
      %cond3A_261 = arith.constant 0 : i32
      %cond3A_262 = arith.cmpi ne, %convert_element_type3A_260, %cond3A_261 : i32
      scf.if %cond3A_262 {
        %add3A_460 = arith.constant 1 : i32
        %add3A_461 = arith.addi %add3A_99, %add3A_460 : i32
        %dma_wait3A_462 = arith.constant 0 : i32
        %dma_wait3A_463 = arith.constant 0 : i32
        %dma_wait3A_464 = tpu.memref_slice %arg2[%add3A, %add3A_461, %dma_wait3A_462, %dma_wait3A_463] : memref<32x106x2x96xi32, #tpu.memory_space<hbm>> -> memref<1x1x2x96xi32, #tpu.memory_space<hbm>>
        %dma_wait3A_465 = tpu.memref_squeeze %dma_wait3A_464 : memref<1x1x2x96xi32, #tpu.memory_space<hbm>> -> memref<2x96xi32, #tpu.memory_space<hbm>>
        %dma_wait3A_466 = arith.constant 0 : i32
        %dma_wait3A_467 = arith.constant 0 : i32
        %dma_wait3A_468 = tpu.memref_slice %arg2[%add3A, %add3A_461, %dma_wait3A_466, %dma_wait3A_467] : memref<32x106x2x96xi32, #tpu.memory_space<hbm>> -> memref<1x1x2x96xi32, #tpu.memory_space<hbm>>
        %dma_wait3A_469 = tpu.memref_squeeze %dma_wait3A_468 : memref<1x1x2x96xi32, #tpu.memory_space<hbm>> -> memref<2x96xi32, #tpu.memory_space<hbm>>
        tpu.wait_dma2 semaphore(%arg19 : memref<!tpu.dma_semaphore, #tpu.memory_space<semaphore_mem>>) src(%dma_wait3A_469 : memref<2x96xi32, #tpu.memory_space<hbm>>) dst(%arg10 : memref<2x96xi32, #tpu.memory_space<vmem>>)
        %ge3A_470 = arith.constant 1 : i32
        %ge3A_471 = arith.cmpi sge, %add3A_99, %ge3A_470 : i32
        %convert_element_type3A_472 = arith.extui %ge3A_471 : i1 to i32
        %cond3A_473 = arith.constant 0 : i32
        %cond3A_474 = arith.cmpi ne, %convert_element_type3A_472, %cond3A_473 : i32
        scf.if %cond3A_474 {
          %dma_wait3A_482 = arith.constant 0 : i32
          %dma_wait3A_483 = arith.constant 0 : i32
          %dma_wait3A_484 = tpu.memref_slice %arg12[%dma_wait3A_482, %dma_wait3A_483] : memref<1x96xi32, #tpu.memory_space<vmem>> -> memref<1x96xi32, #tpu.memory_space<vmem>>
          %dma_wait3A_485 = tpu.memref_squeeze %dma_wait3A_484 : memref<1x96xi32, #tpu.memory_space<vmem>> -> memref<96xi32, #tpu.memory_space<vmem>>
          %dma_wait3A_486 = arith.constant 0 : i32
          %dma_wait3A_487 = arith.constant 0 : i32
          %dma_wait3A_488 = tpu.memref_slice %arg17[%dma_wait3A_486, %dma_wait3A_487] : memref<10112x128xf32, #tpu.memory_space<vmem_shared>> -> memref<10112x128xf32, #tpu.memory_space<vmem_shared>>
          tpu.wait_indirect_dma semaphore(%arg23 : memref<!tpu.dma_semaphore, #tpu.memory_space<semaphore_mem>>) src(%arg16 : memref<96x128xf32, #tpu.memory_space<vmem>>) dst(%dma_wait3A_488 : memref<10112x128xf32, #tpu.memory_space<vmem_shared>>)
        } else {
        }
        %dma_start3A_475 = arith.constant 0 : i32
        %dma_start3A_476 = arith.constant 0 : i32
        %dma_start3A_477 = tpu.memref_slice %arg10[%dma_start3A_475, %dma_start3A_476] : memref<2x96xi32, #tpu.memory_space<vmem>> -> memref<1x96xi32, #tpu.memory_space<vmem>>
        %dma_start3A_478 = tpu.memref_squeeze %dma_start3A_477 : memref<1x96xi32, #tpu.memory_space<vmem>> -> memref<96xi32, #tpu.memory_space<vmem>>
        %dma_start3A_479 = arith.constant 0 : i32
        %dma_start3A_480 = arith.constant 0 : i32
        %dma_start3A_481 = tpu.memref_slice %arg5[%dma_start3A_479, %dma_start3A_480] : memref<10112x128xf32, #tpu.memory_space<hbm>> -> memref<10112x128xf32, #tpu.memory_space<hbm>>
        tpu.enqueue_indirect_dma source(%dma_start3A_481 : memref<10112x128xf32, #tpu.memory_space<hbm>>) target(%arg16 : memref<96x128xf32, #tpu.memory_space<vmem>>) offsets(%dma_start3A_478 : memref<96xi32, #tpu.memory_space<vmem>>) semaphore(%arg21 : memref<!tpu.dma_semaphore, #tpu.memory_space<semaphore_mem>>)
      } else {
      }
      %scan3A_263 = arith.constant 0 : i32
      %scan3A_264 = arith.constant 48 : i32
      %scan3A_265 = arith.addi %scan3A_263, %scan3A_264 : i32
      %scan3A_266 = arith.constant 1 : i32
      scf.for %scan3A_460 = %scan3A_263 to %scan3A_265 step %scan3A_266  : i32 {
        %mul3A_461 = arith.constant 2 : i32
        %mul3A_462 = arith.muli %scan3A_460, %mul3A_461 : i32
        %add3A_463 = arith.constant 0 : i32
        %add3A_464 = arith.addi %add3A_463, %mul3A_462 : i32
        %broadcast_in_dim3A_465 = arith.constant 0 : i32
        %broadcast_in_dim3A_466 = vector.broadcast %broadcast_in_dim3A_465 : i32 to vector<16xi32>
        %add3A_467 = vector.broadcast %add3A_464 : i32 to vector<16xi32>
        %add3A_468 = arith.addi %broadcast_in_dim3A_466, %add3A_467 : vector<16xi32>
        %gather3A_469 = tpu.vector_load_idx %arg13[%add3A_468] : memref<96xf32, #tpu.memory_space<vmem>>[vector<16xi32>], vector<16xf32>,
        %broadcast_in_dim3A_470 = arith.constant 0 : i32
        %broadcast_in_dim3A_471 = vector.broadcast %broadcast_in_dim3A_470 : i32 to vector<16xi32>
        %add3A_472 = arith.constant 1 : i32
        %add3A_473 = arith.addi %add3A_464, %add3A_472 : i32
        %add3A_474 = vector.broadcast %add3A_473 : i32 to vector<16xi32>
        %add3A_475 = arith.addi %broadcast_in_dim3A_471, %add3A_474 : vector<16xi32>
        %gather3A_476 = tpu.vector_load_idx %arg13[%add3A_475] : memref<96xf32, #tpu.memory_space<vmem>>[vector<16xi32>], vector<16xf32>,
        %get3A_477 = arith.index_cast %add3A_464 : i32 to index
        %get3A_478 = arith.constant 0 : index
        %get3A_479 = tpu.vector_load %arg15[%get3A_477, %get3A_478] {strides = array<i32>} : memref<96x128xf32, #tpu.memory_space<vmem>>, vector<16xf32>,
        %mul3A_480 = arith.mulf %get3A_479, %gather3A_469 : vector<16xf32>
        %add3A_481 = arith.constant 1 : i32
        %add3A_482 = arith.addi %add3A_464, %add3A_481 : i32
        %get3A_483 = arith.index_cast %add3A_482 : i32 to index
        %get3A_484 = arith.constant 0 : index
        %get3A_485 = tpu.vector_load %arg15[%get3A_483, %get3A_484] {strides = array<i32>} : memref<96x128xf32, #tpu.memory_space<vmem>>, vector<16xf32>,
        %mul3A_486 = arith.mulf %get3A_485, %gather3A_476 : vector<16xf32>
        %swap3A_487 = arith.index_cast %add3A_464 : i32 to index
        %swap3A_488 = arith.constant 0 : index
        %swap3A_489 = tpu.vector_load %arg15[%swap3A_487, %swap3A_488] {strides = array<i32>} : memref<96x128xf32, #tpu.memory_space<vmem>>, vector<16xf32>,
        tpu.vector_store %arg15[%swap3A_487, %swap3A_488], %mul3A_480 {strides = array<i32>} : memref<96x128xf32, #tpu.memory_space<vmem>>, vector<16xf32>,
        %add3A_490 = arith.constant 1 : i32
        %add3A_491 = arith.addi %add3A_464, %add3A_490 : i32
        %swap3A_492 = arith.index_cast %add3A_491 : i32 to index
        %swap3A_493 = arith.constant 0 : index
        %swap3A_494 = tpu.vector_load %arg15[%swap3A_492, %swap3A_493] {strides = array<i32>} : memref<96x128xf32, #tpu.memory_space<vmem>>, vector<16xf32>,
        tpu.vector_store %arg15[%swap3A_492, %swap3A_493], %mul3A_486 {strides = array<i32>} : memref<96x128xf32, #tpu.memory_space<vmem>>, vector<16xf32>,
        %get3A_495 = arith.index_cast %add3A_464 : i32 to index
        %get3A_496 = arith.constant 16 : index
        %get3A_497 = tpu.vector_load %arg15[%get3A_495, %get3A_496] {strides = array<i32>} : memref<96x128xf32, #tpu.memory_space<vmem>>, vector<16xf32>,
        %mul3A_498 = arith.mulf %get3A_497, %gather3A_469 : vector<16xf32>
        %add3A_499 = arith.constant 1 : i32
        %add3A_500 = arith.addi %add3A_464, %add3A_499 : i32
        %get3A_501 = arith.index_cast %add3A_500 : i32 to index
        %get3A_502 = arith.constant 16 : index
        %get3A_503 = tpu.vector_load %arg15[%get3A_501, %get3A_502] {strides = array<i32>} : memref<96x128xf32, #tpu.memory_space<vmem>>, vector<16xf32>,
        %mul3A_504 = arith.mulf %get3A_503, %gather3A_476 : vector<16xf32>
        %swap3A_505 = arith.index_cast %add3A_464 : i32 to index
        %swap3A_506 = arith.constant 16 : index
        %swap3A_507 = tpu.vector_load %arg15[%swap3A_505, %swap3A_506] {strides = array<i32>} : memref<96x128xf32, #tpu.memory_space<vmem>>, vector<16xf32>,
        tpu.vector_store %arg15[%swap3A_505, %swap3A_506], %mul3A_498 {strides = array<i32>} : memref<96x128xf32, #tpu.memory_space<vmem>>, vector<16xf32>,
        %add3A_508 = arith.constant 1 : i32
        %add3A_509 = arith.addi %add3A_464, %add3A_508 : i32
        %swap3A_510 = arith.index_cast %add3A_509 : i32 to index
        %swap3A_511 = arith.constant 16 : index
        %swap3A_512 = tpu.vector_load %arg15[%swap3A_510, %swap3A_511] {strides = array<i32>} : memref<96x128xf32, #tpu.memory_space<vmem>>, vector<16xf32>,
        tpu.vector_store %arg15[%swap3A_510, %swap3A_511], %mul3A_504 {strides = array<i32>} : memref<96x128xf32, #tpu.memory_space<vmem>>, vector<16xf32>,
        %get3A_513 = arith.index_cast %add3A_464 : i32 to index
        %get3A_514 = arith.constant 32 : index
        %get3A_515 = tpu.vector_load %arg15[%get3A_513, %get3A_514] {strides = array<i32>} : memref<96x128xf32, #tpu.memory_space<vmem>>, vector<16xf32>,
        %mul3A_516 = arith.mulf %get3A_515, %gather3A_469 : vector<16xf32>
        %add3A_517 = arith.constant 1 : i32
        %add3A_518 = arith.addi %add3A_464, %add3A_517 : i32
        %get3A_519 = arith.index_cast %add3A_518 : i32 to index
        %get3A_520 = arith.constant 32 : index
        %get3A_521 = tpu.vector_load %arg15[%get3A_519, %get3A_520] {strides = array<i32>} : memref<96x128xf32, #tpu.memory_space<vmem>>, vector<16xf32>,
        %mul3A_522 = arith.mulf %get3A_521, %gather3A_476 : vector<16xf32>
        %swap3A_523 = arith.index_cast %add3A_464 : i32 to index
        %swap3A_524 = arith.constant 32 : index
        %swap3A_525 = tpu.vector_load %arg15[%swap3A_523, %swap3A_524] {strides = array<i32>} : memref<96x128xf32, #tpu.memory_space<vmem>>, vector<16xf32>,
        tpu.vector_store %arg15[%swap3A_523, %swap3A_524], %mul3A_516 {strides = array<i32>} : memref<96x128xf32, #tpu.memory_space<vmem>>, vector<16xf32>,
        %add3A_526 = arith.constant 1 : i32
        %add3A_527 = arith.addi %add3A_464, %add3A_526 : i32
        %swap3A_528 = arith.index_cast %add3A_527 : i32 to index
        %swap3A_529 = arith.constant 32 : index
        %swap3A_530 = tpu.vector_load %arg15[%swap3A_528, %swap3A_529] {strides = array<i32>} : memref<96x128xf32, #tpu.memory_space<vmem>>, vector<16xf32>,
        tpu.vector_store %arg15[%swap3A_528, %swap3A_529], %mul3A_522 {strides = array<i32>} : memref<96x128xf32, #tpu.memory_space<vmem>>, vector<16xf32>,
        %get3A_531 = arith.index_cast %add3A_464 : i32 to index
        %get3A_532 = arith.constant 48 : index
        %get3A_533 = tpu.vector_load %arg15[%get3A_531, %get3A_532] {strides = array<i32>} : memref<96x128xf32, #tpu.memory_space<vmem>>, vector<16xf32>,
        %mul3A_534 = arith.mulf %get3A_533, %gather3A_469 : vector<16xf32>
        %add3A_535 = arith.constant 1 : i32
        %add3A_536 = arith.addi %add3A_464, %add3A_535 : i32
        %get3A_537 = arith.index_cast %add3A_536 : i32 to index
        %get3A_538 = arith.constant 48 : index
        %get3A_539 = tpu.vector_load %arg15[%get3A_537, %get3A_538] {strides = array<i32>} : memref<96x128xf32, #tpu.memory_space<vmem>>, vector<16xf32>,
        %mul3A_540 = arith.mulf %get3A_539, %gather3A_476 : vector<16xf32>
        %swap3A_541 = arith.index_cast %add3A_464 : i32 to index
        %swap3A_542 = arith.constant 48 : index
        %swap3A_543 = tpu.vector_load %arg15[%swap3A_541, %swap3A_542] {strides = array<i32>} : memref<96x128xf32, #tpu.memory_space<vmem>>, vector<16xf32>,
        tpu.vector_store %arg15[%swap3A_541, %swap3A_542], %mul3A_534 {strides = array<i32>} : memref<96x128xf32, #tpu.memory_space<vmem>>, vector<16xf32>,
        %add3A_544 = arith.constant 1 : i32
        %add3A_545 = arith.addi %add3A_464, %add3A_544 : i32
        %swap3A_546 = arith.index_cast %add3A_545 : i32 to index
        %swap3A_547 = arith.constant 48 : index
        %swap3A_548 = tpu.vector_load %arg15[%swap3A_546, %swap3A_547] {strides = array<i32>} : memref<96x128xf32, #tpu.memory_space<vmem>>, vector<16xf32>,
        tpu.vector_store %arg15[%swap3A_546, %swap3A_547], %mul3A_540 {strides = array<i32>} : memref<96x128xf32, #tpu.memory_space<vmem>>, vector<16xf32>,
        %get3A_549 = arith.index_cast %add3A_464 : i32 to index
        %get3A_550 = arith.constant 64 : index
        %get3A_551 = tpu.vector_load %arg15[%get3A_549, %get3A_550] {strides = array<i32>} : memref<96x128xf32, #tpu.memory_space<vmem>>, vector<16xf32>,
        %mul3A_552 = arith.mulf %get3A_551, %gather3A_469 : vector<16xf32>
        %add3A_553 = arith.constant 1 : i32
        %add3A_554 = arith.addi %add3A_464, %add3A_553 : i32
        %get3A_555 = arith.index_cast %add3A_554 : i32 to index
        %get3A_556 = arith.constant 64 : index
        %get3A_557 = tpu.vector_load %arg15[%get3A_555, %get3A_556] {strides = array<i32>} : memref<96x128xf32, #tpu.memory_space<vmem>>, vector<16xf32>,
        %mul3A_558 = arith.mulf %get3A_557, %gather3A_476 : vector<16xf32>
        %mul3A_559 = arith.mulf %gather3A_469, %select_n3A : vector<16xf32>
        %add3A_560 = arith.addf %mul3A_552, %mul3A_559 : vector<16xf32>
        %mul3A_561 = arith.mulf %gather3A_476, %select_n3A : vector<16xf32>
        %add3A_562 = arith.addf %mul3A_558, %mul3A_561 : vector<16xf32>
        %swap3A_563 = arith.index_cast %add3A_464 : i32 to index
        %swap3A_564 = arith.constant 64 : index
        %swap3A_565 = tpu.vector_load %arg15[%swap3A_563, %swap3A_564] {strides = array<i32>} : memref<96x128xf32, #tpu.memory_space<vmem>>, vector<16xf32>,
        tpu.vector_store %arg15[%swap3A_563, %swap3A_564], %add3A_560 {strides = array<i32>} : memref<96x128xf32, #tpu.memory_space<vmem>>, vector<16xf32>,
        %add3A_566 = arith.constant 1 : i32
        %add3A_567 = arith.addi %add3A_464, %add3A_566 : i32
        %swap3A_568 = arith.index_cast %add3A_567 : i32 to index
        %swap3A_569 = arith.constant 64 : index
        %swap3A_570 = tpu.vector_load %arg15[%swap3A_568, %swap3A_569] {strides = array<i32>} : memref<96x128xf32, #tpu.memory_space<vmem>>, vector<16xf32>,
        tpu.vector_store %arg15[%swap3A_568, %swap3A_569], %add3A_562 {strides = array<i32>} : memref<96x128xf32, #tpu.memory_space<vmem>>, vector<16xf32>,
      }
      %scan3A_267 = arith.constant 48 : i32
      %dma_start3A_268 = arith.constant 0 : i32
      %dma_start3A_269 = arith.constant 0 : i32
      %dma_start3A_270 = tpu.memref_slice %arg11[%dma_start3A_268, %dma_start3A_269] : memref<1x96xi32, #tpu.memory_space<vmem>> -> memref<1x96xi32, #tpu.memory_space<vmem>>
      %dma_start3A_271 = tpu.memref_squeeze %dma_start3A_270 : memref<1x96xi32, #tpu.memory_space<vmem>> -> memref<96xi32, #tpu.memory_space<vmem>>
      %dma_start3A_272 = arith.constant 0 : i32
      %dma_start3A_273 = arith.constant 0 : i32
      %dma_start3A_274 = tpu.memref_slice %arg17[%dma_start3A_272, %dma_start3A_273] : memref<10112x128xf32, #tpu.memory_space<vmem_shared>> -> memref<10112x128xf32, #tpu.memory_space<vmem_shared>>
      tpu.enqueue_indirect_dma source(%arg15 : memref<96x128xf32, #tpu.memory_space<vmem>>) target(%dma_start3A_274 : memref<10112x128xf32, #tpu.memory_space<vmem_shared>>) offsets(%dma_start3A_271 : memref<96xi32, #tpu.memory_space<vmem>>) semaphore(%arg22 : memref<!tpu.dma_semaphore, #tpu.memory_space<semaphore_mem>>) {add = true}
      %add3A_275 = arith.constant 1 : i32
      %add3A_276 = arith.addi %add3A_99, %add3A_275 : i32
      %get3A_277 = arith.constant 0 : i32
      %get3A_278 = arith.index_cast %get3A_277 : i32 to index
      %get3A_279 = arith.constant 0 : index
      %get3A_280 = tpu.vector_load %arg10[%get3A_278, %get3A_279] {strides = array<i32>} : memref<2x96xi32, #tpu.memory_space<vmem>>, vector<16xi32>,
      %get3A_281 = arith.constant 1 : i32
      %get3A_282 = arith.index_cast %get3A_281 : i32 to index
      %get3A_283 = arith.constant 0 : index
      %get3A_284 = tpu.vector_load %arg10[%get3A_282, %get3A_283] {strides = array<i32>} : memref<2x96xi32, #tpu.memory_space<vmem>>, vector<16xi32>,
      %swap3A_285 = arith.constant 0 : i32
      %swap3A_286 = arith.index_cast %swap3A_285 : i32 to index
      %swap3A_287 = arith.constant 0 : index
      %swap3A_288 = tpu.vector_load %arg12[%swap3A_286, %swap3A_287] {strides = array<i32>} : memref<1x96xi32, #tpu.memory_space<vmem>>, vector<16xi32>,
      tpu.vector_store %arg12[%swap3A_286, %swap3A_287], %get3A_284 {strides = array<i32>} : memref<1x96xi32, #tpu.memory_space<vmem>>, vector<16xi32>,
      %gather3A_289 = tpu.vector_load_idx %arg7[%get3A_280] : memref<10112xf32, #tpu.memory_space<vmem>>[vector<16xi32>], vector<16xf32>,
      %gather3A_290 = tpu.vector_load_idx %arg8[%get3A_284] : memref<10112xf32, #tpu.memory_space<vmem>>[vector<16xi32>], vector<16xf32>,
      %add3A_291 = arith.addf %gather3A_289, %gather3A_290 : vector<16xf32>
      %ge3A_292 = arith.constant 0.000000e+00 : f32
      %ge3A_293 = vector.broadcast %ge3A_292 : f32 to vector<16xf32>
      %ge3A_294 = arith.cmpf oge, %add3A_291, %ge3A_293 : vector<16xf32>
      %mul3A_295 = arith.constant 2.000000e-01 : f32
      %mul3A_296 = vector.broadcast %mul3A_295 : f32 to vector<16xf32>
      %mul3A_297 = arith.mulf %mul3A_296, %add3A_291 : vector<16xf32>
      %select_n3A_298 = arith.select %ge3A_294, %add3A_291, %mul3A_297 : vector<16xi1>, vector<16xf32>
      %exp3A_299 = math.exp %select_n3A_298 : vector<16xf32>
      %swap3A_300 = arith.constant 0 : index
      %swap3A_301 = tpu.vector_load %arg14[%swap3A_300] {strides = array<i32>} : memref<96xf32, #tpu.memory_space<vmem>>, vector<16xf32>,
      tpu.vector_store %arg14[%swap3A_300], %exp3A_299 {strides = array<i32>} : memref<96xf32, #tpu.memory_space<vmem>>, vector<16xf32>,
      %get3A_302 = arith.constant 0 : i32
      %get3A_303 = arith.index_cast %get3A_302 : i32 to index
      %get3A_304 = arith.constant 16 : index
      %get3A_305 = tpu.vector_load %arg10[%get3A_303, %get3A_304] {strides = array<i32>} : memref<2x96xi32, #tpu.memory_space<vmem>>, vector<16xi32>,
      %get3A_306 = arith.constant 1 : i32
      %get3A_307 = arith.index_cast %get3A_306 : i32 to index
      %get3A_308 = arith.constant 16 : index
      %get3A_309 = tpu.vector_load %arg10[%get3A_307, %get3A_308] {strides = array<i32>} : memref<2x96xi32, #tpu.memory_space<vmem>>, vector<16xi32>,
      %swap3A_310 = arith.constant 0 : i32
      %swap3A_311 = arith.index_cast %swap3A_310 : i32 to index
      %swap3A_312 = arith.constant 16 : index
      %swap3A_313 = tpu.vector_load %arg12[%swap3A_311, %swap3A_312] {strides = array<i32>} : memref<1x96xi32, #tpu.memory_space<vmem>>, vector<16xi32>,
      tpu.vector_store %arg12[%swap3A_311, %swap3A_312], %get3A_309 {strides = array<i32>} : memref<1x96xi32, #tpu.memory_space<vmem>>, vector<16xi32>,
      %gather3A_314 = tpu.vector_load_idx %arg7[%get3A_305] : memref<10112xf32, #tpu.memory_space<vmem>>[vector<16xi32>], vector<16xf32>,
      %gather3A_315 = tpu.vector_load_idx %arg8[%get3A_309] : memref<10112xf32, #tpu.memory_space<vmem>>[vector<16xi32>], vector<16xf32>,
      %add3A_316 = arith.addf %gather3A_314, %gather3A_315 : vector<16xf32>
      %ge3A_317 = arith.constant 0.000000e+00 : f32
      %ge3A_318 = vector.broadcast %ge3A_317 : f32 to vector<16xf32>
      %ge3A_319 = arith.cmpf oge, %add3A_316, %ge3A_318 : vector<16xf32>
      %mul3A_320 = arith.constant 2.000000e-01 : f32
      %mul3A_321 = vector.broadcast %mul3A_320 : f32 to vector<16xf32>
      %mul3A_322 = arith.mulf %mul3A_321, %add3A_316 : vector<16xf32>
      %select_n3A_323 = arith.select %ge3A_319, %add3A_316, %mul3A_322 : vector<16xi1>, vector<16xf32>
      %exp3A_324 = math.exp %select_n3A_323 : vector<16xf32>
      %swap3A_325 = arith.constant 16 : index
      %swap3A_326 = tpu.vector_load %arg14[%swap3A_325] {strides = array<i32>} : memref<96xf32, #tpu.memory_space<vmem>>, vector<16xf32>,
      tpu.vector_store %arg14[%swap3A_325], %exp3A_324 {strides = array<i32>} : memref<96xf32, #tpu.memory_space<vmem>>, vector<16xf32>,
      %get3A_327 = arith.constant 0 : i32
      %get3A_328 = arith.index_cast %get3A_327 : i32 to index
      %get3A_329 = arith.constant 32 : index
      %get3A_330 = tpu.vector_load %arg10[%get3A_328, %get3A_329] {strides = array<i32>} : memref<2x96xi32, #tpu.memory_space<vmem>>, vector<16xi32>,
      %get3A_331 = arith.constant 1 : i32
      %get3A_332 = arith.index_cast %get3A_331 : i32 to index
      %get3A_333 = arith.constant 32 : index
      %get3A_334 = tpu.vector_load %arg10[%get3A_332, %get3A_333] {strides = array<i32>} : memref<2x96xi32, #tpu.memory_space<vmem>>, vector<16xi32>,
      %swap3A_335 = arith.constant 0 : i32
      %swap3A_336 = arith.index_cast %swap3A_335 : i32 to index
      %swap3A_337 = arith.constant 32 : index
      %swap3A_338 = tpu.vector_load %arg12[%swap3A_336, %swap3A_337] {strides = array<i32>} : memref<1x96xi32, #tpu.memory_space<vmem>>, vector<16xi32>,
      tpu.vector_store %arg12[%swap3A_336, %swap3A_337], %get3A_334 {strides = array<i32>} : memref<1x96xi32, #tpu.memory_space<vmem>>, vector<16xi32>,
      %gather3A_339 = tpu.vector_load_idx %arg7[%get3A_330] : memref<10112xf32, #tpu.memory_space<vmem>>[vector<16xi32>], vector<16xf32>,
      %gather3A_340 = tpu.vector_load_idx %arg8[%get3A_334] : memref<10112xf32, #tpu.memory_space<vmem>>[vector<16xi32>], vector<16xf32>,
      %add3A_341 = arith.addf %gather3A_339, %gather3A_340 : vector<16xf32>
      %ge3A_342 = arith.constant 0.000000e+00 : f32
      %ge3A_343 = vector.broadcast %ge3A_342 : f32 to vector<16xf32>
      %ge3A_344 = arith.cmpf oge, %add3A_341, %ge3A_343 : vector<16xf32>
      %mul3A_345 = arith.constant 2.000000e-01 : f32
      %mul3A_346 = vector.broadcast %mul3A_345 : f32 to vector<16xf32>
      %mul3A_347 = arith.mulf %mul3A_346, %add3A_341 : vector<16xf32>
      %select_n3A_348 = arith.select %ge3A_344, %add3A_341, %mul3A_347 : vector<16xi1>, vector<16xf32>
      %exp3A_349 = math.exp %select_n3A_348 : vector<16xf32>
      %swap3A_350 = arith.constant 32 : index
      %swap3A_351 = tpu.vector_load %arg14[%swap3A_350] {strides = array<i32>} : memref<96xf32, #tpu.memory_space<vmem>>, vector<16xf32>,
      tpu.vector_store %arg14[%swap3A_350], %exp3A_349 {strides = array<i32>} : memref<96xf32, #tpu.memory_space<vmem>>, vector<16xf32>,
      %get3A_352 = arith.constant 0 : i32
      %get3A_353 = arith.index_cast %get3A_352 : i32 to index
      %get3A_354 = arith.constant 48 : index
      %get3A_355 = tpu.vector_load %arg10[%get3A_353, %get3A_354] {strides = array<i32>} : memref<2x96xi32, #tpu.memory_space<vmem>>, vector<16xi32>,
      %get3A_356 = arith.constant 1 : i32
      %get3A_357 = arith.index_cast %get3A_356 : i32 to index
      %get3A_358 = arith.constant 48 : index
      %get3A_359 = tpu.vector_load %arg10[%get3A_357, %get3A_358] {strides = array<i32>} : memref<2x96xi32, #tpu.memory_space<vmem>>, vector<16xi32>,
      %swap3A_360 = arith.constant 0 : i32
      %swap3A_361 = arith.index_cast %swap3A_360 : i32 to index
      %swap3A_362 = arith.constant 48 : index
      %swap3A_363 = tpu.vector_load %arg12[%swap3A_361, %swap3A_362] {strides = array<i32>} : memref<1x96xi32, #tpu.memory_space<vmem>>, vector<16xi32>,
      tpu.vector_store %arg12[%swap3A_361, %swap3A_362], %get3A_359 {strides = array<i32>} : memref<1x96xi32, #tpu.memory_space<vmem>>, vector<16xi32>,
      %gather3A_364 = tpu.vector_load_idx %arg7[%get3A_355] : memref<10112xf32, #tpu.memory_space<vmem>>[vector<16xi32>], vector<16xf32>,
      %gather3A_365 = tpu.vector_load_idx %arg8[%get3A_359] : memref<10112xf32, #tpu.memory_space<vmem>>[vector<16xi32>], vector<16xf32>,
      %add3A_366 = arith.addf %gather3A_364, %gather3A_365 : vector<16xf32>
      %ge3A_367 = arith.constant 0.000000e+00 : f32
      %ge3A_368 = vector.broadcast %ge3A_367 : f32 to vector<16xf32>
      %ge3A_369 = arith.cmpf oge, %add3A_366, %ge3A_368 : vector<16xf32>
      %mul3A_370 = arith.constant 2.000000e-01 : f32
      %mul3A_371 = vector.broadcast %mul3A_370 : f32 to vector<16xf32>
      %mul3A_372 = arith.mulf %mul3A_371, %add3A_366 : vector<16xf32>
      %select_n3A_373 = arith.select %ge3A_369, %add3A_366, %mul3A_372 : vector<16xi1>, vector<16xf32>
      %exp3A_374 = math.exp %select_n3A_373 : vector<16xf32>
      %swap3A_375 = arith.constant 48 : index
      %swap3A_376 = tpu.vector_load %arg14[%swap3A_375] {strides = array<i32>} : memref<96xf32, #tpu.memory_space<vmem>>, vector<16xf32>,
      tpu.vector_store %arg14[%swap3A_375], %exp3A_374 {strides = array<i32>} : memref<96xf32, #tpu.memory_space<vmem>>, vector<16xf32>,
      %get3A_377 = arith.constant 0 : i32
      %get3A_378 = arith.index_cast %get3A_377 : i32 to index
      %get3A_379 = arith.constant 64 : index
      %get3A_380 = tpu.vector_load %arg10[%get3A_378, %get3A_379] {strides = array<i32>} : memref<2x96xi32, #tpu.memory_space<vmem>>, vector<16xi32>,
      %get3A_381 = arith.constant 1 : i32
      %get3A_382 = arith.index_cast %get3A_381 : i32 to index
      %get3A_383 = arith.constant 64 : index
      %get3A_384 = tpu.vector_load %arg10[%get3A_382, %get3A_383] {strides = array<i32>} : memref<2x96xi32, #tpu.memory_space<vmem>>, vector<16xi32>,
      %swap3A_385 = arith.constant 0 : i32
      %swap3A_386 = arith.index_cast %swap3A_385 : i32 to index
      %swap3A_387 = arith.constant 64 : index
      %swap3A_388 = tpu.vector_load %arg12[%swap3A_386, %swap3A_387] {strides = array<i32>} : memref<1x96xi32, #tpu.memory_space<vmem>>, vector<16xi32>,
      tpu.vector_store %arg12[%swap3A_386, %swap3A_387], %get3A_384 {strides = array<i32>} : memref<1x96xi32, #tpu.memory_space<vmem>>, vector<16xi32>,
      %gather3A_389 = tpu.vector_load_idx %arg7[%get3A_380] : memref<10112xf32, #tpu.memory_space<vmem>>[vector<16xi32>], vector<16xf32>,
      %gather3A_390 = tpu.vector_load_idx %arg8[%get3A_384] : memref<10112xf32, #tpu.memory_space<vmem>>[vector<16xi32>], vector<16xf32>,
      %add3A_391 = arith.addf %gather3A_389, %gather3A_390 : vector<16xf32>
      %ge3A_392 = arith.constant 0.000000e+00 : f32
      %ge3A_393 = vector.broadcast %ge3A_392 : f32 to vector<16xf32>
      %ge3A_394 = arith.cmpf oge, %add3A_391, %ge3A_393 : vector<16xf32>
      %mul3A_395 = arith.constant 2.000000e-01 : f32
      %mul3A_396 = vector.broadcast %mul3A_395 : f32 to vector<16xf32>
      %mul3A_397 = arith.mulf %mul3A_396, %add3A_391 : vector<16xf32>
      %select_n3A_398 = arith.select %ge3A_394, %add3A_391, %mul3A_397 : vector<16xi1>, vector<16xf32>
      %exp3A_399 = math.exp %select_n3A_398 : vector<16xf32>
      %swap3A_400 = arith.constant 64 : index
      %swap3A_401 = tpu.vector_load %arg14[%swap3A_400] {strides = array<i32>} : memref<96xf32, #tpu.memory_space<vmem>>, vector<16xf32>,
      tpu.vector_store %arg14[%swap3A_400], %exp3A_399 {strides = array<i32>} : memref<96xf32, #tpu.memory_space<vmem>>, vector<16xf32>,
      %get3A_402 = arith.constant 0 : i32
      %get3A_403 = arith.index_cast %get3A_402 : i32 to index
      %get3A_404 = arith.constant 80 : index
      %get3A_405 = tpu.vector_load %arg10[%get3A_403, %get3A_404] {strides = array<i32>} : memref<2x96xi32, #tpu.memory_space<vmem>>, vector<16xi32>,
      %get3A_406 = arith.constant 1 : i32
      %get3A_407 = arith.index_cast %get3A_406 : i32 to index
      %get3A_408 = arith.constant 80 : index
      %get3A_409 = tpu.vector_load %arg10[%get3A_407, %get3A_408] {strides = array<i32>} : memref<2x96xi32, #tpu.memory_space<vmem>>, vector<16xi32>,
      %swap3A_410 = arith.constant 0 : i32
      %swap3A_411 = arith.index_cast %swap3A_410 : i32 to index
      %swap3A_412 = arith.constant 80 : index
      %swap3A_413 = tpu.vector_load %arg12[%swap3A_411, %swap3A_412] {strides = array<i32>} : memref<1x96xi32, #tpu.memory_space<vmem>>, vector<16xi32>,
      tpu.vector_store %arg12[%swap3A_411, %swap3A_412], %get3A_409 {strides = array<i32>} : memref<1x96xi32, #tpu.memory_space<vmem>>, vector<16xi32>,
      %gather3A_414 = tpu.vector_load_idx %arg7[%get3A_405] : memref<10112xf32, #tpu.memory_space<vmem>>[vector<16xi32>], vector<16xf32>,
      %gather3A_415 = tpu.vector_load_idx %arg8[%get3A_409] : memref<10112xf32, #tpu.memory_space<vmem>>[vector<16xi32>], vector<16xf32>,
      %add3A_416 = arith.addf %gather3A_414, %gather3A_415 : vector<16xf32>
      %ge3A_417 = arith.constant 0.000000e+00 : f32
      %ge3A_418 = vector.broadcast %ge3A_417 : f32 to vector<16xf32>
      %ge3A_419 = arith.cmpf oge, %add3A_416, %ge3A_418 : vector<16xf32>
      %mul3A_420 = arith.constant 2.000000e-01 : f32
      %mul3A_421 = vector.broadcast %mul3A_420 : f32 to vector<16xf32>
      %mul3A_422 = arith.mulf %mul3A_421, %add3A_416 : vector<16xf32>
      %select_n3A_423 = arith.select %ge3A_419, %add3A_416, %mul3A_422 : vector<16xi1>, vector<16xf32>
      %exp3A_424 = math.exp %select_n3A_423 : vector<16xf32>
      %swap3A_425 = arith.constant 80 : index
      %swap3A_426 = tpu.vector_load %arg14[%swap3A_425] {strides = array<i32>} : memref<96xf32, #tpu.memory_space<vmem>>, vector<16xf32>,
      tpu.vector_store %arg14[%swap3A_425], %exp3A_424 {strides = array<i32>} : memref<96xf32, #tpu.memory_space<vmem>>, vector<16xf32>,
      %dma_wait3A_427 = arith.constant 0 : i32
      %dma_wait3A_428 = arith.constant 0 : i32
      %dma_wait3A_429 = tpu.memref_slice %arg10[%dma_wait3A_427, %dma_wait3A_428] : memref<2x96xi32, #tpu.memory_space<vmem>> -> memref<1x96xi32, #tpu.memory_space<vmem>>
      %dma_wait3A_430 = tpu.memref_squeeze %dma_wait3A_429 : memref<1x96xi32, #tpu.memory_space<vmem>> -> memref<96xi32, #tpu.memory_space<vmem>>
      %dma_wait3A_431 = arith.constant 0 : i32
      %dma_wait3A_432 = arith.constant 0 : i32
      %dma_wait3A_433 = tpu.memref_slice %arg5[%dma_wait3A_431, %dma_wait3A_432] : memref<10112x128xf32, #tpu.memory_space<hbm>> -> memref<10112x128xf32, #tpu.memory_space<hbm>>
      tpu.wait_indirect_dma semaphore(%arg21 : memref<!tpu.dma_semaphore, #tpu.memory_space<semaphore_mem>>) src(%dma_wait3A_433 : memref<10112x128xf32, #tpu.memory_space<hbm>>) dst(%arg16 : memref<96x128xf32, #tpu.memory_space<vmem>>)
      %add3A_434 = arith.constant 2 : i32
      %add3A_435 = arith.addi %add3A_276, %add3A_434 : i32
      %lt3A_436 = arith.constant 106 : i32
      %lt3A_437 = arith.cmpi slt, %add3A_435, %lt3A_436 : i32
      %convert_element_type3A_438 = arith.extui %lt3A_437 : i1 to i32
      %cond3A_439 = arith.constant 0 : i32
      %cond3A_440 = arith.cmpi ne, %convert_element_type3A_438, %cond3A_439 : i32
      scf.if %cond3A_440 {
        %add3A_460 = arith.constant 2 : i32
        %add3A_461 = arith.addi %add3A_276, %add3A_460 : i32
        %dma_start3A_462 = arith.constant 0 : i32
        %dma_start3A_463 = arith.constant 0 : i32
        %dma_start3A_464 = tpu.memref_slice %arg2[%add3A, %add3A_461, %dma_start3A_462, %dma_start3A_463] : memref<32x106x2x96xi32, #tpu.memory_space<hbm>> -> memref<1x1x2x96xi32, #tpu.memory_space<hbm>>
        %dma_start3A_465 = tpu.memref_squeeze %dma_start3A_464 : memref<1x1x2x96xi32, #tpu.memory_space<hbm>> -> memref<2x96xi32, #tpu.memory_space<hbm>>
        %dma_start3A_466 = arith.constant 0 : i32
        %dma_start3A_467 = arith.constant 0 : i32
        %dma_start3A_468 = tpu.memref_slice %arg2[%add3A, %add3A_461, %dma_start3A_466, %dma_start3A_467] : memref<32x106x2x96xi32, #tpu.memory_space<hbm>> -> memref<1x1x2x96xi32, #tpu.memory_space<hbm>>
        %dma_start3A_469 = tpu.memref_squeeze %dma_start3A_468 : memref<1x1x2x96xi32, #tpu.memory_space<hbm>> -> memref<2x96xi32, #tpu.memory_space<hbm>>
        tpu.enqueue_dma source(%dma_start3A_469 : memref<2x96xi32, #tpu.memory_space<hbm>>) target(%arg10 : memref<2x96xi32, #tpu.memory_space<vmem>>) target_semaphore(%arg19 : memref<!tpu.dma_semaphore, #tpu.memory_space<semaphore_mem>>)
      } else {
      }
      %add3A_441 = arith.constant 1 : i32
      %add3A_442 = arith.addi %add3A_276, %add3A_441 : i32
      %lt3A_443 = arith.constant 106 : i32
      %lt3A_444 = arith.cmpi slt, %add3A_442, %lt3A_443 : i32
      %convert_element_type3A_445 = arith.extui %lt3A_444 : i1 to i32
      %cond3A_446 = arith.constant 0 : i32
      %cond3A_447 = arith.cmpi ne, %convert_element_type3A_445, %cond3A_446 : i32
      scf.if %cond3A_447 {
        %add3A_460 = arith.constant 1 : i32
        %add3A_461 = arith.addi %add3A_276, %add3A_460 : i32
        %dma_wait3A_462 = arith.constant 0 : i32
        %dma_wait3A_463 = arith.constant 0 : i32
        %dma_wait3A_464 = tpu.memref_slice %arg2[%add3A, %add3A_461, %dma_wait3A_462, %dma_wait3A_463] : memref<32x106x2x96xi32, #tpu.memory_space<hbm>> -> memref<1x1x2x96xi32, #tpu.memory_space<hbm>>
        %dma_wait3A_465 = tpu.memref_squeeze %dma_wait3A_464 : memref<1x1x2x96xi32, #tpu.memory_space<hbm>> -> memref<2x96xi32, #tpu.memory_space<hbm>>
        %dma_wait3A_466 = arith.constant 0 : i32
        %dma_wait3A_467 = arith.constant 0 : i32
        %dma_wait3A_468 = tpu.memref_slice %arg2[%add3A, %add3A_461, %dma_wait3A_466, %dma_wait3A_467] : memref<32x106x2x96xi32, #tpu.memory_space<hbm>> -> memref<1x1x2x96xi32, #tpu.memory_space<hbm>>
        %dma_wait3A_469 = tpu.memref_squeeze %dma_wait3A_468 : memref<1x1x2x96xi32, #tpu.memory_space<hbm>> -> memref<2x96xi32, #tpu.memory_space<hbm>>
        tpu.wait_dma2 semaphore(%arg18 : memref<!tpu.dma_semaphore, #tpu.memory_space<semaphore_mem>>) src(%dma_wait3A_469 : memref<2x96xi32, #tpu.memory_space<hbm>>) dst(%arg9 : memref<2x96xi32, #tpu.memory_space<vmem>>)
        %ge3A_470 = arith.constant 1 : i32
        %ge3A_471 = arith.cmpi sge, %add3A_276, %ge3A_470 : i32
        %convert_element_type3A_472 = arith.extui %ge3A_471 : i1 to i32
        %cond3A_473 = arith.constant 0 : i32
        %cond3A_474 = arith.cmpi ne, %convert_element_type3A_472, %cond3A_473 : i32
        scf.if %cond3A_474 {
          %dma_wait3A_482 = arith.constant 0 : i32
          %dma_wait3A_483 = arith.constant 0 : i32
          %dma_wait3A_484 = tpu.memref_slice %arg11[%dma_wait3A_482, %dma_wait3A_483] : memref<1x96xi32, #tpu.memory_space<vmem>> -> memref<1x96xi32, #tpu.memory_space<vmem>>
          %dma_wait3A_485 = tpu.memref_squeeze %dma_wait3A_484 : memref<1x96xi32, #tpu.memory_space<vmem>> -> memref<96xi32, #tpu.memory_space<vmem>>
          %dma_wait3A_486 = arith.constant 0 : i32
          %dma_wait3A_487 = arith.constant 0 : i32
          %dma_wait3A_488 = tpu.memref_slice %arg17[%dma_wait3A_486, %dma_wait3A_487] : memref<10112x128xf32, #tpu.memory_space<vmem_shared>> -> memref<10112x128xf32, #tpu.memory_space<vmem_shared>>
          tpu.wait_indirect_dma semaphore(%arg22 : memref<!tpu.dma_semaphore, #tpu.memory_space<semaphore_mem>>) src(%arg15 : memref<96x128xf32, #tpu.memory_space<vmem>>) dst(%dma_wait3A_488 : memref<10112x128xf32, #tpu.memory_space<vmem_shared>>)
        } else {
        }
        %dma_start3A_475 = arith.constant 0 : i32
        %dma_start3A_476 = arith.constant 0 : i32
        %dma_start3A_477 = tpu.memref_slice %arg9[%dma_start3A_475, %dma_start3A_476] : memref<2x96xi32, #tpu.memory_space<vmem>> -> memref<1x96xi32, #tpu.memory_space<vmem>>
        %dma_start3A_478 = tpu.memref_squeeze %dma_start3A_477 : memref<1x96xi32, #tpu.memory_space<vmem>> -> memref<96xi32, #tpu.memory_space<vmem>>
        %dma_start3A_479 = arith.constant 0 : i32
        %dma_start3A_480 = arith.constant 0 : i32
        %dma_start3A_481 = tpu.memref_slice %arg5[%dma_start3A_479, %dma_start3A_480] : memref<10112x128xf32, #tpu.memory_space<hbm>> -> memref<10112x128xf32, #tpu.memory_space<hbm>>
        tpu.enqueue_indirect_dma source(%dma_start3A_481 : memref<10112x128xf32, #tpu.memory_space<hbm>>) target(%arg15 : memref<96x128xf32, #tpu.memory_space<vmem>>) offsets(%dma_start3A_478 : memref<96xi32, #tpu.memory_space<vmem>>) semaphore(%arg20 : memref<!tpu.dma_semaphore, #tpu.memory_space<semaphore_mem>>)
      } else {
      }
      %scan3A_448 = arith.constant 0 : i32
      %scan3A_449 = arith.constant 48 : i32
      %scan3A_450 = arith.addi %scan3A_448, %scan3A_449 : i32
      %scan3A_451 = arith.constant 1 : i32
      scf.for %scan3A_460 = %scan3A_448 to %scan3A_450 step %scan3A_451  : i32 {
        %mul3A_461 = arith.constant 2 : i32
        %mul3A_462 = arith.muli %scan3A_460, %mul3A_461 : i32
        %add3A_463 = arith.constant 0 : i32
        %add3A_464 = arith.addi %add3A_463, %mul3A_462 : i32
        %broadcast_in_dim3A_465 = arith.constant 0 : i32
        %broadcast_in_dim3A_466 = vector.broadcast %broadcast_in_dim3A_465 : i32 to vector<16xi32>
        %add3A_467 = vector.broadcast %add3A_464 : i32 to vector<16xi32>
        %add3A_468 = arith.addi %broadcast_in_dim3A_466, %add3A_467 : vector<16xi32>
        %gather3A_469 = tpu.vector_load_idx %arg14[%add3A_468] : memref<96xf32, #tpu.memory_space<vmem>>[vector<16xi32>], vector<16xf32>,
        %broadcast_in_dim3A_470 = arith.constant 0 : i32
        %broadcast_in_dim3A_471 = vector.broadcast %broadcast_in_dim3A_470 : i32 to vector<16xi32>
        %add3A_472 = arith.constant 1 : i32
        %add3A_473 = arith.addi %add3A_464, %add3A_472 : i32
        %add3A_474 = vector.broadcast %add3A_473 : i32 to vector<16xi32>
        %add3A_475 = arith.addi %broadcast_in_dim3A_471, %add3A_474 : vector<16xi32>
        %gather3A_476 = tpu.vector_load_idx %arg14[%add3A_475] : memref<96xf32, #tpu.memory_space<vmem>>[vector<16xi32>], vector<16xf32>,
        %get3A_477 = arith.index_cast %add3A_464 : i32 to index
        %get3A_478 = arith.constant 0 : index
        %get3A_479 = tpu.vector_load %arg16[%get3A_477, %get3A_478] {strides = array<i32>} : memref<96x128xf32, #tpu.memory_space<vmem>>, vector<16xf32>,
        %mul3A_480 = arith.mulf %get3A_479, %gather3A_469 : vector<16xf32>
        %add3A_481 = arith.constant 1 : i32
        %add3A_482 = arith.addi %add3A_464, %add3A_481 : i32
        %get3A_483 = arith.index_cast %add3A_482 : i32 to index
        %get3A_484 = arith.constant 0 : index
        %get3A_485 = tpu.vector_load %arg16[%get3A_483, %get3A_484] {strides = array<i32>} : memref<96x128xf32, #tpu.memory_space<vmem>>, vector<16xf32>,
        %mul3A_486 = arith.mulf %get3A_485, %gather3A_476 : vector<16xf32>
        %swap3A_487 = arith.index_cast %add3A_464 : i32 to index
        %swap3A_488 = arith.constant 0 : index
        %swap3A_489 = tpu.vector_load %arg16[%swap3A_487, %swap3A_488] {strides = array<i32>} : memref<96x128xf32, #tpu.memory_space<vmem>>, vector<16xf32>,
        tpu.vector_store %arg16[%swap3A_487, %swap3A_488], %mul3A_480 {strides = array<i32>} : memref<96x128xf32, #tpu.memory_space<vmem>>, vector<16xf32>,
        %add3A_490 = arith.constant 1 : i32
        %add3A_491 = arith.addi %add3A_464, %add3A_490 : i32
        %swap3A_492 = arith.index_cast %add3A_491 : i32 to index
        %swap3A_493 = arith.constant 0 : index
        %swap3A_494 = tpu.vector_load %arg16[%swap3A_492, %swap3A_493] {strides = array<i32>} : memref<96x128xf32, #tpu.memory_space<vmem>>, vector<16xf32>,
        tpu.vector_store %arg16[%swap3A_492, %swap3A_493], %mul3A_486 {strides = array<i32>} : memref<96x128xf32, #tpu.memory_space<vmem>>, vector<16xf32>,
        %get3A_495 = arith.index_cast %add3A_464 : i32 to index
        %get3A_496 = arith.constant 16 : index
        %get3A_497 = tpu.vector_load %arg16[%get3A_495, %get3A_496] {strides = array<i32>} : memref<96x128xf32, #tpu.memory_space<vmem>>, vector<16xf32>,
        %mul3A_498 = arith.mulf %get3A_497, %gather3A_469 : vector<16xf32>
        %add3A_499 = arith.constant 1 : i32
        %add3A_500 = arith.addi %add3A_464, %add3A_499 : i32
        %get3A_501 = arith.index_cast %add3A_500 : i32 to index
        %get3A_502 = arith.constant 16 : index
        %get3A_503 = tpu.vector_load %arg16[%get3A_501, %get3A_502] {strides = array<i32>} : memref<96x128xf32, #tpu.memory_space<vmem>>, vector<16xf32>,
        %mul3A_504 = arith.mulf %get3A_503, %gather3A_476 : vector<16xf32>
        %swap3A_505 = arith.index_cast %add3A_464 : i32 to index
        %swap3A_506 = arith.constant 16 : index
        %swap3A_507 = tpu.vector_load %arg16[%swap3A_505, %swap3A_506] {strides = array<i32>} : memref<96x128xf32, #tpu.memory_space<vmem>>, vector<16xf32>,
        tpu.vector_store %arg16[%swap3A_505, %swap3A_506], %mul3A_498 {strides = array<i32>} : memref<96x128xf32, #tpu.memory_space<vmem>>, vector<16xf32>,
        %add3A_508 = arith.constant 1 : i32
        %add3A_509 = arith.addi %add3A_464, %add3A_508 : i32
        %swap3A_510 = arith.index_cast %add3A_509 : i32 to index
        %swap3A_511 = arith.constant 16 : index
        %swap3A_512 = tpu.vector_load %arg16[%swap3A_510, %swap3A_511] {strides = array<i32>} : memref<96x128xf32, #tpu.memory_space<vmem>>, vector<16xf32>,
        tpu.vector_store %arg16[%swap3A_510, %swap3A_511], %mul3A_504 {strides = array<i32>} : memref<96x128xf32, #tpu.memory_space<vmem>>, vector<16xf32>,
        %get3A_513 = arith.index_cast %add3A_464 : i32 to index
        %get3A_514 = arith.constant 32 : index
        %get3A_515 = tpu.vector_load %arg16[%get3A_513, %get3A_514] {strides = array<i32>} : memref<96x128xf32, #tpu.memory_space<vmem>>, vector<16xf32>,
        %mul3A_516 = arith.mulf %get3A_515, %gather3A_469 : vector<16xf32>
        %add3A_517 = arith.constant 1 : i32
        %add3A_518 = arith.addi %add3A_464, %add3A_517 : i32
        %get3A_519 = arith.index_cast %add3A_518 : i32 to index
        %get3A_520 = arith.constant 32 : index
        %get3A_521 = tpu.vector_load %arg16[%get3A_519, %get3A_520] {strides = array<i32>} : memref<96x128xf32, #tpu.memory_space<vmem>>, vector<16xf32>,
        %mul3A_522 = arith.mulf %get3A_521, %gather3A_476 : vector<16xf32>
        %swap3A_523 = arith.index_cast %add3A_464 : i32 to index
        %swap3A_524 = arith.constant 32 : index
        %swap3A_525 = tpu.vector_load %arg16[%swap3A_523, %swap3A_524] {strides = array<i32>} : memref<96x128xf32, #tpu.memory_space<vmem>>, vector<16xf32>,
        tpu.vector_store %arg16[%swap3A_523, %swap3A_524], %mul3A_516 {strides = array<i32>} : memref<96x128xf32, #tpu.memory_space<vmem>>, vector<16xf32>,
        %add3A_526 = arith.constant 1 : i32
        %add3A_527 = arith.addi %add3A_464, %add3A_526 : i32
        %swap3A_528 = arith.index_cast %add3A_527 : i32 to index
        %swap3A_529 = arith.constant 32 : index
        %swap3A_530 = tpu.vector_load %arg16[%swap3A_528, %swap3A_529] {strides = array<i32>} : memref<96x128xf32, #tpu.memory_space<vmem>>, vector<16xf32>,
        tpu.vector_store %arg16[%swap3A_528, %swap3A_529], %mul3A_522 {strides = array<i32>} : memref<96x128xf32, #tpu.memory_space<vmem>>, vector<16xf32>,
        %get3A_531 = arith.index_cast %add3A_464 : i32 to index
        %get3A_532 = arith.constant 48 : index
        %get3A_533 = tpu.vector_load %arg16[%get3A_531, %get3A_532] {strides = array<i32>} : memref<96x128xf32, #tpu.memory_space<vmem>>, vector<16xf32>,
        %mul3A_534 = arith.mulf %get3A_533, %gather3A_469 : vector<16xf32>
        %add3A_535 = arith.constant 1 : i32
        %add3A_536 = arith.addi %add3A_464, %add3A_535 : i32
        %get3A_537 = arith.index_cast %add3A_536 : i32 to index
        %get3A_538 = arith.constant 48 : index
        %get3A_539 = tpu.vector_load %arg16[%get3A_537, %get3A_538] {strides = array<i32>} : memref<96x128xf32, #tpu.memory_space<vmem>>, vector<16xf32>,
        %mul3A_540 = arith.mulf %get3A_539, %gather3A_476 : vector<16xf32>
        %swap3A_541 = arith.index_cast %add3A_464 : i32 to index
        %swap3A_542 = arith.constant 48 : index
        %swap3A_543 = tpu.vector_load %arg16[%swap3A_541, %swap3A_542] {strides = array<i32>} : memref<96x128xf32, #tpu.memory_space<vmem>>, vector<16xf32>,
        tpu.vector_store %arg16[%swap3A_541, %swap3A_542], %mul3A_534 {strides = array<i32>} : memref<96x128xf32, #tpu.memory_space<vmem>>, vector<16xf32>,
        %add3A_544 = arith.constant 1 : i32
        %add3A_545 = arith.addi %add3A_464, %add3A_544 : i32
        %swap3A_546 = arith.index_cast %add3A_545 : i32 to index
        %swap3A_547 = arith.constant 48 : index
        %swap3A_548 = tpu.vector_load %arg16[%swap3A_546, %swap3A_547] {strides = array<i32>} : memref<96x128xf32, #tpu.memory_space<vmem>>, vector<16xf32>,
        tpu.vector_store %arg16[%swap3A_546, %swap3A_547], %mul3A_540 {strides = array<i32>} : memref<96x128xf32, #tpu.memory_space<vmem>>, vector<16xf32>,
        %get3A_549 = arith.index_cast %add3A_464 : i32 to index
        %get3A_550 = arith.constant 64 : index
        %get3A_551 = tpu.vector_load %arg16[%get3A_549, %get3A_550] {strides = array<i32>} : memref<96x128xf32, #tpu.memory_space<vmem>>, vector<16xf32>,
        %mul3A_552 = arith.mulf %get3A_551, %gather3A_469 : vector<16xf32>
        %add3A_553 = arith.constant 1 : i32
        %add3A_554 = arith.addi %add3A_464, %add3A_553 : i32
        %get3A_555 = arith.index_cast %add3A_554 : i32 to index
        %get3A_556 = arith.constant 64 : index
        %get3A_557 = tpu.vector_load %arg16[%get3A_555, %get3A_556] {strides = array<i32>} : memref<96x128xf32, #tpu.memory_space<vmem>>, vector<16xf32>,
        %mul3A_558 = arith.mulf %get3A_557, %gather3A_476 : vector<16xf32>
        %mul3A_559 = arith.mulf %gather3A_469, %select_n3A : vector<16xf32>
        %add3A_560 = arith.addf %mul3A_552, %mul3A_559 : vector<16xf32>
        %mul3A_561 = arith.mulf %gather3A_476, %select_n3A : vector<16xf32>
        %add3A_562 = arith.addf %mul3A_558, %mul3A_561 : vector<16xf32>
        %swap3A_563 = arith.index_cast %add3A_464 : i32 to index
        %swap3A_564 = arith.constant 64 : index
        %swap3A_565 = tpu.vector_load %arg16[%swap3A_563, %swap3A_564] {strides = array<i32>} : memref<96x128xf32, #tpu.memory_space<vmem>>, vector<16xf32>,
        tpu.vector_store %arg16[%swap3A_563, %swap3A_564], %add3A_560 {strides = array<i32>} : memref<96x128xf32, #tpu.memory_space<vmem>>, vector<16xf32>,
        %add3A_566 = arith.constant 1 : i32
        %add3A_567 = arith.addi %add3A_464, %add3A_566 : i32
        %swap3A_568 = arith.index_cast %add3A_567 : i32 to index
        %swap3A_569 = arith.constant 64 : index
        %swap3A_570 = tpu.vector_load %arg16[%swap3A_568, %swap3A_569] {strides = array<i32>} : memref<96x128xf32, #tpu.memory_space<vmem>>, vector<16xf32>,
        tpu.vector_store %arg16[%swap3A_568, %swap3A_569], %add3A_562 {strides = array<i32>} : memref<96x128xf32, #tpu.memory_space<vmem>>, vector<16xf32>,
      }
      %scan3A_452 = arith.constant 48 : i32
      %dma_start3A_453 = arith.constant 0 : i32
      %dma_start3A_454 = arith.constant 0 : i32
      %dma_start3A_455 = tpu.memref_slice %arg12[%dma_start3A_453, %dma_start3A_454] : memref<1x96xi32, #tpu.memory_space<vmem>> -> memref<1x96xi32, #tpu.memory_space<vmem>>
      %dma_start3A_456 = tpu.memref_squeeze %dma_start3A_455 : memref<1x96xi32, #tpu.memory_space<vmem>> -> memref<96xi32, #tpu.memory_space<vmem>>
      %dma_start3A_457 = arith.constant 0 : i32
      %dma_start3A_458 = arith.constant 0 : i32
      %dma_start3A_459 = tpu.memref_slice %arg17[%dma_start3A_457, %dma_start3A_458] : memref<10112x128xf32, #tpu.memory_space<vmem_shared>> -> memref<10112x128xf32, #tpu.memory_space<vmem_shared>>
      tpu.enqueue_indirect_dma source(%arg16 : memref<96x128xf32, #tpu.memory_space<vmem>>) target(%dma_start3A_459 : memref<10112x128xf32, #tpu.memory_space<vmem_shared>>) offsets(%dma_start3A_456 : memref<96xi32, #tpu.memory_space<vmem>>) semaphore(%arg23 : memref<!tpu.dma_semaphore, #tpu.memory_space<semaphore_mem>>) {add = true}
    }
    %scan3A_75 = arith.constant 53 : i32
    %dma_wait3A_76 = arith.constant 0 : i32
    %dma_wait3A_77 = arith.constant 0 : i32
    %dma_wait3A_78 = tpu.memref_slice %arg11[%dma_wait3A_76, %dma_wait3A_77] : memref<1x96xi32, #tpu.memory_space<vmem>> -> memref<1x96xi32, #tpu.memory_space<vmem>>
    %dma_wait3A_79 = tpu.memref_squeeze %dma_wait3A_78 : memref<1x96xi32, #tpu.memory_space<vmem>> -> memref<96xi32, #tpu.memory_space<vmem>>
    %dma_wait3A_80 = arith.constant 0 : i32
    %dma_wait3A_81 = arith.constant 0 : i32
    %dma_wait3A_82 = tpu.memref_slice %arg17[%dma_wait3A_80, %dma_wait3A_81] : memref<10112x128xf32, #tpu.memory_space<vmem_shared>> -> memref<10112x128xf32, #tpu.memory_space<vmem_shared>>
    tpu.wait_indirect_dma semaphore(%arg22 : memref<!tpu.dma_semaphore, #tpu.memory_space<semaphore_mem>>) src(%arg15 : memref<96x128xf32, #tpu.memory_space<vmem>>) dst(%dma_wait3A_82 : memref<10112x128xf32, #tpu.memory_space<vmem_shared>>)
    %dma_wait3A_83 = arith.constant 0 : i32
    %dma_wait3A_84 = arith.constant 0 : i32
    %dma_wait3A_85 = tpu.memref_slice %arg12[%dma_wait3A_83, %dma_wait3A_84] : memref<1x96xi32, #tpu.memory_space<vmem>> -> memref<1x96xi32, #tpu.memory_space<vmem>>
    %dma_wait3A_86 = tpu.memref_squeeze %dma_wait3A_85 : memref<1x96xi32, #tpu.memory_space<vmem>> -> memref<96xi32, #tpu.memory_space<vmem>>
    %dma_wait3A_87 = arith.constant 0 : i32
    %dma_wait3A_88 = arith.constant 0 : i32
    %dma_wait3A_89 = tpu.memref_slice %arg17[%dma_wait3A_87, %dma_wait3A_88] : memref<10112x128xf32, #tpu.memory_space<vmem_shared>> -> memref<10112x128xf32, #tpu.memory_space<vmem_shared>>
    tpu.wait_indirect_dma semaphore(%arg23 : memref<!tpu.dma_semaphore, #tpu.memory_space<semaphore_mem>>) src(%arg16 : memref<96x128xf32, #tpu.memory_space<vmem>>) dst(%dma_wait3A_89 : memref<10112x128xf32, #tpu.memory_space<vmem_shared>>)
    %barrier3A_90 = arith.constant 0 : index
    tpu.barrier barrier_id(%barrier3A_90)
    %mul3A_91 = arith.constant 632 : i32
    %mul3A_92 = arith.muli %arg1, %mul3A_91 : i32
    %mul3A_93 = arith.constant 632 : i32
    %mul3A_94 = arith.muli %arg1, %mul3A_93 : i32
    "tpu.region"() ({
      %run_scoped3A = tpu.sem_alloc : memref<!tpu.dma_semaphore, #tpu.memory_space<semaphore_mem>>
      %dma_start3A_95 = arith.constant 0 : i32
      %dma_start3A_96 = tpu.memref_slice %arg6[%arg0, %mul3A_94, %dma_start3A_95] : memref<2x10112x128xf32, #tpu.memory_space<hbm>> -> memref<1x632x128xf32, #tpu.memory_space<hbm>>
      %dma_start3A_97 = tpu.memref_squeeze %dma_start3A_96 : memref<1x632x128xf32, #tpu.memory_space<hbm>> -> memref<632x128xf32, #tpu.memory_space<hbm>>
      %dma_start3A_98 = arith.constant 0 : i32
      %dma_start3A_99 = tpu.memref_slice %arg17[%mul3A_92, %dma_start3A_98] : memref<10112x128xf32, #tpu.memory_space<vmem_shared>> -> memref<632x128xf32, #tpu.memory_space<vmem_shared>>
      tpu.enqueue_dma source(%dma_start3A_99 : memref<632x128xf32, #tpu.memory_space<vmem_shared>>) target(%dma_start3A_97 : memref<632x128xf32, #tpu.memory_space<hbm>>) target_semaphore(%run_scoped3A : memref<!tpu.dma_semaphore, #tpu.memory_space<semaphore_mem>>)
      %dma_wait3A_100 = arith.constant 0 : i32
      %dma_wait3A_101 = tpu.memref_slice %arg6[%arg0, %mul3A_94, %dma_wait3A_100] : memref<2x10112x128xf32, #tpu.memory_space<hbm>> -> memref<1x632x128xf32, #tpu.memory_space<hbm>>
      %dma_wait3A_102 = tpu.memref_squeeze %dma_wait3A_101 : memref<1x632x128xf32, #tpu.memory_space<hbm>> -> memref<632x128xf32, #tpu.memory_space<hbm>>
      %dma_wait3A_103 = arith.constant 0 : i32
      %dma_wait3A_104 = tpu.memref_slice %arg17[%mul3A_92, %dma_wait3A_103] : memref<10112x128xf32, #tpu.memory_space<vmem_shared>> -> memref<632x128xf32, #tpu.memory_space<vmem_shared>>
      tpu.wait_dma2 semaphore(%run_scoped3A : memref<!tpu.dma_semaphore, #tpu.memory_space<semaphore_mem>>) src(%dma_wait3A_104 : memref<632x128xf32, #tpu.memory_space<vmem_shared>>) dst(%dma_wait3A_102 : memref<632x128xf32, #tpu.memory_space<hbm>>)
      tpu.yield
    }) : () -> ()
    return
  }
}

module attributes {stable_mosaic.version = 14 : i64} {
  func.func @_tc_front_body(%arg0: i32, %arg1: memref<1264x128xf32, #tpu.memory_space<vmem>>, %arg2: memref<128x128xf32, #tpu.memory_space<vmem>>, %arg3: memref<1x128xf32, #tpu.memory_space<vmem>>, %arg4: memref<1x128xf32, #tpu.memory_space<vmem>>, %arg5: memref<1264x128xf32, #tpu.memory_space<vmem>>, %arg6: memref<1264x1xf32, #tpu.memory_space<vmem>>, %arg7: memref<1264x1xf32, #tpu.memory_space<vmem>>) attributes {dimension_semantics = [#tpu.dimension_semantics<arbitrary>], iteration_bounds = array<i64: 8>, scalar_prefetch = 0 : i64, scratch_operands = 0 : i64, tpu.core_type = #tpu.core_type<tc>, window_params = [{transform_indices = @transform_0, window_bounds = array<i64: 1264, 128>}, {pipeline_mode = #tpu.pipeline_mode<synchronous>, transform_indices = @transform_1, window_bounds = array<i64: 128, 128>}, {pipeline_mode = #tpu.pipeline_mode<synchronous>, transform_indices = @transform_2, window_bounds = array<i64: 1, 128>}, {pipeline_mode = #tpu.pipeline_mode<synchronous>, transform_indices = @transform_3, window_bounds = array<i64: 1, 128>}, {transform_indices = @transform_4, window_bounds = array<i64: 1264, 128>}, {transform_indices = @transform_5, window_bounds = array<i64: 1264, 1>}, {transform_indices = @transform_6, window_bounds = array<i64: 1264, 1>}]} {
    %get3A = arith.constant 0 : index
    %get3A_0 = arith.constant 0 : index
    %get3A_1 = vector.load %arg1[%get3A, %get3A_0] : memref<1264x128xf32, #tpu.memory_space<vmem>>, vector<1264x128xf32>
    %get3A_2 = arith.constant 0 : index
    %get3A_3 = arith.constant 0 : index
    %get3A_4 = vector.load %arg2[%get3A_2, %get3A_3] : memref<128x128xf32, #tpu.memory_space<vmem>>, vector<128x128xf32>
    %dot_general3A = arith.constant dense<0.000000e+00> : vector<1264x128xf32>
    %dot_general3A_5 = tpu.matmul %get3A_1, %get3A_4, %dot_general3A {dimension_numbers = #tpu.dot_dimension_numbers<[1], [0], [0], [1], [0, 0, 1, 1], [], []>, precision = #tpu.contract_precision<fp32>, transpose_lhs_hint = false} : vector<1264x128xf32>, vector<128x128xf32>, vector<1264x128xf32> -> vector<1264x128xf32>
    %swap3A = arith.constant 0 : index
    %swap3A_6 = arith.constant 0 : index
    %swap3A_7 = vector.load %arg5[%swap3A, %swap3A_6] : memref<1264x128xf32, #tpu.memory_space<vmem>>, vector<1264x128xf32>
    tpu.vector_store %arg5[%swap3A, %swap3A_6], %dot_general3A_5 {strides = array<i32>} : memref<1264x128xf32, #tpu.memory_space<vmem>>, vector<1264x128xf32>,
    %get3A_8 = arith.constant 0 : index
    %get3A_9 = arith.constant 0 : index
    %get3A_10 = vector.load %arg3[%get3A_8, %get3A_9] : memref<1x128xf32, #tpu.memory_space<vmem>>, vector<1x128xf32>
    %mul3A = vector.broadcast %get3A_10 : vector<1x128xf32> to vector<1264x128xf32>
    %mul3A_11 = arith.mulf %dot_general3A_5, %mul3A : vector<1264x128xf32>
    %reduce_sum3A = arith.constant dense<0.000000e+00> : vector<1264xf32>
    %reduce_sum3A_12 = vector.multi_reduction <add>, %mul3A_11, %reduce_sum3A [1] : vector<1264x128xf32> to vector<1264xf32>
    %broadcast_in_dim3A = vector.shape_cast %reduce_sum3A_12 : vector<1264xf32> to vector<1264x1xf32>
    %swap3A_13 = arith.constant 0 : index
    %swap3A_14 = arith.constant 0 : index
    %swap3A_15 = vector.load %arg6[%swap3A_13, %swap3A_14] : memref<1264x1xf32, #tpu.memory_space<vmem>>, vector<1264x1xf32>
    tpu.vector_store %arg6[%swap3A_13, %swap3A_14], %broadcast_in_dim3A {strides = array<i32>} : memref<1264x1xf32, #tpu.memory_space<vmem>>, vector<1264x1xf32>,
    %get3A_16 = arith.constant 0 : index
    %get3A_17 = arith.constant 0 : index
    %get3A_18 = vector.load %arg4[%get3A_16, %get3A_17] : memref<1x128xf32, #tpu.memory_space<vmem>>, vector<1x128xf32>
    %mul3A_19 = vector.broadcast %get3A_18 : vector<1x128xf32> to vector<1264x128xf32>
    %mul3A_20 = arith.mulf %dot_general3A_5, %mul3A_19 : vector<1264x128xf32>
    %reduce_sum3A_21 = arith.constant dense<0.000000e+00> : vector<1264xf32>
    %reduce_sum3A_22 = vector.multi_reduction <add>, %mul3A_20, %reduce_sum3A_21 [1] : vector<1264x128xf32> to vector<1264xf32>
    %broadcast_in_dim3A_23 = vector.shape_cast %reduce_sum3A_22 : vector<1264xf32> to vector<1264x1xf32>
    %swap3A_24 = arith.constant 0 : index
    %swap3A_25 = arith.constant 0 : index
    %swap3A_26 = vector.load %arg7[%swap3A_24, %swap3A_25] : memref<1264x1xf32, #tpu.memory_space<vmem>>, vector<1264x1xf32>
    tpu.vector_store %arg7[%swap3A_24, %swap3A_25], %broadcast_in_dim3A_23 {strides = array<i32>} : memref<1264x1xf32, #tpu.memory_space<vmem>>, vector<1264x1xf32>,
    return
  }
  func.func @transform_0(%arg0: i32) -> (i32, i32) {
    %c0_i32 = arith.constant 0 : i32
    %c0_i32_0 = arith.constant 0 : i32
    return %arg0, %c0_i32 : i32, i32
  }
  func.func @transform_1(%arg0: i32) -> (i32, i32) {
    %c0_i32 = arith.constant 0 : i32
    %c0_i32_0 = arith.constant 0 : i32
    %c0_i32_1 = arith.constant 0 : i32
    return %c0_i32, %c0_i32_0 : i32, i32
  }
  func.func @transform_2(%arg0: i32) -> (i32, i32) {
    %c0_i32 = arith.constant 0 : i32
    %c0_i32_0 = arith.constant 0 : i32
    %c0_i32_1 = arith.constant 0 : i32
    return %c0_i32, %c0_i32_0 : i32, i32
  }
  func.func @transform_3(%arg0: i32) -> (i32, i32) {
    %c0_i32 = arith.constant 0 : i32
    %c0_i32_0 = arith.constant 0 : i32
    %c0_i32_1 = arith.constant 0 : i32
    return %c0_i32, %c0_i32_0 : i32, i32
  }
  func.func @transform_4(%arg0: i32) -> (i32, i32) {
    %c0_i32 = arith.constant 0 : i32
    %c0_i32_0 = arith.constant 0 : i32
    return %arg0, %c0_i32 : i32, i32
  }
  func.func @transform_5(%arg0: i32) -> (i32, i32) {
    %c0_i32 = arith.constant 0 : i32
    %c0_i32_0 = arith.constant 0 : i32
    return %arg0, %c0_i32 : i32, i32
  }
  func.func @transform_6(%arg0: i32) -> (i32, i32) {
    %c0_i32 = arith.constant 0 : i32
    %c0_i32_0 = arith.constant 0 : i32
    return %arg0, %c0_i32 : i32, i32
  }
}

module attributes {stable_mosaic.version = 14 : i64} {
  func.func @_tc_mid_body(%arg0: i32, %arg1: memref<1264x128xf32, #tpu.memory_space<vmem>>, %arg2: memref<1264x128xf32, #tpu.memory_space<vmem>>, %arg3: memref<1264x1xf32, #tpu.memory_space<vmem>>, %arg4: memref<1264x1xf32, #tpu.memory_space<vmem>>, %arg5: memref<1264x128xf32, #tpu.memory_space<vmem>>, %arg6: memref<1x64xf32, #tpu.memory_space<vmem>>, %arg7: memref<64x128xf32, #tpu.memory_space<vmem>>, %arg8: memref<1x128xf32, #tpu.memory_space<vmem>>, %arg9: memref<1x128xf32, #tpu.memory_space<vmem>>, %arg10: memref<1264x128xf32, #tpu.memory_space<vmem>>, %arg11: memref<1264x1xf32, #tpu.memory_space<vmem>>, %arg12: memref<1264x1xf32, #tpu.memory_space<vmem>>) attributes {dimension_semantics = [#tpu.dimension_semantics<arbitrary>], iteration_bounds = array<i64: 8>, scalar_prefetch = 0 : i64, scratch_operands = 0 : i64, tpu.core_type = #tpu.core_type<tc>, window_params = [{transform_indices = @transform_0, window_bounds = array<i64: 1264, 128>}, {transform_indices = @transform_1, window_bounds = array<i64: 1264, 128>}, {transform_indices = @transform_2, window_bounds = array<i64: 1264, 1>}, {transform_indices = @transform_3, window_bounds = array<i64: 1264, 1>}, {transform_indices = @transform_4, window_bounds = array<i64: 1264, 128>}, {pipeline_mode = #tpu.pipeline_mode<synchronous>, transform_indices = @transform_5, window_bounds = array<i64: 1, 64>}, {pipeline_mode = #tpu.pipeline_mode<synchronous>, transform_indices = @transform_6, window_bounds = array<i64: 64, 128>}, {pipeline_mode = #tpu.pipeline_mode<synchronous>, transform_indices = @transform_7, window_bounds = array<i64: 1, 128>}, {pipeline_mode = #tpu.pipeline_mode<synchronous>, transform_indices = @transform_8, window_bounds = array<i64: 1, 128>}, {transform_indices = @transform_9, window_bounds = array<i64: 1264, 128>}, {transform_indices = @transform_10, window_bounds = array<i64: 1264, 1>}, {transform_indices = @transform_11, window_bounds = array<i64: 1264, 1>}]} {
    %get3A = arith.constant 0 : index
    %get3A_0 = arith.constant 0 : index
    %get3A_1 = vector.load %arg3[%get3A, %get3A_0] : memref<1264x1xf32, #tpu.memory_space<vmem>>, vector<1264x1xf32>
    %get3A_2 = arith.constant 0 : index
    %get3A_3 = arith.constant 0 : index
    %get3A_4 = vector.load %arg4[%get3A_2, %get3A_3] : memref<1264x1xf32, #tpu.memory_space<vmem>>, vector<1264x1xf32>
    %add3A = arith.addf %get3A_1, %get3A_4 : vector<1264x1xf32>
    %ge3A = arith.constant 0.000000e+00 : f32
    %ge3A_5 = vector.broadcast %ge3A : f32 to vector<1264x1xf32>
    %ge3A_6 = arith.cmpf oge, %add3A, %ge3A_5 : vector<1264x1xf32>
    %mul3A = arith.constant 2.000000e-01 : f32
    %mul3A_7 = vector.broadcast %mul3A : f32 to vector<1264x1xf32>
    %mul3A_8 = arith.mulf %mul3A_7, %add3A : vector<1264x1xf32>
    %select_n3A = arith.select %ge3A_6, %add3A, %mul3A_8 : vector<1264x1xi1>, vector<1264x1xf32>
    %exp3A = math.exp %select_n3A : vector<1264x1xf32>
    %get3A_9 = arith.constant 0 : index
    %get3A_10 = arith.constant 0 : index
    %get3A_11 = vector.load %arg1[%get3A_9, %get3A_10] : memref<1264x128xf32, #tpu.memory_space<vmem>>, vector<1264x64xf32>
    %get3A_12 = arith.constant 0 : index
    %get3A_13 = arith.constant 0 : index
    %get3A_14 = vector.load %arg2[%get3A_12, %get3A_13] : memref<1264x128xf32, #tpu.memory_space<vmem>>, vector<1264x64xf32>
    %add3A_15 = arith.addf %get3A_11, %get3A_14 : vector<1264x64xf32>
    %get3A_16 = arith.constant 0 : index
    %get3A_17 = arith.constant 0 : index
    %get3A_18 = vector.load %arg5[%get3A_16, %get3A_17] : memref<1264x128xf32, #tpu.memory_space<vmem>>, vector<1264x64xf32>
    %mul3A_19 = vector.broadcast %exp3A : vector<1264x1xf32> to vector<1264x64xf32>
    %mul3A_20 = arith.mulf %mul3A_19, %get3A_18 : vector<1264x64xf32>
    %add3A_21 = arith.addf %add3A_15, %mul3A_20 : vector<1264x64xf32>
    %get3A_22 = arith.constant 0 : index
    %get3A_23 = arith.constant 64 : index
    %get3A_24 = vector.load %arg1[%get3A_22, %get3A_23] : memref<1264x128xf32, #tpu.memory_space<vmem>>, vector<1264x1xf32>
    %get3A_25 = arith.constant 0 : index
    %get3A_26 = arith.constant 64 : index
    %get3A_27 = vector.load %arg2[%get3A_25, %get3A_26] : memref<1264x128xf32, #tpu.memory_space<vmem>>, vector<1264x1xf32>
    %add3A_28 = arith.addf %get3A_24, %get3A_27 : vector<1264x1xf32>
    %add3A_29 = arith.addf %add3A_28, %exp3A : vector<1264x1xf32>
    %add3A_30 = arith.constant 1.000000e-16 : f32
    %add3A_31 = vector.broadcast %add3A_30 : f32 to vector<1264x1xf32>
    %add3A_32 = arith.addf %add3A_29, %add3A_31 : vector<1264x1xf32>
    %div3A = vector.broadcast %add3A_32 : vector<1264x1xf32> to vector<1264x64xf32>
    %div3A_33 = arith.divf %add3A_21, %div3A : vector<1264x64xf32>
    %get3A_34 = arith.constant 0 : index
    %get3A_35 = arith.constant 0 : index
    %get3A_36 = vector.load %arg6[%get3A_34, %get3A_35] : memref<1x64xf32, #tpu.memory_space<vmem>>, vector<1x64xf32>
    %add3A_37 = vector.broadcast %get3A_36 : vector<1x64xf32> to vector<1264x64xf32>
    %add3A_38 = arith.addf %div3A_33, %add3A_37 : vector<1264x64xf32>
    %max3A = arith.constant 0.000000e+00 : f32
    %max3A_39 = vector.broadcast %max3A : f32 to vector<1264x64xf32>
    %max3A_40 = arith.maximumf %add3A_38, %max3A_39 : vector<1264x64xf32>
    %get3A_41 = arith.constant 0 : index
    %get3A_42 = arith.constant 0 : index
    %get3A_43 = vector.load %arg7[%get3A_41, %get3A_42] : memref<64x128xf32, #tpu.memory_space<vmem>>, vector<64x128xf32>
    %dot_general3A = arith.constant dense<0.000000e+00> : vector<1264x128xf32>
    %dot_general3A_44 = tpu.matmul %max3A_40, %get3A_43, %dot_general3A {dimension_numbers = #tpu.dot_dimension_numbers<[1], [0], [0], [1], [0, 0, 1, 1], [], []>, precision = #tpu.contract_precision<fp32>, transpose_lhs_hint = false} : vector<1264x64xf32>, vector<64x128xf32>, vector<1264x128xf32> -> vector<1264x128xf32>
    %swap3A = arith.constant 0 : index
    %swap3A_45 = arith.constant 0 : index
    %swap3A_46 = vector.load %arg10[%swap3A, %swap3A_45] : memref<1264x128xf32, #tpu.memory_space<vmem>>, vector<1264x128xf32>
    tpu.vector_store %arg10[%swap3A, %swap3A_45], %dot_general3A_44 {strides = array<i32>} : memref<1264x128xf32, #tpu.memory_space<vmem>>, vector<1264x128xf32>,
    %get3A_47 = arith.constant 0 : index
    %get3A_48 = arith.constant 0 : index
    %get3A_49 = vector.load %arg8[%get3A_47, %get3A_48] : memref<1x128xf32, #tpu.memory_space<vmem>>, vector<1x128xf32>
    %mul3A_50 = vector.broadcast %get3A_49 : vector<1x128xf32> to vector<1264x128xf32>
    %mul3A_51 = arith.mulf %dot_general3A_44, %mul3A_50 : vector<1264x128xf32>
    %reduce_sum3A = arith.constant dense<0.000000e+00> : vector<1264xf32>
    %reduce_sum3A_52 = vector.multi_reduction <add>, %mul3A_51, %reduce_sum3A [1] : vector<1264x128xf32> to vector<1264xf32>
    %broadcast_in_dim3A = vector.shape_cast %reduce_sum3A_52 : vector<1264xf32> to vector<1264x1xf32>
    %swap3A_53 = arith.constant 0 : index
    %swap3A_54 = arith.constant 0 : index
    %swap3A_55 = vector.load %arg11[%swap3A_53, %swap3A_54] : memref<1264x1xf32, #tpu.memory_space<vmem>>, vector<1264x1xf32>
    tpu.vector_store %arg11[%swap3A_53, %swap3A_54], %broadcast_in_dim3A {strides = array<i32>} : memref<1264x1xf32, #tpu.memory_space<vmem>>, vector<1264x1xf32>,
    %get3A_56 = arith.constant 0 : index
    %get3A_57 = arith.constant 0 : index
    %get3A_58 = vector.load %arg9[%get3A_56, %get3A_57] : memref<1x128xf32, #tpu.memory_space<vmem>>, vector<1x128xf32>
    %mul3A_59 = vector.broadcast %get3A_58 : vector<1x128xf32> to vector<1264x128xf32>
    %mul3A_60 = arith.mulf %dot_general3A_44, %mul3A_59 : vector<1264x128xf32>
    %reduce_sum3A_61 = arith.constant dense<0.000000e+00> : vector<1264xf32>
    %reduce_sum3A_62 = vector.multi_reduction <add>, %mul3A_60, %reduce_sum3A_61 [1] : vector<1264x128xf32> to vector<1264xf32>
    %broadcast_in_dim3A_63 = vector.shape_cast %reduce_sum3A_62 : vector<1264xf32> to vector<1264x1xf32>
    %swap3A_64 = arith.constant 0 : index
    %swap3A_65 = arith.constant 0 : index
    %swap3A_66 = vector.load %arg12[%swap3A_64, %swap3A_65] : memref<1264x1xf32, #tpu.memory_space<vmem>>, vector<1264x1xf32>
    tpu.vector_store %arg12[%swap3A_64, %swap3A_65], %broadcast_in_dim3A_63 {strides = array<i32>} : memref<1264x1xf32, #tpu.memory_space<vmem>>, vector<1264x1xf32>,
    return
  }
  func.func @transform_0(%arg0: i32) -> (i32, i32) {
    %c0_i32 = arith.constant 0 : i32
    %c0_i32_0 = arith.constant 0 : i32
    return %arg0, %c0_i32 : i32, i32
  }
  func.func @transform_1(%arg0: i32) -> (i32, i32) {
    %c0_i32 = arith.constant 0 : i32
    %c0_i32_0 = arith.constant 0 : i32
    return %arg0, %c0_i32 : i32, i32
  }
  func.func @transform_2(%arg0: i32) -> (i32, i32) {
    %c0_i32 = arith.constant 0 : i32
    %c0_i32_0 = arith.constant 0 : i32
    return %arg0, %c0_i32 : i32, i32
  }
  func.func @transform_3(%arg0: i32) -> (i32, i32) {
    %c0_i32 = arith.constant 0 : i32
    %c0_i32_0 = arith.constant 0 : i32
    return %arg0, %c0_i32 : i32, i32
  }
  func.func @transform_4(%arg0: i32) -> (i32, i32) {
    %c0_i32 = arith.constant 0 : i32
    %c0_i32_0 = arith.constant 0 : i32
    return %arg0, %c0_i32 : i32, i32
  }
  func.func @transform_5(%arg0: i32) -> (i32, i32) {
    %c0_i32 = arith.constant 0 : i32
    %c0_i32_0 = arith.constant 0 : i32
    %c0_i32_1 = arith.constant 0 : i32
    return %c0_i32, %c0_i32_0 : i32, i32
  }
  func.func @transform_6(%arg0: i32) -> (i32, i32) {
    %c0_i32 = arith.constant 0 : i32
    %c0_i32_0 = arith.constant 0 : i32
    %c0_i32_1 = arith.constant 0 : i32
    return %c0_i32, %c0_i32_0 : i32, i32
  }
  func.func @transform_7(%arg0: i32) -> (i32, i32) {
    %c0_i32 = arith.constant 0 : i32
    %c0_i32_0 = arith.constant 0 : i32
    %c0_i32_1 = arith.constant 0 : i32
    return %c0_i32, %c0_i32_0 : i32, i32
  }
  func.func @transform_8(%arg0: i32) -> (i32, i32) {
    %c0_i32 = arith.constant 0 : i32
    %c0_i32_0 = arith.constant 0 : i32
    %c0_i32_1 = arith.constant 0 : i32
    return %c0_i32, %c0_i32_0 : i32, i32
  }
  func.func @transform_9(%arg0: i32) -> (i32, i32) {
    %c0_i32 = arith.constant 0 : i32
    %c0_i32_0 = arith.constant 0 : i32
    return %arg0, %c0_i32 : i32, i32
  }
  func.func @transform_10(%arg0: i32) -> (i32, i32) {
    %c0_i32 = arith.constant 0 : i32
    %c0_i32_0 = arith.constant 0 : i32
    return %arg0, %c0_i32 : i32, i32
  }
  func.func @transform_11(%arg0: i32) -> (i32, i32) {
    %c0_i32 = arith.constant 0 : i32
    %c0_i32_0 = arith.constant 0 : i32
    return %arg0, %c0_i32 : i32, i32
  }
}

module attributes {stable_mosaic.version = 14 : i64} {
  func.func @_tc_final_body(%arg0: i32, %arg1: memref<1264x128xf32, #tpu.memory_space<vmem>>, %arg2: memref<1264x128xf32, #tpu.memory_space<vmem>>, %arg3: memref<1264x1xf32, #tpu.memory_space<vmem>>, %arg4: memref<1264x1xf32, #tpu.memory_space<vmem>>, %arg5: memref<1264x128xf32, #tpu.memory_space<vmem>>, %arg6: memref<1x128xf32, #tpu.memory_space<vmem>>, %arg7: memref<1264x128xf32, #tpu.memory_space<vmem>>) attributes {dimension_semantics = [#tpu.dimension_semantics<arbitrary>], iteration_bounds = array<i64: 8>, scalar_prefetch = 0 : i64, scratch_operands = 0 : i64, tpu.core_type = #tpu.core_type<tc>, window_params = [{transform_indices = @transform_0, window_bounds = array<i64: 1264, 128>}, {transform_indices = @transform_1, window_bounds = array<i64: 1264, 128>}, {transform_indices = @transform_2, window_bounds = array<i64: 1264, 1>}, {transform_indices = @transform_3, window_bounds = array<i64: 1264, 1>}, {transform_indices = @transform_4, window_bounds = array<i64: 1264, 128>}, {pipeline_mode = #tpu.pipeline_mode<synchronous>, transform_indices = @transform_5, window_bounds = array<i64: 1, 128>}, {transform_indices = @transform_6, window_bounds = array<i64: 1264, 128>}]} {
    %get3A = arith.constant 0 : index
    %get3A_0 = arith.constant 0 : index
    %get3A_1 = vector.load %arg3[%get3A, %get3A_0] : memref<1264x1xf32, #tpu.memory_space<vmem>>, vector<1264x1xf32>
    %get3A_2 = arith.constant 0 : index
    %get3A_3 = arith.constant 0 : index
    %get3A_4 = vector.load %arg4[%get3A_2, %get3A_3] : memref<1264x1xf32, #tpu.memory_space<vmem>>, vector<1264x1xf32>
    %add3A = arith.addf %get3A_1, %get3A_4 : vector<1264x1xf32>
    %ge3A = arith.constant 0.000000e+00 : f32
    %ge3A_5 = vector.broadcast %ge3A : f32 to vector<1264x1xf32>
    %ge3A_6 = arith.cmpf oge, %add3A, %ge3A_5 : vector<1264x1xf32>
    %mul3A = arith.constant 2.000000e-01 : f32
    %mul3A_7 = vector.broadcast %mul3A : f32 to vector<1264x1xf32>
    %mul3A_8 = arith.mulf %mul3A_7, %add3A : vector<1264x1xf32>
    %select_n3A = arith.select %ge3A_6, %add3A, %mul3A_8 : vector<1264x1xi1>, vector<1264x1xf32>
    %exp3A = math.exp %select_n3A : vector<1264x1xf32>
    %get3A_9 = arith.constant 0 : index
    %get3A_10 = arith.constant 0 : index
    %get3A_11 = vector.load %arg1[%get3A_9, %get3A_10] : memref<1264x128xf32, #tpu.memory_space<vmem>>, vector<1264x128xf32>
    %get3A_12 = arith.constant 0 : index
    %get3A_13 = arith.constant 0 : index
    %get3A_14 = vector.load %arg2[%get3A_12, %get3A_13] : memref<1264x128xf32, #tpu.memory_space<vmem>>, vector<1264x128xf32>
    %add3A_15 = arith.addf %get3A_11, %get3A_14 : vector<1264x128xf32>
    %get3A_16 = arith.constant 0 : index
    %get3A_17 = arith.constant 0 : index
    %get3A_18 = vector.load %arg5[%get3A_16, %get3A_17] : memref<1264x128xf32, #tpu.memory_space<vmem>>, vector<1264x128xf32>
    %mul3A_19 = vector.broadcast %exp3A : vector<1264x1xf32> to vector<1264x128xf32>
    %mul3A_20 = arith.mulf %mul3A_19, %get3A_18 : vector<1264x128xf32>
    %add3A_21 = arith.addf %add3A_15, %mul3A_20 : vector<1264x128xf32>
    %get3A_22 = arith.constant 0 : index
    %get3A_23 = arith.constant 121 : index
    %get3A_24 = vector.load %arg1[%get3A_22, %get3A_23] : memref<1264x128xf32, #tpu.memory_space<vmem>>, vector<1264x1xf32>
    %get3A_25 = arith.constant 0 : index
    %get3A_26 = arith.constant 121 : index
    %get3A_27 = vector.load %arg2[%get3A_25, %get3A_26] : memref<1264x128xf32, #tpu.memory_space<vmem>>, vector<1264x1xf32>
    %add3A_28 = arith.addf %get3A_24, %get3A_27 : vector<1264x1xf32>
    %add3A_29 = arith.addf %add3A_28, %exp3A : vector<1264x1xf32>
    %add3A_30 = arith.constant 1.000000e-16 : f32
    %add3A_31 = vector.broadcast %add3A_30 : f32 to vector<1264x1xf32>
    %add3A_32 = arith.addf %add3A_29, %add3A_31 : vector<1264x1xf32>
    %div3A = vector.broadcast %add3A_32 : vector<1264x1xf32> to vector<1264x128xf32>
    %div3A_33 = arith.divf %add3A_21, %div3A : vector<1264x128xf32>
    %get3A_34 = arith.constant 0 : index
    %get3A_35 = arith.constant 0 : index
    %get3A_36 = vector.load %arg6[%get3A_34, %get3A_35] : memref<1x128xf32, #tpu.memory_space<vmem>>, vector<1x128xf32>
    %add3A_37 = vector.broadcast %get3A_36 : vector<1x128xf32> to vector<1264x128xf32>
    %add3A_38 = arith.addf %div3A_33, %add3A_37 : vector<1264x128xf32>
    %neg3A = arith.constant 0.000000e+00 : f32
    %neg3A_39 = vector.broadcast %neg3A : f32 to vector<1264x128xf32>
    %neg3A_40 = arith.subf %neg3A_39, %add3A_38 : vector<1264x128xf32>
    %exp3A_41 = math.exp %neg3A_40 : vector<1264x128xf32>
    %add3A_42 = arith.constant 1.000000e+00 : f32
    %add3A_43 = vector.broadcast %add3A_42 : f32 to vector<1264x128xf32>
    %add3A_44 = arith.addf %add3A_43, %exp3A_41 : vector<1264x128xf32>
    %div3A_45 = arith.constant 1.000000e+00 : f32
    %div3A_46 = vector.broadcast %div3A_45 : f32 to vector<1264x128xf32>
    %div3A_47 = arith.divf %div3A_46, %add3A_44 : vector<1264x128xf32>
    %swap3A = arith.constant 0 : index
    %swap3A_48 = arith.constant 0 : index
    %swap3A_49 = vector.load %arg7[%swap3A, %swap3A_48] : memref<1264x128xf32, #tpu.memory_space<vmem>>, vector<1264x128xf32>
    tpu.vector_store %arg7[%swap3A, %swap3A_48], %div3A_47 {strides = array<i32>} : memref<1264x128xf32, #tpu.memory_space<vmem>>, vector<1264x128xf32>,
    return
  }
  func.func @transform_0(%arg0: i32) -> (i32, i32) {
    %c0_i32 = arith.constant 0 : i32
    %c0_i32_0 = arith.constant 0 : i32
    return %arg0, %c0_i32 : i32, i32
  }
  func.func @transform_1(%arg0: i32) -> (i32, i32) {
    %c0_i32 = arith.constant 0 : i32
    %c0_i32_0 = arith.constant 0 : i32
    return %arg0, %c0_i32 : i32, i32
  }
  func.func @transform_2(%arg0: i32) -> (i32, i32) {
    %c0_i32 = arith.constant 0 : i32
    %c0_i32_0 = arith.constant 0 : i32
    return %arg0, %c0_i32 : i32, i32
  }
  func.func @transform_3(%arg0: i32) -> (i32, i32) {
    %c0_i32 = arith.constant 0 : i32
    %c0_i32_0 = arith.constant 0 : i32
    return %arg0, %c0_i32 : i32, i32
  }
  func.func @transform_4(%arg0: i32) -> (i32, i32) {
    %c0_i32 = arith.constant 0 : i32
    %c0_i32_0 = arith.constant 0 : i32
    return %arg0, %c0_i32 : i32, i32
  }
  func.func @transform_5(%arg0: i32) -> (i32, i32) {
    %c0_i32 = arith.constant 0 : i32
    %c0_i32_0 = arith.constant 0 : i32
    %c0_i32_1 = arith.constant 0 : i32
    return %c0_i32, %c0_i32_0 : i32, i32
  }
  func.func @transform_6(%arg0: i32) -> (i32, i32) {
    %c0_i32 = arith.constant 0 : i32
    %c0_i32_0 = arith.constant 0 : i32
    return %arg0, %c0_i32 : i32, i32
  }
}

</mosaic_0001>

<sc_bundles>
// kernel: kernel.10.cloned.1.call-start
scs
__scs_entry_jumppad:
0x0: {  	(pc) =	sbr.rel $0x88, $3  }
0x1: {  	(tag) =	ssettag $0x0;
	lr =	simm.s32 $0x1  }
0x2: {  	[smem:$0x3F97] =	sst lr;
	_ =	strace $0xD0000000  }
0x3: {  	_ = 	snop  }
0x4: {  	_ = 	snop  }
0x5: {  	_ = 	snop  }
0x6: {  	_ = 	snop  }
0x7: {  	_ = 	snop  }
__scs_overlays_trampoline_lowered:
0x8: {  	[smem:$0x3FA6] =	sst s0  }
0x9: {  	[smem:$0x3FA7] =	sst s1  }
0xa: {  	[smem:$0x3FA8] =	sst s2  }
0xb: {  	[smem:$0x3FA9] =	sst s3  }
0xc: {  	[smem:$0x3FAA] =	sst s4  }
0xd: {  	[smem:$0x3FAB] =	sst s5  }
0xe: {  	[smem:$0x3FAC] =	sst s6  }
0xf: {  	[smem:$0x3FAD] =	sst s7  }
0x10: {  	[smem:$0x3FAE] =	sst s8  }
0x11: {  	[smem:$0x3FAF] =	sst s9;
	s0 =	simm.s32 @!p0 $0x0  }
0x12: {  	s1 =	sld [smem:$0x3F95];
	s0 =	simm.s32 @p0 $0x1  }
0x13: {  	[smem:$0x3FB0] =	sst s0;
	s0 =	simm.s32 @!p1 $0x0  }
0x14: {  	s2 =	sld [smem:$0x3F94];
	s0 =	simm.s32 @p1 $0x1  }
0x15: {  	[smem:$0x3FB1] =	sst s0;
	s0 =	simm.s32 @!p2 $0x0  }
0x16: {  	s3 =	sld [smem:$0x3FDB];
	s0 =	simm.s32 @p2 $0x1  }
0x17: {  	s4 =	simm.s32 $0x1BF5;
	[smem:$0x3FB3] =	sst s0  }
0x18: {  	s0 =	sld [smem:$0x3F96];
	_ =	swait.ge [sflag:s4], $0x0  }
0x19: {  	s7 =	sld [smem:$0x3F97]  }
0x1a: {  	s8 =	sadd.s32 $0xFFFFE003, lr  }
0x1b: {  	s9 =	sadd.s32 $0xFFFFFEF7, lr;
	s5 =	simm.s32 $0xFFFFFFFF;
	p2 =	slt.u32 s8, $0xFFFFF086  }
0x1c: {  	p1 =	slt.u32 s9, $0xF7A;
	s5 =	simm.s32 @!p2 $0x0  }
0x1d: {  	s5 =	simm.s32 @p1 $0x1;
	p0 =	seq.s32 s7, s2  }
0x1e: {  	s7 =	smul.u32 @!p0 $0xF7A, s2;
	p2 =	seq.s32 @!p0 s5, $0x0  }
0x1f: {  	s9 =	smul.u32 $0xF7A, s1;
	s8 =	simm.s32 @!p0 $0x1BF5;
	p2 =	por !p2, p0  }
0x20: {  	[sflag:s8] =	ssyncset.s32 @!p0 $0xFFFFF086;
	s6 =	sadd.s32 @!p0 s3, s7;
	s7 =	simm.s32 @!p0 $0x108  }
0x21: {  	s3 =	sadd.s32 s3, s9;
	s6 =	sadd.s32 @!p0 $0x88, s6;
	s7 =	simm.s32 @p2 $0x1082  }
0x22: {  	[simem:s7], [sflag:s8] =	dma.local @!p0 [hbm:s6], $0xF7A  }
0x23: {  	s9 =	sor.u32 $0xD0000000, s2;
	s6 =	simm.s32 $0x108;
	_ =	swait.ge @!p0 [sflag:s8], $0x0  }
0x24: {  	s3 =	sadd.s32 $0x88, s3;
	s6 =	simm.s32 @!p1 $0x1082;
	[sflag:s4] =	ssyncset.s32 $0xFFFFF086  }
0x25: {  	[simem:s6], [sflag:s4] =	dma.local [hbm:s3], $0xF7A  }
0x26: {  	[smem:$0x3F97] =	sst s1;
	(tag) =	ssettag s2;
	_ =	strace s9  }
0x27: {  	s1 =	sld [smem:$0x3FA7]  }
0x28: {  	s2 =	sld [smem:$0x3FA8]  }
0x29: {  	s4 =	sld [smem:$0x3FAA]  }
0x2a: {  	p0 =	seq.s32 s5, $0x0;
	s5 =	sld [smem:$0x3FAB]  }
0x2b: {  	s6 =	sld [smem:$0x3FAC]  }
0x2c: {  	s7 =	sld [smem:$0x3FAD]  }
0x2d: {  	s3 =	simm.s32 $0x108;
	s8 =	sld [smem:$0x3FAE]  }
0x2e: {  	s3 =	simm.s32 @!p0 $0x1082;
	s9 =	sld [smem:$0x3FAF]  }
0x2f: {  	lr =	sadd.s32 s0, s3;
	s0 =	sld [smem:$0x3FA6]  }
0x30: {  	s3 =	sld [smem:$0x3FA9]  }
0x31: {  	[smem:$0x3FB2] =	sst s10  }
0x32: {  	s10 =	sld [smem:$0x3FB0];
	_ =	sdelay $0x3  }
0x33: {  	p0 =	seq.s32 s10, $0x1;
	s10 =	sld [smem:$0x3FB2];
	_ =	sdelay $0x3  }
0x34: {  	[smem:$0x3FB2] =	sst s10  }
0x35: {  	s10 =	sld [smem:$0x3FB1];
	_ =	sdelay $0x3  }
0x36: {  	p1 =	seq.s32 s10, $0x1;
	s10 =	sld [smem:$0x3FB2];
	_ =	sdelay $0x3  }
0x37: {  	[smem:$0x3FB2] =	sst s10  }
0x38: {  	s10 =	sld [smem:$0x3FB3]  }
0x39: {  	_ = 	snop;
	(pc) =	sbr.ind lr, $3  }
0x3a: {  	_ = 	snop  }
0x3b: {  	_ = 	snop  }
0x3c: {  	p2 =	seq.s32 s10, $0x1;
	s10 =	sld [smem:$0x3FB2]  }
0x3d: {  	_ =	shalt  }
0x3e: {  	_ =	shalt  }
0x3f: {  	_ =	shalt  }
0x40: {  	_ =	shalt  }
0x41: {  	_ =	shalt  }
0x42: {  	_ =	shalt  }
0x43: {  	_ =	shalt  }
0x44: {  	_ =	shalt  }
0x45: {  	_ =	shalt  }
0x46: {  	_ =	shalt  }
0x47: {  	_ =	shalt  }
0x48: {  	_ =	shalt  }
0x49: {  	_ =	shalt  }
0x4a: {  	_ =	shalt  }
0x4b: {  	_ =	shalt  }
0x4c: {  	_ =	shalt  }
0x4d: {  	_ =	shalt  }
0x4e: {  	_ =	shalt  }
0x4f: {  	_ =	shalt  }
0x50: {  	_ =	shalt  }
0x51: {  	_ =	shalt  }
0x52: {  	_ =	shalt  }
0x53: {  	_ =	shalt  }
0x54: {  	_ =	shalt  }
0x55: {  	_ =	shalt  }
0x56: {  	_ =	shalt  }
0x57: {  	_ =	shalt  }
0x58: {  	_ =	shalt  }
0x59: {  	_ =	shalt  }
0x5a: {  	_ =	shalt  }
0x5b: {  	_ =	shalt  }
0x5c: {  	_ =	shalt  }
0x5d: {  	_ =	shalt  }
0x5e: {  	_ =	shalt  }
0x5f: {  	_ =	shalt  }
0x60: {  	_ =	shalt  }
0x61: {  	_ =	shalt  }
0x62: {  	_ =	shalt  }
0x63: {  	_ =	shalt  }
0x64: {  	_ =	shalt  }
0x65: {  	_ =	shalt  }
0x66: {  	_ =	shalt  }
0x67: {  	_ =	shalt  }
0x68: {  	_ =	shalt  }
0x69: {  	_ =	shalt  }
0x6a: {  	_ =	shalt  }
0x6b: {  	_ =	shalt  }
0x6c: {  	_ =	shalt  }
0x6d: {  	_ =	shalt  }
0x6e: {  	_ =	shalt  }
0x6f: {  	_ =	shalt  }
0x70: {  	_ =	shalt  }
0x71: {  	_ =	shalt  }
0x72: {  	_ =	shalt  }
0x73: {  	_ =	shalt  }
0x74: {  	_ =	shalt  }
0x75: {  	_ =	shalt  }
0x76: {  	_ =	shalt  }
0x77: {  	_ =	shalt  }
0x78: {  	_ =	shalt  }
0x79: {  	_ =	shalt  }
0x7a: {  	_ =	shalt  }
0x7b: {  	_ =	shalt  }
0x7c: {  	_ =	shalt  }
0x7d: {  	_ =	shalt  }
0x7e: {  	_ =	shalt  }
0x7f: {  	_ =	shalt  }
0x80: {  	_ =	shalt  }
0x81: {  	_ =	shalt  }
0x82: {  	_ =	shalt  }
0x83: {  	_ =	shalt  }
0x84: {  	_ =	shalt  }
0x85: {  	_ =	shalt  }
0x86: {  	_ =	shalt  }
0x87: {  	_ =	shalt  }
.Lfunc_end0:
.L_simem_size_0:
called_computation.1_lowered:
.L_overlay_start_0:
0x88: {  	s2 =	sld [smem:$0x3FD9]  }
0x89: {  	s3 =	sld [smem:$0x3FFE];
	_ =	sdelay $0x1  }
0x8a: {  	s1 =	srdreg.scid  }
0x8b: {  	s0 =	sand.u32 $0x1, s1  }
0x8c: {  	s17 =	sshll.u32 s0, $0xA;
	s2 =	sadd.s32 s3, s2  }
0x8d: {  	s2 =	sadd.s32 s2, s17  }
0x8e: {  	[smem:$0x3FBE] =	sst s2  }
0x8f: {  	_ = 	snop  }
0x90: {  	s2 =	sld [smem:$0x3FD0];
	(tm) =	ssettm $0x1  }
0x91: {  	s18 =	sld [smem:$0x3FFB];
	_ =	sdelay $0x3  }
0x92: {  	_ =	strace s18  }
0x93: {  	s3 =	sld [smem:$0x3FFC];
	_ =	sdelay $0x3  }
0x94: {  	_ =	strace s3  }
0x95: {  	s3 =	sld [smem:$0x3FFD];
	_ =	sdelay $0x3  }
0x96: {  	_ =	strace s3  }
0x97: {  	_ =	strace $0x8FFFFFFF  }
0x98: {  	s19 =	sld [smem:$0x3FDB];
	_ =	sdelay $0x1  }
0x99: {  	s4 =	simm.s32 $_scs_section_size  }
0x9a: {  	s5 =	simm.s32 $_size__tile_overlayer_lowered;
	s6 =	simm.s32 $_tile_overlayer_lowered  }
0x9b: {  	s22 =	simm.s32 $0x1BFF;
	s21 =	sshll.u32 s6, $0x1;
	s3 =	sadd.s32 s4, s19  }
0x9c: {  	s7 =	simm.s32 $0x0;
	s20 =	sshll.u32 s5, $0x1;
	s5 =	sadd.s32 s21, s3  }
0x9d: {  	[timem:s7], [sflag:s22] =	dma.local [hbm:s5], s20  }
0x9e: {  	_ =	swait.ge [sflag:s22], s20  }
0x9f: {  	s4 =	ssub.s32 $0x0, s20;
	[sflag:s22] =	ssyncset.done $0x0  }
0xa0: {  	[sflag:s22] =	ssyncadd.s32 s4;
	_ =	sdelay $0x1  }
0xa1: {  	s23 =	simm.s32 $0x1B8B  }
0xa2: {  	_ =	swait.ge [sflag:s23], $0x1  }
0xa3: {  	[sflag:s23] =	ssyncset.done $0x0  }
0xa4: {  	s25 =	simm.s32 $0x1B8E;
	s24 =	sld [smem:$0x3FFE];
	[sflag:s23] =	ssyncadd.s32 $0xFFFFFFFF  }
0xa5: {  	s26 =	simm.s32 $execute0_lowered;
	[smem:$0x3FD2] =	sst s25  }
0xa6: {  	s5 =	sshll.u32 s26, $0x1;
	_ =	strace $0x80000049;
	[dreg:$0x1] =	wrdreg $0xFFFFFFFF  }
0xa7: {  	s28 =	simm.s32 $_size_execute0_lowered;
	s3 =	sadd.s32 s3, s5;
	[dreg:$0x0] =	wrdreg $0x0  }
0xa8: {  	s5 =	sshll.u32 s28, $0x1;
	[dreg:$0x2] =	wrdreg s3  }
0xa9: {  	[dreg:$0x3] =	wrdreg s5  }
0xaa: {  	[dreg:$0x4] =	wrdreg $0xC0  }
0xab: {  	_ =	task [dreg:s7], $0x5FFFF  }
0xac: {  	[dreg:$0x1] =	wrdreg $0xFFFFFFFF  }
0xad: {  	[dreg:$0x0] =	wrdreg $0x60  }
0xae: {  	[dreg:$0x2] =	wrdreg s2  }
0xaf: {  	[dreg:$0x3] =	wrdreg s24  }
0xb0: {  	[dreg:$0x4] =	wrdreg $0xB3000  }
0xb1: {  	[dreg:$0x5] =	wrdreg $0x9  }
0xb2: {  	_ =	task.clear_ibuf [dreg:s7], $0x6FFFF;
	_ =	strace $0x90000049  }
0xb3: {  	s29 =	simm.s32 $0x9;
	_ =	strace $0x8000004B  }
0xb4: {  	_ =	swait.ge [sflag:s29], $0x1  }
0xb5: {  	[sflag:s29] =	ssyncadd.s32 $0xFFFFFFFF  }
0xb6: {  	_ =	strace $0x9000004B  }
0xb7: {  	_ =	sfence  }
0xb8: {  	s30 =	sld [smem:$0x0];
	_ =	sdelay $0x2  }
0xb9: {  	s31 =	sshll.u32 s1, $0xD;
	s1 =	sshrl.u32 s1, $0x2  }
0xba: {  	s3 =	sand.u32 $0x4000, s31;
	s1 =	sadd.s32 s1, s30  }
0xbb: {  	s0 =	sor.u32 s3, s0;
	s1 =	sshll.u32 s1, $0x11  }
0xbc: {  	s0 =	sor.u32 s1, s0  }
0xbd: {  	s0 =	sadd.s32 $0x8F2B, s0  }
0xbe: {  	[sflag:s0] =	ssyncadd.remote.s32 $0x1  }
0xbf: {  	_ =	sfence.sel $0xFFFF  }
0xc0: {  	[dreg:$0x0] =	wrdreg $0xFFFFFFFF;
	(pc) =	sbr.abs _section_cstart, $3  }
0xc1: {  	[dreg:$0x1] =	wrdreg $0xFFFFFFFF  }
0xc2: {  	_ =	task.clear_ibuf [dreg:s7], $0x2FFFF;
	_ =	strace $0x9FFFFFFF  }
0xc3: {  	(tm) =	ssettm $0x7FFFFFFF  }
tec
execute0_lowered:
.L_overlay_start_1:
0x0: {  	(tag) =	ssettag $0x1  }
0x1: {  	s1 =	rddreg [dreg:$0x0]  }
0x2: {  	s0 =	rddreg [dreg:$0x1]  }
0x3: {  	s2 =	rddreg [dreg:$0x2];
	s3 =	srdreg.scid  }
0x4: {  	s4 =	simm.s32 $0x0;
	s9 =	stileid.u32;
	s28 =	simm.s32 $0x60  }
0x5: {  	s29 =	simm.s32 $0x3;
	s30 =	simm.s32 $0x2;
	s31 =	simm.s32 $0x8300  }
0x6: {  	s11 =	simm.s32 $0x6;
	s3 =	sand.u32 $0x1, s3;
	[smem:$0x7FF] =	sst s4  }
0x7: {  	s6 =	smul.u32 $0x13C00, s9;
	s7 =	sadd.s32 $0x4F600, s0;
	s14 =	sadd.s32 $0x4FC00, s0  }
0x8: {  	s15 =	smul.u32 $0x4F000, s9;
	_ =	strace $0x8000004A;
	[dreg:$0x4] =	wrdreg s7  }
0x9: {  	s12 =	simm.s32 $0x0;
	s5 =	smul.u32 $0x13C000, s3;
	[dreg:$0x5] =	wrdreg s14  }
0xa: {  	s7 =	sadd.s32 $0x600, s0;
	s8 =	sshll.u32 s3, $0x4;
	s3 =	ssub.s32 $0x2, s3  }
0xb: {  	s9 =	sor.u32 s9, s8;
	s10 =	sshrl.u32 s3, $0x1;
	s5 =	sadd.s32 s6, s5  }
0xc: {  	s6 =	sshrl.u32 s15, $0x2;
	s16 =	smul.u32 $0x6A00, s9;
	s3 =	ssub.s32 s3, s10  }
0xd: {  	s9 =	simm.s32 $0x5180;
	s10 =	simm.s32 $0x5;
	s5 =	sshrl.u32 s5, $0x3  }
0xe: {  	s8 =	sadd.s32 s6, s2;
	s26 =	smax.u32 s3, $0x1;
	s3 =	simm.s32 $0x5100  }
0xf: {  	s6 =	simm.s32 $0x5280;
	s18 =	sadd.s32 $0x3000, s8;
	[dreg:$0xe] =	wrdreg s26  }
0x10: {  	s0 =	sadd.s32 s5, s0;
	s19 =	sadd.s32 $0x6000, s8;
	[dreg:$0x6] =	wrdreg s18  }
0x11: {  	s20 =	sadd.s32 $0x9000, s8;
	s21 =	sshrl.u32 s16, $0x3;
	[dreg:$0x7] =	wrdreg s19  }
0x12: {  	s22 =	sadd.s32 $0xC000, s8;
	s23 =	sadd.s32 $0xF000, s8;
	[dreg:$0x8] =	wrdreg s20  }
0x13: {  	s24 =	sadd.s32 $0x12000, s8;
	s17 =	sadd.s32 $0x200, s16;
	[dreg:$0x9] =	wrdreg s22  }
0x14: {  	s26 =	simm.s32 $0x1;
	s5 =	simm.s32 $0x4;
	[dreg:$0xa] =	wrdreg s23  }
0x15: {  	s14 =	sadd.s32 s1, s21;
	[dreg:$0xb] =	wrdreg s24;
	s18 =	sadd.s32 $0x300, s16  }
0x16: {  	s0 =	sadd.s32 $0x50200, s0;
	s21 =	simm.s32 $0x7;
	s22 =	simm.s32 $0x2780  }
0x17: {  	v0 =	vimm.f32 $0.0e+00;
	vm0 =	vcmask $0x2724;
	s23 =	simm.s32 $0x5300;
	s25 =	sadd.s32 $0x20, s14;
	[dreg:$0xd] =	wrdreg s0  }
0x18: {  	v1 =	vsel vm0, $0x3F800000, v0;
	s0 =	simm.s32 $0x5200;
	[dreg:$0xc] =	wrdreg s25;
	s25 =	simm.s32 $0x5000  }
.LBB2_1:
0x19: {  	s13 =	rddreg [dreg:$0x4]  }
0x1a: {  	[tilespmem:s4], [sflag:$0x7] =	stream.linear.gather [hbm4b:s13+s4], $0x2780, $0x38;
	[tilespmem:$0x1EF00] =	vst v63  }
0x1b: {  	_ =	swait.ge [sflag:s21], $0x2780  }
0x1c: {  	[sflag:s21] =	ssyncset.done $0x0  }
0x1d: {  	s24 =	rddreg [dreg:$0x5];
	[sflag:s21] =	ssyncadd.s32 $0xFFFFD880  }
0x1e: {  	[tilespmem:s22], [sflag:$0x7] =	stream.linear.gather [hbm4b:s24+s4], $0x2780, $0x38;
	[tilespmem:$0x1EF00] =	vst v63  }
0x1f: {  	_ =	swait.ge [sflag:s21], $0x2780  }
0x20: {  	[sflag:s21] =	ssyncset.done $0x0  }
0x21: {  	s15 =	simm.s32 $0x200;
	s13 =	simm.s32 $0x0;
	[sflag:s21] =	ssyncadd.s32 $0xFFFFD880  }
.LBB2_2:
0x22: {  	p0 =	sne.s32 s15, $0xBE00;
	[tilespmem:s13+$0x5370] =	vst v0  }
0x23: {  	[tilespmem:s13+$0x5300] =	vst v0  }
0x24: {  	[tilespmem:s13+$0x5310] =	vst v0  }
.Ltmp0:
0x25: {  	[tilespmem:s13+$0x5320] =	vst v0;
	(pc) =	sbr.rel @p0 .LBB2_2-.Ltmp0, $4  }
0x26: {  	[tilespmem:s13+$0x5330] =	vst v0  }
0x27: {  	[tilespmem:s13+$0x5340] =	vst v0  }
0x28: {  	[tilespmem:s13+$0x5350] =	vst v0  }
0x29: {  	[tilespmem:s13+$0x5360] =	vst v0;
	s13 =	sshra.s32 s15, $0x2;
	s15 =	sadd.s32 $0x200, s15  }
0x2a: {  	[tilespmem:s13+$0x5370] =	vst v0  }
0x2b: {  	[tilespmem:s13+$0x5300] =	vst v0  }
0x2c: {  	[tilespmem:s13+$0x5310] =	vst v0  }
0x2d: {  	[tilespmem:s13+$0x5320] =	vst v0  }
0x2e: {  	[tilespmem:s13+$0x5330] =	vst v0  }
0x2f: {  	[tilespmem:s13+$0x5340] =	vst v0  }
0x30: {  	[tilespmem:s13+$0x5350] =	vst v0  }
0x31: {  	[tilespmem:s13+$0x5360] =	vst v0  }
0x32: {  	[spmem:s8] =	stream.linear.scatter [tilespmem:s23], [sflag:$0x7], $0x3000, $0x38;
	[tilespmem:$0x1EF00] =	vst v63  }
0x33: {  	_ =	swait.ge [sflag:s21], $0x3000  }
0x34: {  	[sflag:s21] =	ssyncset.done $0x0  }
0x35: {  	s24 =	rddreg [dreg:$0x6];
	[sflag:s21] =	ssyncadd.s32 $0xFFFFD000  }
0x36: {  	[spmem:s24] =	stream.linear.scatter [tilespmem:s23], [sflag:$0x7], $0x3000, $0x38;
	[tilespmem:$0x1EF00] =	vst v63  }
0x37: {  	_ =	swait.ge [sflag:s21], $0x3000  }
0x38: {  	[sflag:s21] =	ssyncset.done $0x0  }
0x39: {  	s15 =	rddreg [dreg:$0x7];
	[sflag:s21] =	ssyncadd.s32 $0xFFFFD000  }
0x3a: {  	[spmem:s15] =	stream.linear.scatter [tilespmem:s23], [sflag:$0x7], $0x3000, $0x38;
	[tilespmem:$0x1EF00] =	vst v63  }
0x3b: {  	_ =	swait.ge [sflag:s21], $0x3000  }
0x3c: {  	[sflag:s21] =	ssyncset.done $0x0  }
0x3d: {  	s16 =	rddreg [dreg:$0x8];
	[sflag:s21] =	ssyncadd.s32 $0xFFFFD000  }
0x3e: {  	[spmem:s16] =	stream.linear.scatter [tilespmem:s23], [sflag:$0x7], $0x3000, $0x38;
	[tilespmem:$0x1EF00] =	vst v63  }
0x3f: {  	_ =	swait.ge [sflag:s21], $0x3000  }
0x40: {  	[sflag:s21] =	ssyncset.done $0x0  }
0x41: {  	s19 =	rddreg [dreg:$0x9];
	[sflag:s21] =	ssyncadd.s32 $0xFFFFD000  }
0x42: {  	[spmem:s19] =	stream.linear.scatter [tilespmem:s23], [sflag:$0x7], $0x3000, $0x38;
	[tilespmem:$0x1EF00] =	vst v63  }
0x43: {  	_ =	swait.ge [sflag:s21], $0x3000  }
0x44: {  	[sflag:s21] =	ssyncset.done $0x0  }
0x45: {  	s20 =	rddreg [dreg:$0xa];
	[sflag:s21] =	ssyncadd.s32 $0xFFFFD000  }
0x46: {  	[spmem:s20] =	stream.linear.scatter [tilespmem:s23], [sflag:$0x7], $0x3000, $0x38;
	[tilespmem:$0x1EF00] =	vst v63  }
0x47: {  	_ =	swait.ge [sflag:s21], $0x3000  }
0x48: {  	[sflag:s21] =	ssyncset.done $0x0  }
0x49: {  	s24 =	rddreg [dreg:$0xb];
	[sflag:s21] =	ssyncadd.s32 $0xFFFFD000  }
0x4a: {  	[spmem:s24] =	stream.linear.scatter [tilespmem:s23], [sflag:$0x7], $0x1C00, $0x38;
	[tilespmem:$0x1EF00] =	vst v63  }
0x4b: {  	_ =	swait.ge [sflag:s21], $0x1C00  }
0x4c: {  	[sflag:s21] =	ssyncset.done $0x0  }
0x4d: {  	[sflag:s21] =	ssyncadd.s32 $0xFFFFE400  }
0x4e: {  	s13 =	simm.s32 $0x0;
	s16 =	simm.s32 $0x4F00;
	[bflag:$0x0] =	sbarrier.arrive $0xFFFF  }
0x4f: {  	[tilespmem:s16], [sflag:$0x1] =	stream.linear.gather [hbm4b:s14+s13], $0x100, $0x38;
	[tilespmem:$0x1EF00] =	vst v63  }
0x50: {  	s15 =	rddreg [dreg:$0xc]  }
0x51: {  	[tilespmem:s25], [sflag:$0x2] =	stream.linear.gather [hbm4b:s15+s13], $0x100, $0x38;
	[tilespmem:$0x1EF00] =	vst v63  }
0x52: {  	_ =	swait.ge [sflag:s26], $0x100  }
0x53: {  	[sflag:s26] =	ssyncset.done $0x0  }
0x54: {  	[sflag:s26] =	ssyncadd.s32 $0xFFFFFF00  }
0x55: {  	[tilespmem:s23], [sflag:$0x3] =	stream.indirect.gather [hbm4b:s7+s28], $0x80, s16, s28, $0xb8;
	[tilespmem:$0x1EF00] =	vst v63  }
.LBB2_4:
0x56: {  	v2 =	vld [tilespmem:$0x4F00]  }
0x57: {  	v3 =	vld [tilespmem:$0x4F80];
	_ =	sdelay $0x5  }
0x58: {  	[tilespmem:$0x5100] =	vst v3  }
0x59: {  	v2 =	vld.idx.msk [tilespmem:v2+s4+$0x0], $0xffff  }
0x5a: {  	v3 =	vld.idx.msk [tilespmem:v3+s22+$0x0], $0xffff;
	_ =	sdelay $0x4  }
0x5b: {  	v2 =	vadd.f32 v3, v2;
	_ =	sdelay $0x1  }
0x5c: {  	v3 =	vmul.f32 $2.000000030e-01, v2  }
0x5d: {  	vm0 =	vge.f32 v2, $0.0e+00  }
0x5e: {  	v2 =	vsel vm0, v2, v3  }
0x5f: {  	v2 =	vmul.f32 $1.442695020e+00, v2;
	_ =	sdelay $0x1  }
0x60: {  	(erf) = vpow2.f32 v2;
	_ =	sdelay $0x2  }
0x61: {  	v2 =	vld [tilespmem:$0x4F10]  }
0x62: {  	v3 =	vld [tilespmem:$0x4F90];
	_ =	sdelay $0x4  }
0x63: {  	[tilespmem:$0x5110] =	vst v3;
	v4 =	vpop (erf)  }
0x64: {  	[tilespmem:$0x5200] =	vst v4  }
0x65: {  	v2 =	vld.idx.msk [tilespmem:v2+s4+$0x0], $0xffff  }
0x66: {  	v3 =	vld.idx.msk [tilespmem:v3+s22+$0x0], $0xffff;
	_ =	sdelay $0x4  }
0x67: {  	v2 =	vadd.f32 v3, v2;
	_ =	sdelay $0x1  }
0x68: {  	v3 =	vmul.f32 $2.000000030e-01, v2  }
0x69: {  	vm11 =	vge.f32 v2, $0.0e+00  }
0x6a: {  	v2 =	vsel vm11, v2, v3  }
0x6b: {  	v2 =	vmul.f32 $1.442695020e+00, v2;
	_ =	sdelay $0x1  }
0x6c: {  	(erf) = vpow2.f32 v2;
	_ =	sdelay $0x2  }
0x6d: {  	v2 =	vld [tilespmem:$0x4F20]  }
0x6e: {  	v3 =	vld [tilespmem:$0x4FA0];
	_ =	sdelay $0x4  }
0x6f: {  	[tilespmem:$0x5120] =	vst v3;
	v4 =	vpop (erf)  }
0x70: {  	[tilespmem:$0x5210] =	vst v4  }
0x71: {  	v2 =	vld.idx.msk [tilespmem:v2+s4+$0x0], $0xffff  }
0x72: {  	v3 =	vld.idx.msk [tilespmem:v3+s22+$0x0], $0xffff;
	_ =	sdelay $0x4  }
0x73: {  	v2 =	vadd.f32 v3, v2;
	_ =	sdelay $0x1  }
0x74: {  	v3 =	vmul.f32 $2.000000030e-01, v2  }
0x75: {  	vm12 =	vge.f32 v2, $0.0e+00  }
0x76: {  	v2 =	vsel vm12, v2, v3  }
0x77: {  	v2 =	vmul.f32 $1.442695020e+00, v2;
	_ =	sdelay $0x1  }
0x78: {  	(erf) = vpow2.f32 v2;
	_ =	sdelay $0x2  }
0x79: {  	v2 =	vld [tilespmem:$0x4F30]  }
0x7a: {  	v3 =	vld [tilespmem:$0x4FB0];
	_ =	sdelay $0x4  }
0x7b: {  	[tilespmem:$0x5130] =	vst v3;
	v4 =	vpop (erf)  }
0x7c: {  	[tilespmem:$0x5220] =	vst v4  }
0x7d: {  	v2 =	vld.idx.msk [tilespmem:v2+s4+$0x0], $0xffff  }
0x7e: {  	v3 =	vld.idx.msk [tilespmem:v3+s22+$0x0], $0xffff;
	_ =	sdelay $0x4  }
0x7f: {  	v2 =	vadd.f32 v3, v2;
	_ =	sdelay $0x1  }
0x80: {  	v3 =	vmul.f32 $2.000000030e-01, v2  }
0x81: {  	vm13 =	vge.f32 v2, $0.0e+00  }
0x82: {  	v2 =	vsel vm13, v2, v3  }
0x83: {  	v2 =	vmul.f32 $1.442695020e+00, v2;
	_ =	sdelay $0x1  }
0x84: {  	(erf) = vpow2.f32 v2;
	_ =	sdelay $0x2  }
0x85: {  	v2 =	vld [tilespmem:$0x4F40]  }
0x86: {  	v3 =	vld [tilespmem:$0x4FC0];
	_ =	sdelay $0x4  }
0x87: {  	[tilespmem:$0x5140] =	vst v3;
	v4 =	vpop (erf)  }
0x88: {  	[tilespmem:$0x5230] =	vst v4  }
0x89: {  	v2 =	vld.idx.msk [tilespmem:v2+s4+$0x0], $0xffff  }
0x8a: {  	v3 =	vld.idx.msk [tilespmem:v3+s22+$0x0], $0xffff;
	_ =	sdelay $0x4  }
0x8b: {  	v2 =	vadd.f32 v3, v2;
	_ =	sdelay $0x1  }
0x8c: {  	v3 =	vmul.f32 $2.000000030e-01, v2  }
0x8d: {  	vm14 =	vge.f32 v2, $0.0e+00  }
0x8e: {  	v2 =	vsel vm14, v2, v3  }
0x8f: {  	v2 =	vmul.f32 $1.442695020e+00, v2;
	_ =	sdelay $0x1  }
0x90: {  	(erf) = vpow2.f32 v2;
	_ =	sdelay $0x2  }
0x91: {  	v2 =	vld [tilespmem:$0x4F50]  }
0x92: {  	v3 =	vld [tilespmem:$0x4FD0];
	_ =	sdelay $0x4  }
0x93: {  	[tilespmem:$0x5150] =	vst v3;
	v4 =	vpop (erf)  }
0x94: {  	[tilespmem:$0x5240] =	vst v4  }
0x95: {  	v2 =	vld.idx.msk [tilespmem:v2+s4+$0x0], $0xffff  }
0x96: {  	v3 =	vld.idx.msk [tilespmem:v3+s22+$0x0], $0xffff;
	_ =	sdelay $0x4  }
0x97: {  	v2 =	vadd.f32 v3, v2;
	_ =	sdelay $0x1  }
0x98: {  	v3 =	vmul.f32 $2.000000030e-01, v2  }
0x99: {  	vm15 =	vge.f32 v2, $0.0e+00  }
0x9a: {  	v2 =	vsel vm15, v2, v3  }
0x9b: {  	v2 =	vmul.f32 $1.442695020e+00, v2;
	_ =	sdelay $0x1  }
0x9c: {  	(erf) = vpow2.f32 v2;
	_ =	sdelay $0x8  }
0x9d: {  	p0 =	seq.s32 s13, $0x34;
	v2 =	vpop (erf)  }
0x9e: {  	s24 =	sshll.u32 @!p0 s13, $0x9;
	[tilespmem:$0x5250] =	vst v2  }
0x9f: {  	s15 =	sadd.s32 @!p0 s24, s17;
	_ =	swait.ge [sflag:s29], $0x3000  }
0xa0: {  	s16 =	simm.s32 @!p0 $0x0;
	s15 =	sshrl.u32 @!p0 s15, $0x3;
	[sflag:s29] =	ssyncset.done $0x0  }
0xa1: {  	s19 =	simm.s32 @!p0 $0x4F00;
	s15 =	sadd.s32 @!p0 s1, s15;
	[sflag:s29] =	ssyncadd.s32 $0xFFFFD000  }
0xa2: {  	[tilespmem:s19], [sflag:$0x1] =	stream.linear.gather @!p0 [hbm4b:s15+s16], $0x100, $0x38;
	[tilespmem:$0x1EF00] =	vst v63  }
0xa3: {  	_ =	swait.ge [sflag:s30], $0x100  }
0xa4: {  	p1 =	seq.s32 s13, $0x0;
	[sflag:s30] =	ssyncset.done $0x0  }
0xa5: {  	s15 =	simm.s32 @!p1 $0x6;
	[sflag:s30] =	ssyncadd.s32 $0xFFFFFF00  }
0xa6: {  	_ =	swait.ge @!p1 [sflag:s15], $0x3000  }
0xa7: {  	[sflag:s15] =	ssyncset.done @!p1 $0x0  }
0xa8: {  	s19 =	simm.s32 $0x1;
	[sflag:s15] =	ssyncadd.s32 @!p1 $0xFFFFD000;
	s15 =	simm.s32 $0x5380  }
0xa9: {  	v2 =	vmov s19;
	[tilespmem:s31], [sflag:$0x4] =	stream.indirect.gather [hbm4b:s7+s28], $0x80, s25, s28, $0xb8;
	[tilespmem:$0x1EF00] =	vst v63  }
0xaa: {  	v3 =	vld [tilespmem:s15+$0xFFFFFF80]  }
0xab: {  	v4 =	vld [tilespmem:s15+$0xFFFFFFF0]  }
0xac: {  	s20 =	simm.s32 $0x0;
	v5 =	vld [tilespmem:s15+$0xFFFFFFE0]  }
0xad: {  	v7 =	vmov s20;
	v6 =	vld [tilespmem:s15+$0x60]  }
0xae: {  	v7 =	vand.u32 $0xFFFFFFFE, v7;
	v8 =	vld.idx.msk [tilespmem:v2+s0+$0x0], $0xffff  }
0xaf: {  	v2 =	vbroadcast v7, $0x0;
	v7 =	vld [tilespmem:s15+$0x0]  }
0xb0: {  	v9 =	vld [tilespmem:s15+$0x70]  }
0xb1: {  	v10 =	vld [tilespmem:s15+$0x50]  }
0xb2: {  	v11 =	vld [tilespmem:s15+$0x10]  }
0xb3: {  	v12 =	vld [tilespmem:s15+$0x20]  }
0xb4: {  	v13 =	vld [tilespmem:s15+$0x30]  }
0xb5: {  	v14 =	vld [tilespmem:s15+$0x40];
	v7 =	vmul.f32 v7, v8;
	v6 =	vmul.f32 v6, v8  }
0xb6: {  	v16 =	vld [tilespmem:s15+$0xFFFFFF90];
	v9 =	vmul.f32 v9, v8;
	v15 =	vmul.f32 v1, v8  }
0xb7: {  	v2 =	vld.idx.msk [tilespmem:v2+s0+$0x0], $0xffff;
	[tilespmem:s15+$0x0] =	vst v7;
	v7 =	vmul.f32 v11, v8  }
0xb8: {  	v61 =	vld [tilespmem:s15+$0xFFFFFFA0];
	[tilespmem:s15+$0x60] =	vst v6;
	v6 =	vadd.f32 v9, v15  }
0xb9: {  	v62 =	vld [tilespmem:s15+$0xFFFFFFB0];
	v9 =	vmul.f32 v12, v8;
	[tilespmem:s15+$0x10] =	vst v7  }
0xba: {  	v11 =	vld [tilespmem:s15+$0xFFFFFFD0];
	[tilespmem:s15+$0x70] =	vst v6;
	v6 =	vmul.f32 v14, v8  }
0xbb: {  	v10 =	vmul.f32 v10, v8;
	v7 =	vmul.f32 v13, v8;
	[tilespmem:s15+$0x20] =	vst v9  }
0xbc: {  	v63 =	vmul.f32 v5, v2;
	v4 =	vmul.f32 v4, v2;
	[tilespmem:s15+$0x40] =	vst v6;
	v6 =	vld [tilespmem:s15+$0xFFFFFFC0]  }
0xbd: {  	[tilespmem:s15+$0x30] =	vst v7;
	v9 =	vmul.f32 v3, v2;
	v7 =	vmul.f32 v16, v2  }
0xbe: {  	[tilespmem:s15+$0x50] =	vst v10;
	v5 =	vmul.f32 v61, v2;
	v3 =	vmul.f32 v62, v2  }
0xbf: {  	s16 =	simm.s32 $0x3;
	s19 =	simm.s32 $0x5380;
	v10 =	vmul.f32 v1, v2;
	v8 =	vmul.f32 v11, v2;
	[tilespmem:s15+$0xFFFFFFE0] =	vst v63  }
.LBB2_5:
0xc0: {  	p1 =	sne.s32 s16, $0x5F  }
0xc1: {  	[tilespmem:s15+$0xFFFFFF80] =	vst v9;
	v2 =	vmul.f32 v6, v2;
	s19 =	sadd.s32 $0x100, s19;
	s20 =	smov.u32 s16;
	s16 =	sadd.s32 $0x2, s16  }
0xc2: {  	v6 =	vmov s20;
	[tilespmem:s15+$0xFFFFFFD0] =	vst v8;
	v4 =	vadd.f32 v4, v10  }
0xc3: {  	v8 =	vld [tilespmem:s19+$0xFFFFFF80];
	[tilespmem:s15+$0xFFFFFF90] =	vst v7  }
0xc4: {  	v7 =	vld [tilespmem:s19+$0xFFFFFFF0];
	[tilespmem:s15+$0xFFFFFFC0] =	vst v2  }
0xc5: {  	v9 =	vld [tilespmem:s19+$0xFFFFFFE0];
	[tilespmem:s15+$0xFFFFFFA0] =	vst v5  }
0xc6: {  	s20 =	sadd.s32 $0xFFFFFFFF, s20;
	v2 =	vld [tilespmem:s19+$0x60];
	[tilespmem:s15+$0xFFFFFFF0] =	vst v4  }
0xc7: {  	v4 =	vmov s20;
	v5 =	vld [tilespmem:s19+$0x70];
	[tilespmem:s15+$0xFFFFFFB0] =	vst v3;
	s15 =	smov.u32 s19  }
0xc8: {  	v3 =	vand.u32 $0xFFFFFFFE, v4;
	v4 =	vld.idx.msk [tilespmem:v6+s0+$0x0], $0xffff  }
0xc9: {  	v3 =	vbroadcast v3, $0x0;
	v6 =	vld [tilespmem:s19+$0x0]  }
0xca: {  	v10 =	vld [tilespmem:s19+$0x50]  }
0xcb: {  	v11 =	vld [tilespmem:s19+$0x10]  }
0xcc: {  	v12 =	vld [tilespmem:s19+$0x20]  }
0xcd: {  	v13 =	vld [tilespmem:s19+$0x30]  }
0xce: {  	v15 =	vmul.f32 v2, v4;
	v6 =	vmul.f32 v6, v4;
	v14 =	vld [tilespmem:s19+$0x40]  }
0xcf: {  	v2 =	vld.idx.msk [tilespmem:v3+s0+$0x0], $0xffff;
	v3 =	vmul.f32 v5, v4;
	v5 =	vmul.f32 v1, v4  }
0xd0: {  	[tilespmem:s19+$0x0] =	vst v6;
	v6 =	vmul.f32 v11, v4;
	v11 =	vld [tilespmem:s19+$0xFFFFFFD0]  }
0xd1: {  	v16 =	vld [tilespmem:s19+$0xFFFFFF90];
	v12 =	vmul.f32 v12, v4;
	[tilespmem:s19+$0x60] =	vst v15;
	v3 =	vadd.f32 v3, v5  }
0xd2: {  	[tilespmem:s19+$0x10] =	vst v6;
	v5 =	vld [tilespmem:s19+$0xFFFFFFA0];
	v13 =	vmul.f32 v13, v4  }
0xd3: {  	v15 =	vld [tilespmem:s19+$0xFFFFFFB0];
	v14 =	vmul.f32 v14, v4;
	[tilespmem:s19+$0x70] =	vst v3  }
.Ltmp1:
0xd4: {  	v3 =	vmul.f32 v10, v4;
	[tilespmem:s19+$0x20] =	vst v12;
	v6 =	vld [tilespmem:s19+$0xFFFFFFC0];
	(pc) =	sbr.rel @p1 .LBB2_5-.Ltmp1, $4  }
0xd5: {  	v10 =	vmul.f32 v9, v2;
	v4 =	vmul.f32 v7, v2;
	[tilespmem:s19+$0x30] =	vst v13  }
0xd6: {  	v9 =	vmul.f32 v8, v2;
	v8 =	vmul.f32 v11, v2;
	[tilespmem:s19+$0x40] =	vst v14  }
0xd7: {  	v7 =	vmul.f32 v16, v2;
	v5 =	vmul.f32 v5, v2;
	[tilespmem:s19+$0x50] =	vst v3  }
0xd8: {  	v3 =	vmul.f32 v15, v2;
	[tilespmem:s19+$0xFFFFFFE0] =	vst v10;
	v10 =	vmul.f32 v1, v2  }
0xd9: {  	[tilespmem:s15+$0xFFFFFF80] =	vst v9  }
0xda: {  	[tilespmem:s15+$0xFFFFFFD0] =	vst v8  }
0xdb: {  	[tilespmem:s15+$0xFFFFFF90] =	vst v7  }
0xdc: {  	v2 =	vmul.f32 v6, v2;
	[tilespmem:s15+$0xFFFFFFA0] =	vst v5  }
0xdd: {  	v4 =	vadd.f32 v4, v10;
	[tilespmem:s15+$0xFFFFFFB0] =	vst v3  }
0xde: {  	[tilespmem:s15+$0xFFFFFFC0] =	vst v2  }
0xdf: {  	[tilespmem:s15+$0xFFFFFFF0] =	vst v4  }
0xe0: {  	[spmem:s2] =	stream.indirect.scatter.add.f32 [tilespmem:s23], [sflag:$0x5], $0x80, s3, s28, $0xb8;
	[tilespmem:$0x1EF00] =	vst v63  }
0xe1: {  	v2 =	vld [tilespmem:$0x5000]  }
0xe2: {  	v3 =	vld [tilespmem:$0x5080];
	_ =	sdelay $0x5  }
0xe3: {  	[tilespmem:$0x5180] =	vst v3  }
0xe4: {  	v2 =	vld.idx.msk [tilespmem:v2+s4+$0x0], $0xffff  }
0xe5: {  	v3 =	vld.idx.msk [tilespmem:v3+s22+$0x0], $0xffff;
	_ =	sdelay $0x4  }
0xe6: {  	v2 =	vadd.f32 v3, v2;
	_ =	sdelay $0x1  }
0xe7: {  	v3 =	vmul.f32 $2.000000030e-01, v2  }
0xe8: {  	vm0 =	vge.f32 v2, $0.0e+00  }
0xe9: {  	v2 =	vsel vm0, v2, v3  }
0xea: {  	v2 =	vmul.f32 $1.442695020e+00, v2;
	_ =	sdelay $0x1  }
0xeb: {  	(erf) = vpow2.f32 v2;
	_ =	sdelay $0x2  }
0xec: {  	v2 =	vld [tilespmem:$0x5010]  }
0xed: {  	v3 =	vld [tilespmem:$0x5090];
	_ =	sdelay $0x4  }
0xee: {  	[tilespmem:$0x5190] =	vst v3;
	v4 =	vpop (erf)  }
0xef: {  	[tilespmem:$0x5280] =	vst v4  }
0xf0: {  	v2 =	vld.idx.msk [tilespmem:v2+s4+$0x0], $0xffff  }
0xf1: {  	v3 =	vld.idx.msk [tilespmem:v3+s22+$0x0], $0xffff;
	_ =	sdelay $0x4  }
0xf2: {  	v2 =	vadd.f32 v3, v2;
	_ =	sdelay $0x1  }
0xf3: {  	v3 =	vmul.f32 $2.000000030e-01, v2  }
0xf4: {  	vm11 =	vge.f32 v2, $0.0e+00  }
0xf5: {  	v2 =	vsel vm11, v2, v3  }
0xf6: {  	v2 =	vmul.f32 $1.442695020e+00, v2;
	_ =	sdelay $0x1  }
0xf7: {  	(erf) = vpow2.f32 v2;
	_ =	sdelay $0x2  }
0xf8: {  	v2 =	vld [tilespmem:$0x5020]  }
0xf9: {  	v3 =	vld [tilespmem:$0x50A0];
	_ =	sdelay $0x4  }
0xfa: {  	[tilespmem:$0x51A0] =	vst v3;
	v4 =	vpop (erf)  }
0xfb: {  	[tilespmem:$0x5290] =	vst v4  }
0xfc: {  	v2 =	vld.idx.msk [tilespmem:v2+s4+$0x0], $0xffff  }
0xfd: {  	v3 =	vld.idx.msk [tilespmem:v3+s22+$0x0], $0xffff;
	_ =	sdelay $0x4  }
0xfe: {  	v2 =	vadd.f32 v3, v2;
	_ =	sdelay $0x1  }
0xff: {  	v3 =	vmul.f32 $2.000000030e-01, v2  }
0x100: {  	vm12 =	vge.f32 v2, $0.0e+00  }
0x101: {  	v2 =	vsel vm12, v2, v3  }
0x102: {  	v2 =	vmul.f32 $1.442695020e+00, v2;
	_ =	sdelay $0x1  }
0x103: {  	(erf) = vpow2.f32 v2;
	_ =	sdelay $0x2  }
0x104: {  	v2 =	vld [tilespmem:$0x5030]  }
0x105: {  	v3 =	vld [tilespmem:$0x50B0];
	_ =	sdelay $0x4  }
0x106: {  	[tilespmem:$0x51B0] =	vst v3;
	v4 =	vpop (erf)  }
0x107: {  	[tilespmem:$0x52A0] =	vst v4  }
0x108: {  	v2 =	vld.idx.msk [tilespmem:v2+s4+$0x0], $0xffff  }
0x109: {  	v3 =	vld.idx.msk [tilespmem:v3+s22+$0x0], $0xffff;
	_ =	sdelay $0x4  }
0x10a: {  	v2 =	vadd.f32 v3, v2;
	_ =	sdelay $0x1  }
0x10b: {  	v3 =	vmul.f32 $2.000000030e-01, v2  }
0x10c: {  	vm13 =	vge.f32 v2, $0.0e+00  }
0x10d: {  	v2 =	vsel vm13, v2, v3  }
0x10e: {  	v2 =	vmul.f32 $1.442695020e+00, v2;
	_ =	sdelay $0x1  }
0x10f: {  	(erf) = vpow2.f32 v2;
	_ =	sdelay $0x2  }
0x110: {  	v2 =	vld [tilespmem:$0x5040]  }
0x111: {  	v3 =	vld [tilespmem:$0x50C0];
	_ =	sdelay $0x4  }
0x112: {  	[tilespmem:$0x51C0] =	vst v3;
	v4 =	vpop (erf)  }
0x113: {  	[tilespmem:$0x52B0] =	vst v4  }
0x114: {  	v2 =	vld.idx.msk [tilespmem:v2+s4+$0x0], $0xffff  }
0x115: {  	v3 =	vld.idx.msk [tilespmem:v3+s22+$0x0], $0xffff;
	_ =	sdelay $0x4  }
0x116: {  	v2 =	vadd.f32 v3, v2;
	_ =	sdelay $0x1  }
0x117: {  	v3 =	vmul.f32 $2.000000030e-01, v2  }
0x118: {  	vm14 =	vge.f32 v2, $0.0e+00  }
0x119: {  	v2 =	vsel vm14, v2, v3  }
0x11a: {  	v2 =	vmul.f32 $1.442695020e+00, v2;
	_ =	sdelay $0x1  }
0x11b: {  	(erf) = vpow2.f32 v2;
	_ =	sdelay $0x2  }
0x11c: {  	v2 =	vld [tilespmem:$0x5050]  }
0x11d: {  	v3 =	vld [tilespmem:$0x50D0];
	_ =	sdelay $0x4  }
0x11e: {  	[tilespmem:$0x51D0] =	vst v3;
	v4 =	vpop (erf)  }
0x11f: {  	[tilespmem:$0x52C0] =	vst v4  }
0x120: {  	v2 =	vld.idx.msk [tilespmem:v2+s4+$0x0], $0xffff  }
0x121: {  	v3 =	vld.idx.msk [tilespmem:v3+s22+$0x0], $0xffff;
	_ =	sdelay $0x4  }
0x122: {  	v2 =	vadd.f32 v3, v2;
	_ =	sdelay $0x1  }
0x123: {  	v3 =	vmul.f32 $2.000000030e-01, v2  }
0x124: {  	vm15 =	vge.f32 v2, $0.0e+00  }
0x125: {  	v2 =	vsel vm15, v2, v3  }
0x126: {  	v2 =	vmul.f32 $1.442695020e+00, v2;
	_ =	sdelay $0x1  }
0x127: {  	(erf) = vpow2.f32 v2;
	_ =	sdelay $0x8  }
0x128: {  	v2 =	vpop (erf)  }
0x129: {  	[tilespmem:$0x52D0] =	vst v2  }
0x12a: {  	s15 =	sadd.s32 @!p0 s24, s18;
	_ =	swait.ge [sflag:s5], $0x3000  }
0x12b: {  	s16 =	simm.s32 @!p0 $0x0;
	s15 =	sshrl.u32 @!p0 s15, $0x3;
	[sflag:s5] =	ssyncset.done $0x0  }
0x12c: {  	s19 =	simm.s32 @!p0 $0x5000;
	s15 =	sadd.s32 @!p0 s1, s15;
	[sflag:s5] =	ssyncadd.s32 $0xFFFFD000  }
0x12d: {  	[tilespmem:s19], [sflag:$0x2] =	stream.linear.gather @!p0 [hbm4b:s15+s16], $0x100, $0x38;
	[tilespmem:$0x1EF00] =	vst v63  }
0x12e: {  	s15 =	simm.s32 @!p0 $0x1  }
0x12f: {  	_ =	swait.ge @!p0 [sflag:s15], $0x100  }
0x130: {  	[sflag:s15] =	ssyncset.done @!p0 $0x0  }
0x131: {  	[sflag:s15] =	ssyncadd.s32 @!p0 $0xFFFFFF00;
	s15 =	simm.s32 @!p0 $0x5  }
0x132: {  	_ =	swait.ge @!p0 [sflag:s15], $0x3000  }
0x133: {  	s20 =	simm.s32 $0x1;
	s16 =	simm.s32 @!p0 $0x4F00;
	[sflag:s15] =	ssyncset.done @!p0 $0x0  }
0x134: {  	s19 =	simm.s32 @!p0 $0x5300;
	[sflag:s15] =	ssyncadd.s32 @!p0 $0xFFFFD000;
	s15 =	simm.s32 @!p0 $0x60  }
0x135: {  	[tilespmem:s19], [sflag:$0x3] =	stream.indirect.gather @!p0 [hbm4b:s7+s15], $0x80, s16, s15, $0xb8;
	[tilespmem:$0x1EF00] =	vst v63  }
0x136: {  	v2 =	vmov s20;
	s15 =	simm.s32 $0x8380  }
0x137: {  	v3 =	vld [tilespmem:s15+$0xFFFFFF80]  }
0x138: {  	v4 =	vld [tilespmem:s15+$0xFFFFFFF0]  }
0x139: {  	s24 =	simm.s32 $0x0;
	v5 =	vld [tilespmem:s15+$0xFFFFFFE0]  }
0x13a: {  	v7 =	vmov s24;
	v6 =	vld [tilespmem:s15+$0x60]  }
0x13b: {  	v7 =	vand.u32 $0xFFFFFFFE, v7;
	v8 =	vld.idx.msk [tilespmem:v2+s6+$0x0], $0xffff  }
0x13c: {  	v2 =	vbroadcast v7, $0x0;
	v7 =	vld [tilespmem:s15+$0x0]  }
0x13d: {  	v9 =	vld [tilespmem:s15+$0x70]  }
0x13e: {  	v10 =	vld [tilespmem:s15+$0x50]  }
0x13f: {  	v11 =	vld [tilespmem:s15+$0x10]  }
0x140: {  	v12 =	vld [tilespmem:s15+$0x20]  }
0x141: {  	v13 =	vld [tilespmem:s15+$0x30]  }
0x142: {  	v14 =	vld [tilespmem:s15+$0x40];
	v7 =	vmul.f32 v7, v8;
	v6 =	vmul.f32 v6, v8  }
0x143: {  	v16 =	vld [tilespmem:s15+$0xFFFFFF90];
	v9 =	vmul.f32 v9, v8;
	v15 =	vmul.f32 v1, v8  }
0x144: {  	v2 =	vld.idx.msk [tilespmem:v2+s6+$0x0], $0xffff;
	[tilespmem:s15+$0x0] =	vst v7;
	v7 =	vmul.f32 v11, v8  }
0x145: {  	v61 =	vld [tilespmem:s15+$0xFFFFFFA0];
	[tilespmem:s15+$0x60] =	vst v6;
	v6 =	vadd.f32 v9, v15  }
0x146: {  	v62 =	vld [tilespmem:s15+$0xFFFFFFB0];
	v9 =	vmul.f32 v12, v8;
	[tilespmem:s15+$0x10] =	vst v7  }
0x147: {  	v11 =	vld [tilespmem:s15+$0xFFFFFFD0];
	[tilespmem:s15+$0x70] =	vst v6;
	v6 =	vmul.f32 v14, v8  }
0x148: {  	v10 =	vmul.f32 v10, v8;
	v7 =	vmul.f32 v13, v8;
	[tilespmem:s15+$0x20] =	vst v9  }
0x149: {  	v63 =	vmul.f32 v5, v2;
	v4 =	vmul.f32 v4, v2;
	[tilespmem:s15+$0x40] =	vst v6;
	v6 =	vld [tilespmem:s15+$0xFFFFFFC0]  }
0x14a: {  	[tilespmem:s15+$0x30] =	vst v7;
	v9 =	vmul.f32 v3, v2;
	v7 =	vmul.f32 v16, v2  }
0x14b: {  	[tilespmem:s15+$0x50] =	vst v10;
	v5 =	vmul.f32 v61, v2;
	v3 =	vmul.f32 v62, v2  }
0x14c: {  	s16 =	simm.s32 $0x3;
	s19 =	simm.s32 $0x8380;
	v10 =	vmul.f32 v1, v2;
	v8 =	vmul.f32 v11, v2;
	[tilespmem:s15+$0xFFFFFFE0] =	vst v63  }
.LBB2_7:
0x14d: {  	p0 =	sne.s32 s16, $0x5F  }
0x14e: {  	[tilespmem:s15+$0xFFFFFF80] =	vst v9;
	v2 =	vmul.f32 v6, v2;
	s19 =	sadd.s32 $0x100, s19;
	s20 =	smov.u32 s16;
	s16 =	sadd.s32 $0x2, s16  }
0x14f: {  	v6 =	vmov s20;
	[tilespmem:s15+$0xFFFFFFD0] =	vst v8;
	v4 =	vadd.f32 v4, v10  }
0x150: {  	v8 =	vld [tilespmem:s19+$0xFFFFFF80];
	[tilespmem:s15+$0xFFFFFF90] =	vst v7  }
0x151: {  	v7 =	vld [tilespmem:s19+$0xFFFFFFF0];
	[tilespmem:s15+$0xFFFFFFC0] =	vst v2  }
0x152: {  	v9 =	vld [tilespmem:s19+$0xFFFFFFE0];
	[tilespmem:s15+$0xFFFFFFA0] =	vst v5  }
0x153: {  	s20 =	sadd.s32 $0xFFFFFFFF, s20;
	v2 =	vld [tilespmem:s19+$0x60];
	[tilespmem:s15+$0xFFFFFFF0] =	vst v4  }
0x154: {  	v4 =	vmov s20;
	v5 =	vld [tilespmem:s19+$0x70];
	[tilespmem:s15+$0xFFFFFFB0] =	vst v3;
	s15 =	smov.u32 s19  }
0x155: {  	v3 =	vand.u32 $0xFFFFFFFE, v4;
	v4 =	vld.idx.msk [tilespmem:v6+s6+$0x0], $0xffff  }
0x156: {  	v3 =	vbroadcast v3, $0x0;
	v6 =	vld [tilespmem:s19+$0x0]  }
0x157: {  	v10 =	vld [tilespmem:s19+$0x50]  }
0x158: {  	v11 =	vld [tilespmem:s19+$0x10]  }
0x159: {  	v12 =	vld [tilespmem:s19+$0x20]  }
0x15a: {  	v13 =	vld [tilespmem:s19+$0x30]  }
0x15b: {  	v15 =	vmul.f32 v2, v4;
	v6 =	vmul.f32 v6, v4;
	v14 =	vld [tilespmem:s19+$0x40]  }
0x15c: {  	v2 =	vld.idx.msk [tilespmem:v3+s6+$0x0], $0xffff;
	v3 =	vmul.f32 v5, v4;
	v5 =	vmul.f32 v1, v4  }
0x15d: {  	[tilespmem:s19+$0x0] =	vst v6;
	v6 =	vmul.f32 v11, v4;
	v11 =	vld [tilespmem:s19+$0xFFFFFFD0]  }
0x15e: {  	v16 =	vld [tilespmem:s19+$0xFFFFFF90];
	v12 =	vmul.f32 v12, v4;
	[tilespmem:s19+$0x60] =	vst v15;
	v3 =	vadd.f32 v3, v5  }
0x15f: {  	[tilespmem:s19+$0x10] =	vst v6;
	v5 =	vld [tilespmem:s19+$0xFFFFFFA0];
	v13 =	vmul.f32 v13, v4  }
0x160: {  	v15 =	vld [tilespmem:s19+$0xFFFFFFB0];
	v14 =	vmul.f32 v14, v4;
	[tilespmem:s19+$0x70] =	vst v3  }
.Ltmp2:
0x161: {  	v3 =	vmul.f32 v10, v4;
	[tilespmem:s19+$0x20] =	vst v12;
	v6 =	vld [tilespmem:s19+$0xFFFFFFC0];
	(pc) =	sbr.rel @p0 .LBB2_7-.Ltmp2, $4  }
0x162: {  	v10 =	vmul.f32 v9, v2;
	v4 =	vmul.f32 v7, v2;
	[tilespmem:s19+$0x30] =	vst v13  }
0x163: {  	v9 =	vmul.f32 v8, v2;
	v8 =	vmul.f32 v11, v2;
	[tilespmem:s19+$0x40] =	vst v14  }
0x164: {  	v7 =	vmul.f32 v16, v2;
	v5 =	vmul.f32 v5, v2;
	[tilespmem:s19+$0x50] =	vst v3  }
0x165: {  	v3 =	vmul.f32 v15, v2;
	[tilespmem:s19+$0xFFFFFFE0] =	vst v10;
	v10 =	vmul.f32 v1, v2  }
0x166: {  	[tilespmem:s15+$0xFFFFFF80] =	vst v9  }
0x167: {  	[tilespmem:s15+$0xFFFFFFD0] =	vst v8;
	s13 =	sadd.s32 $0x1, s13  }
0x168: {  	[tilespmem:s15+$0xFFFFFF90] =	vst v7;
	p0 =	sne.s32 s13, $0x35  }
.Ltmp3:
0x169: {  	v2 =	vmul.f32 v6, v2;
	[tilespmem:s15+$0xFFFFFFA0] =	vst v5;
	(pc) =	sbr.rel @p0 .LBB2_4-.Ltmp3, $4  }
0x16a: {  	v4 =	vadd.f32 v4, v10;
	[tilespmem:s15+$0xFFFFFFB0] =	vst v3  }
0x16b: {  	[tilespmem:s15+$0xFFFFFFC0] =	vst v2  }
0x16c: {  	[tilespmem:s15+$0xFFFFFFF0] =	vst v4  }
0x16d: {  	[spmem:s2] =	stream.indirect.scatter.add.f32 [tilespmem:s31], [sflag:$0x6], $0x80, s9, s28, $0xb8;
	[tilespmem:$0x1EF00] =	vst v63  }
0x16e: {  	_ =	swait.ge [sflag:s10], $0x3000  }
0x16f: {  	[sflag:s10] =	ssyncset.done $0x0  }
0x170: {  	[sflag:s10] =	ssyncadd.s32 $0xFFFFD000  }
0x171: {  	_ =	swait.ge [sflag:s11], $0x3000  }
0x172: {  	[sflag:s11] =	ssyncset.done $0x0  }
0x173: {  	s13 =	stileid.u32;
	[sflag:s11] =	ssyncadd.s32 $0xFFFFD000  }
0x174: {  	s13 =	sshll.u32 s13, $0x6;
	[bflag:$0x0] =	sbarrier.arrive $0xFFFF  }
0x175: {  	s15 =	sshrl.u32 s8, $0x3;
	s13 =	sor.u32 $0x1C07, s13;
	s16 =	rddreg [dreg:$0xd]  }
0x176: {  	[hbm:s16], [sflag:s13] =	dma.local [spmem:s15], $0x2780  }
0x177: {  	_ =	swait.ge [sflag:s21], $0x2780  }
0x178: {  	s12 =	sadd.s32 $0x1, s12;
	s24 =	rddreg [dreg:$0xe]  }
0x179: {  	p0 =	sne.s32 s12, s24  }
.Ltmp4:
0x17a: {  	_ = 	snop;
	(pc) =	sbr.rel @p0 .LBB2_1-.Ltmp4, $3  }
0x17b: {  	_ =	sdelay $0x1  }
0x17c: {  	[sflag:s21] =	ssyncset.done $0x0  }
0x17d: {  	[sflag:s21] =	ssyncadd.s32 $0xFFFFD880  }
0x17e: {  	_ =	sfence.sel $0x180000  }
0x17f: {  	[bflag:$0x0] =	sbarrier.arrive $0xFFFF  }
0x180: {  	_ =	strace $0x9000004A  }
0x181: {  	s0 =	stileid.u32;
	[bflag:$0x2] =	sbarrier.arrive $0xFFFF  }
0x182: {  	p0 =	sne.s32 s0, $0x0;
	s0 =	rddreg [dreg:$0x3]  }
0x183: {  	s0 =	sadd.s32 @!p0 $0x100000, s0  }
0x184: {  	[sflag:s0] =	ssyncadd.tile.s32 @!p0 $0x1;
	_ =	shalt  }
.Lfunc_end2:
_tile_overlayer_lowered:
.L_overlay_start_2:
0x185: {  	(tag) =	ssettag $0x2  }
0x186: {  	s0 =	rddreg [dreg:$0x0];
	s2 =	stileid.u32  }
0x187: {  	s1 =	rddreg [dreg:$0x1];
	p0 =	sne.s32 s2, $0x0  }
0x188: {  	s3 =	rddreg [dreg:$0x2];
	[bflag:$0x3] =	sbarrier.arrive $0xFFFF;
	s2 =	simm.s32 @!p0 $0x1C07  }
0x189: {  	[timem:s3], [sflag:s2] =	dma.local @!p0 [hbm:s0], s1  }
0x18a: {  	s0 =	simm.s32 @!p0 $0x7  }
0x18b: {  	_ =	swait.ge @!p0 [sflag:s0], s1  }
0x18c: {  	s1 =	ssub.s32 @!p0 $0x0, s1;
	[sflag:s0] =	ssyncset.done @!p0 $0x0  }
0x18d: {  	[sflag:s0] =	ssyncadd.s32 @!p0 s1  }
0x18e: {  	[bflag:$0x3] =	sbarrier.arrive $0xFFFF  }
0x18f: {  	_ =	shalt  }

// kernel: kernel.7.cloned.1.call-start
scs
__scs_entry_jumppad:
0x0: {  	(pc) =	sbr.rel $0x88, $3  }
0x1: {  	(tag) =	ssettag $0x0;
	lr =	simm.s32 $0x1  }
0x2: {  	[smem:$0x3F97] =	sst lr;
	_ =	strace $0xD0000000  }
0x3: {  	_ = 	snop  }
0x4: {  	_ = 	snop  }
0x5: {  	_ = 	snop  }
0x6: {  	_ = 	snop  }
0x7: {  	_ = 	snop  }
__scs_overlays_trampoline_lowered:
0x8: {  	[smem:$0x3FA6] =	sst s0  }
0x9: {  	[smem:$0x3FA7] =	sst s1  }
0xa: {  	[smem:$0x3FA8] =	sst s2  }
0xb: {  	[smem:$0x3FA9] =	sst s3  }
0xc: {  	[smem:$0x3FAA] =	sst s4  }
0xd: {  	[smem:$0x3FAB] =	sst s5  }
0xe: {  	[smem:$0x3FAC] =	sst s6  }
0xf: {  	[smem:$0x3FAD] =	sst s7  }
0x10: {  	[smem:$0x3FAE] =	sst s8  }
0x11: {  	[smem:$0x3FAF] =	sst s9;
	s0 =	simm.s32 @!p0 $0x0  }
0x12: {  	s1 =	sld [smem:$0x3F95];
	s0 =	simm.s32 @p0 $0x1  }
0x13: {  	[smem:$0x3FB0] =	sst s0;
	s0 =	simm.s32 @!p1 $0x0  }
0x14: {  	s2 =	sld [smem:$0x3F94];
	s0 =	simm.s32 @p1 $0x1  }
0x15: {  	[smem:$0x3FB1] =	sst s0;
	s0 =	simm.s32 @!p2 $0x0  }
0x16: {  	s3 =	sld [smem:$0x3FDB];
	s0 =	simm.s32 @p2 $0x1  }
0x17: {  	s4 =	simm.s32 $0x1BF5;
	[smem:$0x3FB3] =	sst s0  }
0x18: {  	s0 =	sld [smem:$0x3F96];
	_ =	swait.ge [sflag:s4], $0x0  }
0x19: {  	s7 =	sld [smem:$0x3F97]  }
0x1a: {  	s8 =	sadd.s32 $0xFFFFE003, lr  }
0x1b: {  	s9 =	sadd.s32 $0xFFFFFEF7, lr;
	s5 =	simm.s32 $0xFFFFFFFF;
	p2 =	slt.u32 s8, $0xFFFFF086  }
0x1c: {  	p1 =	slt.u32 s9, $0xF7A;
	s5 =	simm.s32 @!p2 $0x0  }
0x1d: {  	s5 =	simm.s32 @p1 $0x1;
	p0 =	seq.s32 s7, s2  }
0x1e: {  	s7 =	smul.u32 @!p0 $0xF7A, s2;
	p2 =	seq.s32 @!p0 s5, $0x0  }
0x1f: {  	s9 =	smul.u32 $0xF7A, s1;
	s8 =	simm.s32 @!p0 $0x1BF5;
	p2 =	por !p2, p0  }
0x20: {  	[sflag:s8] =	ssyncset.s32 @!p0 $0xFFFFF086;
	s6 =	sadd.s32 @!p0 s3, s7;
	s7 =	simm.s32 @!p0 $0x108  }
0x21: {  	s3 =	sadd.s32 s3, s9;
	s6 =	sadd.s32 @!p0 $0x88, s6;
	s7 =	simm.s32 @p2 $0x1082  }
0x22: {  	[simem:s7], [sflag:s8] =	dma.local @!p0 [hbm:s6], $0xF7A  }
0x23: {  	s9 =	sor.u32 $0xD0000000, s2;
	s6 =	simm.s32 $0x108;
	_ =	swait.ge @!p0 [sflag:s8], $0x0  }
0x24: {  	s3 =	sadd.s32 $0x88, s3;
	s6 =	simm.s32 @!p1 $0x1082;
	[sflag:s4] =	ssyncset.s32 $0xFFFFF086  }
0x25: {  	[simem:s6], [sflag:s4] =	dma.local [hbm:s3], $0xF7A  }
0x26: {  	[smem:$0x3F97] =	sst s1;
	(tag) =	ssettag s2;
	_ =	strace s9  }
0x27: {  	s1 =	sld [smem:$0x3FA7]  }
0x28: {  	s2 =	sld [smem:$0x3FA8]  }
0x29: {  	s4 =	sld [smem:$0x3FAA]  }
0x2a: {  	p0 =	seq.s32 s5, $0x0;
	s5 =	sld [smem:$0x3FAB]  }
0x2b: {  	s6 =	sld [smem:$0x3FAC]  }
0x2c: {  	s7 =	sld [smem:$0x3FAD]  }
0x2d: {  	s3 =	simm.s32 $0x108;
	s8 =	sld [smem:$0x3FAE]  }
0x2e: {  	s3 =	simm.s32 @!p0 $0x1082;
	s9 =	sld [smem:$0x3FAF]  }
0x2f: {  	lr =	sadd.s32 s0, s3;
	s0 =	sld [smem:$0x3FA6]  }
0x30: {  	s3 =	sld [smem:$0x3FA9]  }
0x31: {  	[smem:$0x3FB2] =	sst s10  }
0x32: {  	s10 =	sld [smem:$0x3FB0];
	_ =	sdelay $0x3  }
0x33: {  	p0 =	seq.s32 s10, $0x1;
	s10 =	sld [smem:$0x3FB2];
	_ =	sdelay $0x3  }
0x34: {  	[smem:$0x3FB2] =	sst s10  }
0x35: {  	s10 =	sld [smem:$0x3FB1];
	_ =	sdelay $0x3  }
0x36: {  	p1 =	seq.s32 s10, $0x1;
	s10 =	sld [smem:$0x3FB2];
	_ =	sdelay $0x3  }
0x37: {  	[smem:$0x3FB2] =	sst s10  }
0x38: {  	s10 =	sld [smem:$0x3FB3]  }
0x39: {  	_ = 	snop;
	(pc) =	sbr.ind lr, $3  }
0x3a: {  	_ = 	snop  }
0x3b: {  	_ = 	snop  }
0x3c: {  	p2 =	seq.s32 s10, $0x1;
	s10 =	sld [smem:$0x3FB2]  }
0x3d: {  	_ =	shalt  }
0x3e: {  	_ =	shalt  }
0x3f: {  	_ =	shalt  }
0x40: {  	_ =	shalt  }
0x41: {  	_ =	shalt  }
0x42: {  	_ =	shalt  }
0x43: {  	_ =	shalt  }
0x44: {  	_ =	shalt  }
0x45: {  	_ =	shalt  }
0x46: {  	_ =	shalt  }
0x47: {  	_ =	shalt  }
0x48: {  	_ =	shalt  }
0x49: {  	_ =	shalt  }
0x4a: {  	_ =	shalt  }
0x4b: {  	_ =	shalt  }
0x4c: {  	_ =	shalt  }
0x4d: {  	_ =	shalt  }
0x4e: {  	_ =	shalt  }
0x4f: {  	_ =	shalt  }
0x50: {  	_ =	shalt  }
0x51: {  	_ =	shalt  }
0x52: {  	_ =	shalt  }
0x53: {  	_ =	shalt  }
0x54: {  	_ =	shalt  }
0x55: {  	_ =	shalt  }
0x56: {  	_ =	shalt  }
0x57: {  	_ =	shalt  }
0x58: {  	_ =	shalt  }
0x59: {  	_ =	shalt  }
0x5a: {  	_ =	shalt  }
0x5b: {  	_ =	shalt  }
0x5c: {  	_ =	shalt  }
0x5d: {  	_ =	shalt  }
0x5e: {  	_ =	shalt  }
0x5f: {  	_ =	shalt  }
0x60: {  	_ =	shalt  }
0x61: {  	_ =	shalt  }
0x62: {  	_ =	shalt  }
0x63: {  	_ =	shalt  }
0x64: {  	_ =	shalt  }
0x65: {  	_ =	shalt  }
0x66: {  	_ =	shalt  }
0x67: {  	_ =	shalt  }
0x68: {  	_ =	shalt  }
0x69: {  	_ =	shalt  }
0x6a: {  	_ =	shalt  }
0x6b: {  	_ =	shalt  }
0x6c: {  	_ =	shalt  }
0x6d: {  	_ =	shalt  }
0x6e: {  	_ =	shalt  }
0x6f: {  	_ =	shalt  }
0x70: {  	_ =	shalt  }
0x71: {  	_ =	shalt  }
0x72: {  	_ =	shalt  }
0x73: {  	_ =	shalt  }
0x74: {  	_ =	shalt  }
0x75: {  	_ =	shalt  }
0x76: {  	_ =	shalt  }
0x77: {  	_ =	shalt  }
0x78: {  	_ =	shalt  }
0x79: {  	_ =	shalt  }
0x7a: {  	_ =	shalt  }
0x7b: {  	_ =	shalt  }
0x7c: {  	_ =	shalt  }
0x7d: {  	_ =	shalt  }
0x7e: {  	_ =	shalt  }
0x7f: {  	_ =	shalt  }
0x80: {  	_ =	shalt  }
0x81: {  	_ =	shalt  }
0x82: {  	_ =	shalt  }
0x83: {  	_ =	shalt  }
0x84: {  	_ =	shalt  }
0x85: {  	_ =	shalt  }
0x86: {  	_ =	shalt  }
0x87: {  	_ =	shalt  }
.Lfunc_end0:
.L_simem_size_0:
called_computation_lowered:
.L_overlay_start_0:
0x88: {  	s2 =	sld [smem:$0x3FD9]  }
0x89: {  	s3 =	sld [smem:$0x3FFE];
	_ =	sdelay $0x1  }
0x8a: {  	s1 =	srdreg.scid  }
0x8b: {  	s0 =	sand.u32 $0x1, s1  }
0x8c: {  	s17 =	sshll.u32 s0, $0xA;
	s2 =	sadd.s32 s3, s2  }
0x8d: {  	s2 =	sadd.s32 s2, s17  }
0x8e: {  	[smem:$0x3FBE] =	sst s2  }
0x8f: {  	_ = 	snop  }
0x90: {  	s2 =	sld [smem:$0x3FD0];
	(tm) =	ssettm $0x1  }
0x91: {  	s18 =	sld [smem:$0x3FFB];
	_ =	sdelay $0x3  }
0x92: {  	_ =	strace s18  }
0x93: {  	s3 =	sld [smem:$0x3FFC];
	_ =	sdelay $0x3  }
0x94: {  	_ =	strace s3  }
0x95: {  	s3 =	sld [smem:$0x3FFD];
	_ =	sdelay $0x3  }
0x96: {  	_ =	strace s3  }
0x97: {  	_ =	strace $0x8FFFFFFF  }
0x98: {  	s19 =	sld [smem:$0x3FDB];
	_ =	sdelay $0x1  }
0x99: {  	s4 =	simm.s32 $_scs_section_size  }
0x9a: {  	s5 =	simm.s32 $_size__tile_overlayer_lowered;
	s6 =	simm.s32 $_tile_overlayer_lowered  }
0x9b: {  	s22 =	simm.s32 $0x1BFF;
	s21 =	sshll.u32 s6, $0x1;
	s3 =	sadd.s32 s4, s19  }
0x9c: {  	s7 =	simm.s32 $0x0;
	s20 =	sshll.u32 s5, $0x1;
	s5 =	sadd.s32 s21, s3  }
0x9d: {  	[timem:s7], [sflag:s22] =	dma.local [hbm:s5], s20  }
0x9e: {  	_ =	swait.ge [sflag:s22], s20  }
0x9f: {  	s4 =	ssub.s32 $0x0, s20;
	[sflag:s22] =	ssyncset.done $0x0  }
0xa0: {  	[sflag:s22] =	ssyncadd.s32 s4;
	_ =	sdelay $0x1  }
0xa1: {  	s23 =	simm.s32 $0x1B8B  }
0xa2: {  	_ =	swait.ge [sflag:s23], $0x1  }
0xa3: {  	[sflag:s23] =	ssyncset.done $0x0  }
0xa4: {  	s25 =	simm.s32 $0x1B8E;
	s24 =	sld [smem:$0x3FFE];
	[sflag:s23] =	ssyncadd.s32 $0xFFFFFFFF  }
0xa5: {  	s26 =	simm.s32 $execute0_lowered;
	[smem:$0x3FD2] =	sst s25  }
0xa6: {  	s5 =	sshll.u32 s26, $0x1;
	_ =	strace $0x80000046;
	[dreg:$0x1] =	wrdreg $0xFFFFFFFF  }
0xa7: {  	s28 =	simm.s32 $_size_execute0_lowered;
	s3 =	sadd.s32 s3, s5;
	[dreg:$0x0] =	wrdreg $0x0  }
0xa8: {  	s5 =	sshll.u32 s28, $0x1;
	[dreg:$0x2] =	wrdreg s3  }
0xa9: {  	[dreg:$0x3] =	wrdreg s5  }
0xaa: {  	[dreg:$0x4] =	wrdreg $0xC0  }
0xab: {  	_ =	task [dreg:s7], $0x5FFFF  }
0xac: {  	[dreg:$0x1] =	wrdreg $0xFFFFFFFF  }
0xad: {  	[dreg:$0x0] =	wrdreg $0x60  }
0xae: {  	[dreg:$0x2] =	wrdreg s2  }
0xaf: {  	[dreg:$0x3] =	wrdreg s24  }
0xb0: {  	[dreg:$0x4] =	wrdreg $0xB3000  }
0xb1: {  	[dreg:$0x5] =	wrdreg $0x9  }
0xb2: {  	_ =	task.clear_ibuf [dreg:s7], $0x6FFFF;
	_ =	strace $0x90000046  }
0xb3: {  	s29 =	simm.s32 $0x9;
	_ =	strace $0x80000048  }
0xb4: {  	_ =	swait.ge [sflag:s29], $0x1  }
0xb5: {  	[sflag:s29] =	ssyncadd.s32 $0xFFFFFFFF  }
0xb6: {  	_ =	strace $0x90000048  }
0xb7: {  	_ =	sfence  }
0xb8: {  	s30 =	sld [smem:$0x0];
	_ =	sdelay $0x2  }
0xb9: {  	s31 =	sshll.u32 s1, $0xD;
	s1 =	sshrl.u32 s1, $0x2  }
0xba: {  	s3 =	sand.u32 $0x4000, s31;
	s1 =	sadd.s32 s1, s30  }
0xbb: {  	s0 =	sor.u32 s3, s0;
	s1 =	sshll.u32 s1, $0x11  }
0xbc: {  	s0 =	sor.u32 s1, s0  }
0xbd: {  	s0 =	sadd.s32 $0x8F2B, s0  }
0xbe: {  	[sflag:s0] =	ssyncadd.remote.s32 $0x1  }
0xbf: {  	_ =	sfence.sel $0xFFFF  }
0xc0: {  	[dreg:$0x0] =	wrdreg $0xFFFFFFFF;
	(pc) =	sbr.abs _section_cstart, $3  }
0xc1: {  	[dreg:$0x1] =	wrdreg $0xFFFFFFFF  }
0xc2: {  	_ =	task.clear_ibuf [dreg:s7], $0x2FFFF;
	_ =	strace $0x9FFFFFFF  }
0xc3: {  	(tm) =	ssettm $0x7FFFFFFF  }
tec
execute0_lowered:
.L_overlay_start_1:
0x0: {  	(tag) =	ssettag $0x1  }
0x1: {  	s1 =	rddreg [dreg:$0x0]  }
0x2: {  	s0 =	rddreg [dreg:$0x1]  }
0x3: {  	s2 =	rddreg [dreg:$0x2];
	s3 =	srdreg.scid  }
0x4: {  	s4 =	simm.s32 $0x0;
	s9 =	stileid.u32;
	s28 =	simm.s32 $0x60  }
0x5: {  	s29 =	simm.s32 $0x3;
	s30 =	simm.s32 $0x2;
	s31 =	simm.s32 $0x8300  }
0x6: {  	s11 =	simm.s32 $0x6;
	s3 =	sand.u32 $0x1, s3;
	[smem:$0x7FF] =	sst s4  }
0x7: {  	s6 =	smul.u32 $0x13C00, s9;
	s7 =	sadd.s32 $0x76E00, s0;
	s14 =	sadd.s32 $0x77400, s0  }
0x8: {  	s15 =	smul.u32 $0x4F000, s9;
	_ =	strace $0x80000047;
	[dreg:$0x4] =	wrdreg s7  }
0x9: {  	s12 =	simm.s32 $0x0;
	s5 =	smul.u32 $0x13C000, s3;
	[dreg:$0x5] =	wrdreg s14  }
0xa: {  	s7 =	sadd.s32 $0x600, s0;
	s8 =	sshll.u32 s3, $0x4;
	s3 =	ssub.s32 $0x2, s3  }
0xb: {  	s9 =	sor.u32 s9, s8;
	s10 =	sshrl.u32 s3, $0x1;
	s5 =	sadd.s32 s6, s5  }
0xc: {  	s6 =	sshrl.u32 s15, $0x2;
	s16 =	smul.u32 $0x6A00, s9;
	s3 =	ssub.s32 s3, s10  }
0xd: {  	s9 =	simm.s32 $0x5180;
	s10 =	simm.s32 $0x5;
	s5 =	sshrl.u32 s5, $0x3  }
0xe: {  	s8 =	sadd.s32 s6, s2;
	s26 =	smax.u32 s3, $0x1;
	s3 =	simm.s32 $0x5100  }
0xf: {  	s6 =	simm.s32 $0x5280;
	s18 =	sadd.s32 $0x3000, s8;
	[dreg:$0xe] =	wrdreg s26  }
0x10: {  	s0 =	sadd.s32 s5, s0;
	s19 =	sadd.s32 $0x6000, s8;
	[dreg:$0x6] =	wrdreg s18  }
0x11: {  	s20 =	sadd.s32 $0x9000, s8;
	s21 =	sshrl.u32 s16, $0x3;
	[dreg:$0x7] =	wrdreg s19  }
0x12: {  	s22 =	sadd.s32 $0xC000, s8;
	s23 =	sadd.s32 $0xF000, s8;
	[dreg:$0x8] =	wrdreg s20  }
0x13: {  	s24 =	sadd.s32 $0x12000, s8;
	s17 =	sadd.s32 $0x200, s16;
	[dreg:$0x9] =	wrdreg s22  }
0x14: {  	s26 =	simm.s32 $0x1;
	s5 =	simm.s32 $0x4;
	[dreg:$0xa] =	wrdreg s23  }
0x15: {  	s14 =	sadd.s32 s1, s21;
	[dreg:$0xb] =	wrdreg s24;
	s18 =	sadd.s32 $0x300, s16  }
0x16: {  	s0 =	sadd.s32 $0x77A00, s0;
	s21 =	simm.s32 $0x7;
	s22 =	simm.s32 $0x2780  }
0x17: {  	v0 =	vimm.f32 $0.0e+00;
	vm0 =	vcmask $0x300;
	s23 =	simm.s32 $0x5300;
	s25 =	sadd.s32 $0x20, s14;
	[dreg:$0xd] =	wrdreg s0  }
0x18: {  	v1 =	vsel vm0, $0x3F800000, v0;
	s0 =	simm.s32 $0x5200;
	[dreg:$0xc] =	wrdreg s25;
	s25 =	simm.s32 $0x5000  }
.LBB2_1:
0x19: {  	s13 =	rddreg [dreg:$0x4]  }
0x1a: {  	[tilespmem:s4], [sflag:$0x7] =	stream.linear.gather [hbm4b:s13+s4], $0x2780, $0x38;
	[tilespmem:$0x1EF00] =	vst v63  }
0x1b: {  	_ =	swait.ge [sflag:s21], $0x2780  }
0x1c: {  	[sflag:s21] =	ssyncset.done $0x0  }
0x1d: {  	s24 =	rddreg [dreg:$0x5];
	[sflag:s21] =	ssyncadd.s32 $0xFFFFD880  }
0x1e: {  	[tilespmem:s22], [sflag:$0x7] =	stream.linear.gather [hbm4b:s24+s4], $0x2780, $0x38;
	[tilespmem:$0x1EF00] =	vst v63  }
0x1f: {  	_ =	swait.ge [sflag:s21], $0x2780  }
0x20: {  	[sflag:s21] =	ssyncset.done $0x0  }
0x21: {  	s15 =	simm.s32 $0x200;
	s13 =	simm.s32 $0x0;
	[sflag:s21] =	ssyncadd.s32 $0xFFFFD880  }
.LBB2_2:
0x22: {  	p0 =	sne.s32 s15, $0xBE00;
	[tilespmem:s13+$0x5370] =	vst v0  }
0x23: {  	[tilespmem:s13+$0x5300] =	vst v0  }
0x24: {  	[tilespmem:s13+$0x5310] =	vst v0  }
.Ltmp0:
0x25: {  	[tilespmem:s13+$0x5320] =	vst v0;
	(pc) =	sbr.rel @p0 .LBB2_2-.Ltmp0, $4  }
0x26: {  	[tilespmem:s13+$0x5330] =	vst v0  }
0x27: {  	[tilespmem:s13+$0x5340] =	vst v0  }
0x28: {  	[tilespmem:s13+$0x5350] =	vst v0  }
0x29: {  	[tilespmem:s13+$0x5360] =	vst v0;
	s13 =	sshra.s32 s15, $0x2;
	s15 =	sadd.s32 $0x200, s15  }
0x2a: {  	[tilespmem:s13+$0x5370] =	vst v0  }
0x2b: {  	[tilespmem:s13+$0x5300] =	vst v0  }
0x2c: {  	[tilespmem:s13+$0x5310] =	vst v0  }
0x2d: {  	[tilespmem:s13+$0x5320] =	vst v0  }
0x2e: {  	[tilespmem:s13+$0x5330] =	vst v0  }
0x2f: {  	[tilespmem:s13+$0x5340] =	vst v0  }
0x30: {  	[tilespmem:s13+$0x5350] =	vst v0  }
0x31: {  	[tilespmem:s13+$0x5360] =	vst v0  }
0x32: {  	[spmem:s8] =	stream.linear.scatter [tilespmem:s23], [sflag:$0x7], $0x3000, $0x38;
	[tilespmem:$0x1EF00] =	vst v63  }
0x33: {  	_ =	swait.ge [sflag:s21], $0x3000  }
0x34: {  	[sflag:s21] =	ssyncset.done $0x0  }
0x35: {  	s24 =	rddreg [dreg:$0x6];
	[sflag:s21] =	ssyncadd.s32 $0xFFFFD000  }
0x36: {  	[spmem:s24] =	stream.linear.scatter [tilespmem:s23], [sflag:$0x7], $0x3000, $0x38;
	[tilespmem:$0x1EF00] =	vst v63  }
0x37: {  	_ =	swait.ge [sflag:s21], $0x3000  }
0x38: {  	[sflag:s21] =	ssyncset.done $0x0  }
0x39: {  	s15 =	rddreg [dreg:$0x7];
	[sflag:s21] =	ssyncadd.s32 $0xFFFFD000  }
0x3a: {  	[spmem:s15] =	stream.linear.scatter [tilespmem:s23], [sflag:$0x7], $0x3000, $0x38;
	[tilespmem:$0x1EF00] =	vst v63  }
0x3b: {  	_ =	swait.ge [sflag:s21], $0x3000  }
0x3c: {  	[sflag:s21] =	ssyncset.done $0x0  }
0x3d: {  	s16 =	rddreg [dreg:$0x8];
	[sflag:s21] =	ssyncadd.s32 $0xFFFFD000  }
0x3e: {  	[spmem:s16] =	stream.linear.scatter [tilespmem:s23], [sflag:$0x7], $0x3000, $0x38;
	[tilespmem:$0x1EF00] =	vst v63  }
0x3f: {  	_ =	swait.ge [sflag:s21], $0x3000  }
0x40: {  	[sflag:s21] =	ssyncset.done $0x0  }
0x41: {  	s19 =	rddreg [dreg:$0x9];
	[sflag:s21] =	ssyncadd.s32 $0xFFFFD000  }
0x42: {  	[spmem:s19] =	stream.linear.scatter [tilespmem:s23], [sflag:$0x7], $0x3000, $0x38;
	[tilespmem:$0x1EF00] =	vst v63  }
0x43: {  	_ =	swait.ge [sflag:s21], $0x3000  }
0x44: {  	[sflag:s21] =	ssyncset.done $0x0  }
0x45: {  	s20 =	rddreg [dreg:$0xa];
	[sflag:s21] =	ssyncadd.s32 $0xFFFFD000  }
0x46: {  	[spmem:s20] =	stream.linear.scatter [tilespmem:s23], [sflag:$0x7], $0x3000, $0x38;
	[tilespmem:$0x1EF00] =	vst v63  }
0x47: {  	_ =	swait.ge [sflag:s21], $0x3000  }
0x48: {  	[sflag:s21] =	ssyncset.done $0x0  }
0x49: {  	s24 =	rddreg [dreg:$0xb];
	[sflag:s21] =	ssyncadd.s32 $0xFFFFD000  }
0x4a: {  	[spmem:s24] =	stream.linear.scatter [tilespmem:s23], [sflag:$0x7], $0x1C00, $0x38;
	[tilespmem:$0x1EF00] =	vst v63  }
0x4b: {  	_ =	swait.ge [sflag:s21], $0x1C00  }
0x4c: {  	[sflag:s21] =	ssyncset.done $0x0  }
0x4d: {  	[sflag:s21] =	ssyncadd.s32 $0xFFFFE400  }
0x4e: {  	s13 =	simm.s32 $0x0;
	s16 =	simm.s32 $0x4F00;
	[bflag:$0x0] =	sbarrier.arrive $0xFFFF  }
0x4f: {  	[tilespmem:s16], [sflag:$0x1] =	stream.linear.gather [hbm4b:s14+s13], $0x100, $0x38;
	[tilespmem:$0x1EF00] =	vst v63  }
0x50: {  	s15 =	rddreg [dreg:$0xc]  }
0x51: {  	[tilespmem:s25], [sflag:$0x2] =	stream.linear.gather [hbm4b:s15+s13], $0x100, $0x38;
	[tilespmem:$0x1EF00] =	vst v63  }
0x52: {  	_ =	swait.ge [sflag:s26], $0x100  }
0x53: {  	[sflag:s26] =	ssyncset.done $0x0  }
0x54: {  	[sflag:s26] =	ssyncadd.s32 $0xFFFFFF00  }
0x55: {  	[tilespmem:s23], [sflag:$0x3] =	stream.indirect.gather [hbm4b:s7+s28], $0x80, s16, s28, $0xb8;
	[tilespmem:$0x1EF00] =	vst v63  }
.LBB2_4:
0x56: {  	v2 =	vld [tilespmem:$0x4F00]  }
0x57: {  	v3 =	vld [tilespmem:$0x4F80];
	_ =	sdelay $0x5  }
0x58: {  	[tilespmem:$0x5100] =	vst v3  }
0x59: {  	v2 =	vld.idx.msk [tilespmem:v2+s4+$0x0], $0xffff  }
0x5a: {  	v3 =	vld.idx.msk [tilespmem:v3+s22+$0x0], $0xffff;
	_ =	sdelay $0x4  }
0x5b: {  	v2 =	vadd.f32 v3, v2;
	_ =	sdelay $0x1  }
0x5c: {  	v3 =	vmul.f32 $2.000000030e-01, v2  }
0x5d: {  	vm0 =	vge.f32 v2, $0.0e+00  }
0x5e: {  	v2 =	vsel vm0, v2, v3  }
0x5f: {  	v2 =	vmul.f32 $1.442695020e+00, v2;
	_ =	sdelay $0x1  }
0x60: {  	(erf) = vpow2.f32 v2;
	_ =	sdelay $0x2  }
0x61: {  	v2 =	vld [tilespmem:$0x4F10]  }
0x62: {  	v3 =	vld [tilespmem:$0x4F90];
	_ =	sdelay $0x4  }
0x63: {  	[tilespmem:$0x5110] =	vst v3;
	v4 =	vpop (erf)  }
0x64: {  	[tilespmem:$0x5200] =	vst v4  }
0x65: {  	v2 =	vld.idx.msk [tilespmem:v2+s4+$0x0], $0xffff  }
0x66: {  	v3 =	vld.idx.msk [tilespmem:v3+s22+$0x0], $0xffff;
	_ =	sdelay $0x4  }
0x67: {  	v2 =	vadd.f32 v3, v2;
	_ =	sdelay $0x1  }
0x68: {  	v3 =	vmul.f32 $2.000000030e-01, v2  }
0x69: {  	vm11 =	vge.f32 v2, $0.0e+00  }
0x6a: {  	v2 =	vsel vm11, v2, v3  }
0x6b: {  	v2 =	vmul.f32 $1.442695020e+00, v2;
	_ =	sdelay $0x1  }
0x6c: {  	(erf) = vpow2.f32 v2;
	_ =	sdelay $0x2  }
0x6d: {  	v2 =	vld [tilespmem:$0x4F20]  }
0x6e: {  	v3 =	vld [tilespmem:$0x4FA0];
	_ =	sdelay $0x4  }
0x6f: {  	[tilespmem:$0x5120] =	vst v3;
	v4 =	vpop (erf)  }
0x70: {  	[tilespmem:$0x5210] =	vst v4  }
0x71: {  	v2 =	vld.idx.msk [tilespmem:v2+s4+$0x0], $0xffff  }
0x72: {  	v3 =	vld.idx.msk [tilespmem:v3+s22+$0x0], $0xffff;
	_ =	sdelay $0x4  }
0x73: {  	v2 =	vadd.f32 v3, v2;
	_ =	sdelay $0x1  }
0x74: {  	v3 =	vmul.f32 $2.000000030e-01, v2  }
0x75: {  	vm12 =	vge.f32 v2, $0.0e+00  }
0x76: {  	v2 =	vsel vm12, v2, v3  }
0x77: {  	v2 =	vmul.f32 $1.442695020e+00, v2;
	_ =	sdelay $0x1  }
0x78: {  	(erf) = vpow2.f32 v2;
	_ =	sdelay $0x2  }
0x79: {  	v2 =	vld [tilespmem:$0x4F30]  }
0x7a: {  	v3 =	vld [tilespmem:$0x4FB0];
	_ =	sdelay $0x4  }
0x7b: {  	[tilespmem:$0x5130] =	vst v3;
	v4 =	vpop (erf)  }
0x7c: {  	[tilespmem:$0x5220] =	vst v4  }
0x7d: {  	v2 =	vld.idx.msk [tilespmem:v2+s4+$0x0], $0xffff  }
0x7e: {  	v3 =	vld.idx.msk [tilespmem:v3+s22+$0x0], $0xffff;
	_ =	sdelay $0x4  }
0x7f: {  	v2 =	vadd.f32 v3, v2;
	_ =	sdelay $0x1  }
0x80: {  	v3 =	vmul.f32 $2.000000030e-01, v2  }
0x81: {  	vm13 =	vge.f32 v2, $0.0e+00  }
0x82: {  	v2 =	vsel vm13, v2, v3  }
0x83: {  	v2 =	vmul.f32 $1.442695020e+00, v2;
	_ =	sdelay $0x1  }
0x84: {  	(erf) = vpow2.f32 v2;
	_ =	sdelay $0x2  }
0x85: {  	v2 =	vld [tilespmem:$0x4F40]  }
0x86: {  	v3 =	vld [tilespmem:$0x4FC0];
	_ =	sdelay $0x4  }
0x87: {  	[tilespmem:$0x5140] =	vst v3;
	v4 =	vpop (erf)  }
0x88: {  	[tilespmem:$0x5230] =	vst v4  }
0x89: {  	v2 =	vld.idx.msk [tilespmem:v2+s4+$0x0], $0xffff  }
0x8a: {  	v3 =	vld.idx.msk [tilespmem:v3+s22+$0x0], $0xffff;
	_ =	sdelay $0x4  }
0x8b: {  	v2 =	vadd.f32 v3, v2;
	_ =	sdelay $0x1  }
0x8c: {  	v3 =	vmul.f32 $2.000000030e-01, v2  }
0x8d: {  	vm14 =	vge.f32 v2, $0.0e+00  }
0x8e: {  	v2 =	vsel vm14, v2, v3  }
0x8f: {  	v2 =	vmul.f32 $1.442695020e+00, v2;
	_ =	sdelay $0x1  }
0x90: {  	(erf) = vpow2.f32 v2;
	_ =	sdelay $0x2  }
0x91: {  	v2 =	vld [tilespmem:$0x4F50]  }
0x92: {  	v3 =	vld [tilespmem:$0x4FD0];
	_ =	sdelay $0x4  }
0x93: {  	[tilespmem:$0x5150] =	vst v3;
	v4 =	vpop (erf)  }
0x94: {  	[tilespmem:$0x5240] =	vst v4  }
0x95: {  	v2 =	vld.idx.msk [tilespmem:v2+s4+$0x0], $0xffff  }
0x96: {  	v3 =	vld.idx.msk [tilespmem:v3+s22+$0x0], $0xffff;
	_ =	sdelay $0x4  }
0x97: {  	v2 =	vadd.f32 v3, v2;
	_ =	sdelay $0x1  }
0x98: {  	v3 =	vmul.f32 $2.000000030e-01, v2  }
0x99: {  	vm15 =	vge.f32 v2, $0.0e+00  }
0x9a: {  	v2 =	vsel vm15, v2, v3  }
0x9b: {  	v2 =	vmul.f32 $1.442695020e+00, v2;
	_ =	sdelay $0x1  }
0x9c: {  	(erf) = vpow2.f32 v2;
	_ =	sdelay $0x8  }
0x9d: {  	p0 =	seq.s32 s13, $0x34;
	v2 =	vpop (erf)  }
0x9e: {  	s24 =	sshll.u32 @!p0 s13, $0x9;
	[tilespmem:$0x5250] =	vst v2  }
0x9f: {  	s15 =	sadd.s32 @!p0 s24, s17;
	_ =	swait.ge [sflag:s29], $0x3000  }
0xa0: {  	s16 =	simm.s32 @!p0 $0x0;
	s15 =	sshrl.u32 @!p0 s15, $0x3;
	[sflag:s29] =	ssyncset.done $0x0  }
0xa1: {  	s19 =	simm.s32 @!p0 $0x4F00;
	s15 =	sadd.s32 @!p0 s1, s15;
	[sflag:s29] =	ssyncadd.s32 $0xFFFFD000  }
0xa2: {  	[tilespmem:s19], [sflag:$0x1] =	stream.linear.gather @!p0 [hbm4b:s15+s16], $0x100, $0x38;
	[tilespmem:$0x1EF00] =	vst v63  }
0xa3: {  	_ =	swait.ge [sflag:s30], $0x100  }
0xa4: {  	p1 =	seq.s32 s13, $0x0;
	[sflag:s30] =	ssyncset.done $0x0  }
0xa5: {  	s15 =	simm.s32 @!p1 $0x6;
	[sflag:s30] =	ssyncadd.s32 $0xFFFFFF00  }
0xa6: {  	_ =	swait.ge @!p1 [sflag:s15], $0x3000  }
0xa7: {  	s20 =	simm.s32 $0x0;
	[sflag:s15] =	ssyncset.done @!p1 $0x0  }
0xa8: {  	s19 =	simm.s32 $0x1;
	[sflag:s15] =	ssyncadd.s32 @!p1 $0xFFFFD000;
	s15 =	simm.s32 $0x5380  }
0xa9: {  	v3 =	vmov s20;
	v2 =	vmov s19;
	[tilespmem:s31], [sflag:$0x4] =	stream.indirect.gather [hbm4b:s7+s28], $0x80, s25, s28, $0xb8;
	[tilespmem:$0x1EF00] =	vst v63  }
0xaa: {  	v3 =	vand.u32 $0xFFFFFFFE, v3;
	v4 =	vld [tilespmem:s15+$0x0]  }
0xab: {  	v3 =	vbroadcast v3, $0x0;
	v6 =	vld [tilespmem:s15+$0xFFFFFF90]  }
0xac: {  	v5 =	vld [tilespmem:s15+$0x20]  }
0xad: {  	v8 =	vld [tilespmem:s15+$0x40]  }
0xae: {  	v2 =	vld.idx.msk [tilespmem:v2+s0+$0x0], $0xffff  }
0xaf: {  	v9 =	vld [tilespmem:s15+$0x10]  }
0xb0: {  	v10 =	vld [tilespmem:s15+$0x30]  }
0xb1: {  	v11 =	vld.idx.msk [tilespmem:v3+s0+$0x0], $0xffff  }
0xb2: {  	v3 =	vld [tilespmem:s15+$0xFFFFFFC0]  }
0xb3: {  	v13 =	vld [tilespmem:s15+$0xFFFFFFA0]  }
0xb4: {  	v7 =	vld [tilespmem:s15+$0xFFFFFF80];
	v4 =	vmul.f32 v4, v2  }
0xb5: {  	v12 =	vld [tilespmem:s15+$0xFFFFFFB0];
	v14 =	vmul.f32 v1, v2;
	v9 =	vmul.f32 v9, v2  }
0xb6: {  	v5 =	vmul.f32 v5, v2;
	[tilespmem:s15+$0x0] =	vst v4;
	v4 =	vmul.f32 v8, v2  }
0xb7: {  	v62 =	vmul.f32 v3, v11;
	v8 =	vmul.f32 v10, v2;
	[tilespmem:s15+$0x10] =	vst v9  }
0xb8: {  	v63 =	vmul.f32 v1, v11;
	v3 =	vmul.f32 v13, v11;
	[tilespmem:s15+$0x20] =	vst v5;
	v14 =	vadd.f32 v4, v14  }
0xb9: {  	s20 =	simm.s32 $0x3;
	v5 =	vmul.f32 v7, v11;
	v7 =	vmul.f32 v6, v11;
	[tilespmem:s15+$0x30] =	vst v8  }
0xba: {  	s16 =	simm.s32 $0x5480;
	s19 =	simm.s32 $0x5;
	v2 =	vmov s20;
	v6 =	vadd.f32 v62, v63;
	s20 =	simm.s32 $0x2;
	v4 =	vmul.f32 v12, v11;
	[tilespmem:s15+$0x40] =	vst v14  }
.LBB2_5:
0xbb: {  	v8 =	vmov s19;
	p1 =	sne.s32 s19, $0x5F;
	v9 =	vmov s20;
	v10 =	vld [tilespmem:s16+$0x0];
	[tilespmem:s15+$0xFFFFFF90] =	vst v7;
	s20 =	smov.u32 s19;
	s19 =	sadd.s32 $0x2, s19  }
0xbc: {  	v7 =	vand.u32 $0xFFFFFFFE, v9;
	v9 =	vld [tilespmem:s16+$0xFFFFFF90];
	[tilespmem:s15+$0xFFFFFF80] =	vst v5  }
0xbd: {  	v5 =	vbroadcast v7, $0x0;
	v7 =	vld [tilespmem:s16+$0x20];
	[tilespmem:s15+$0xFFFFFFC0] =	vst v6  }
0xbe: {  	v6 =	vld [tilespmem:s16+$0xFFFFFF80];
	[tilespmem:s15+$0xFFFFFFB0] =	vst v4  }
0xbf: {  	v4 =	vld [tilespmem:s16+$0x40];
	[tilespmem:s15+$0xFFFFFFA0] =	vst v3;
	s15 =	smov.u32 s16  }
0xc0: {  	v3 =	vld.idx.msk [tilespmem:v2+s0+$0x0], $0xffff;
	v2 =	vmov v8  }
0xc1: {  	v8 =	vld [tilespmem:s16+$0x10]  }
0xc2: {  	v11 =	vld [tilespmem:s16+$0x30]  }
0xc3: {  	v12 =	vld.idx.msk [tilespmem:v5+s0+$0x0], $0xffff  }
0xc4: {  	v5 =	vld [tilespmem:s16+$0xFFFFFFC0]  }
0xc5: {  	v13 =	vld [tilespmem:s16+$0xFFFFFFB0]  }
0xc6: {  	v10 =	vmul.f32 v10, v3;
	v15 =	vmul.f32 v1, v3;
	v14 =	vld [tilespmem:s16+$0xFFFFFFA0]  }
0xc7: {  	v16 =	vmul.f32 v7, v3;
	v8 =	vmul.f32 v8, v3  }
.Ltmp1:
0xc8: {  	[tilespmem:s16+$0x0] =	vst v10;
	v10 =	vmul.f32 v11, v3;
	v3 =	vmul.f32 v4, v3;
	(pc) =	sbr.rel @p1 .LBB2_5-.Ltmp1, $4  }
0xc9: {  	v11 =	vmul.f32 v1, v12;
	[tilespmem:s16+$0x10] =	vst v8;
	v8 =	vmul.f32 v5, v12  }
0xca: {  	v7 =	vmul.f32 v9, v12;
	v5 =	vmul.f32 v6, v12;
	[tilespmem:s16+$0x20] =	vst v16;
	v9 =	vadd.f32 v3, v15  }
0xcb: {  	v4 =	vmul.f32 v13, v12;
	v3 =	vmul.f32 v14, v12;
	[tilespmem:s16+$0x30] =	vst v10;
	v6 =	vadd.f32 v8, v11  }
0xcc: {  	s20 =	sadd.s32 $0xFFFFFFFF, s20;
	s16 =	sadd.s32 $0x100, s16;
	[tilespmem:s15+$0x40] =	vst v9  }
0xcd: {  	[tilespmem:s15+$0xFFFFFF90] =	vst v7  }
0xce: {  	v8 =	vld [tilespmem:s16+$0xFFFFFF90];
	[tilespmem:s15+$0xFFFFFF80] =	vst v5  }
0xcf: {  	v7 =	vmov s20;
	v9 =	vld [tilespmem:s16+$0x0];
	[tilespmem:s15+$0xFFFFFFC0] =	vst v6  }
0xd0: {  	v7 =	vand.u32 $0xFFFFFFFE, v7;
	v6 =	vld [tilespmem:s16+$0xFFFFFF80];
	[tilespmem:s15+$0xFFFFFFB0] =	vst v4  }
0xd1: {  	v5 =	vbroadcast v7, $0x0;
	v7 =	vld [tilespmem:s16+$0x20];
	[tilespmem:s15+$0xFFFFFFA0] =	vst v3  }
0xd2: {  	v2 =	vld.idx.msk [tilespmem:v2+s0+$0x0], $0xffff  }
0xd3: {  	v3 =	vld [tilespmem:s16+$0x10]  }
0xd4: {  	v4 =	vld [tilespmem:s16+$0x40]  }
0xd5: {  	v10 =	vld [tilespmem:s16+$0x30]  }
0xd6: {  	v11 =	vld [tilespmem:s16+$0xFFFFFFC0]  }
0xd7: {  	v5 =	vld.idx.msk [tilespmem:v5+s0+$0x0], $0xffff;
	v9 =	vmul.f32 v9, v2  }
0xd8: {  	v12 =	vmul.f32 v1, v2;
	v3 =	vmul.f32 v3, v2  }
0xd9: {  	v56 =	vld [tilespmem:s16+$0xFFFFFFB0];
	v7 =	vmul.f32 v7, v2;
	v4 =	vmul.f32 v4, v2;
	[tilespmem:s16+$0x0] =	vst v9  }
0xda: {  	v2 =	vmul.f32 v10, v2;
	[tilespmem:s16+$0x10] =	vst v3  }
0xdb: {  	v3 =	vld [tilespmem:s16+$0xFFFFFFA0];
	[tilespmem:s16+$0x20] =	vst v7;
	v4 =	vadd.f32 v4, v12  }
0xdc: {  	[tilespmem:s16+$0x30] =	vst v2;
	v57 =	vmul.f32 v11, v5;
	v8 =	vmul.f32 v8, v5  }
0xdd: {  	[tilespmem:s16+$0x40] =	vst v4;
	v7 =	vmul.f32 v1, v5;
	v2 =	vmul.f32 v6, v5  }
0xde: {  	v6 =	vmul.f32 v56, v5;
	[tilespmem:s16+$0xFFFFFF90] =	vst v8  }
0xdf: {  	v4 =	vadd.f32 v57, v7;
	[tilespmem:s16+$0xFFFFFF80] =	vst v2  }
0xe0: {  	v2 =	vmul.f32 v3, v5;
	[tilespmem:s16+$0xFFFFFFB0] =	vst v6  }
0xe1: {  	[tilespmem:s16+$0xFFFFFFC0] =	vst v4  }
0xe2: {  	[tilespmem:s16+$0xFFFFFFA0] =	vst v2  }
0xe3: {  	[spmem:s2] =	stream.indirect.scatter.add.f32 [tilespmem:s23], [sflag:$0x5], $0x80, s3, s28, $0xb8;
	[tilespmem:$0x1EF00] =	vst v63  }
0xe4: {  	v2 =	vld [tilespmem:$0x5000]  }
0xe5: {  	v3 =	vld [tilespmem:$0x5080];
	_ =	sdelay $0x5  }
0xe6: {  	[tilespmem:$0x5180] =	vst v3  }
0xe7: {  	v2 =	vld.idx.msk [tilespmem:v2+s4+$0x0], $0xffff  }
0xe8: {  	v3 =	vld.idx.msk [tilespmem:v3+s22+$0x0], $0xffff;
	_ =	sdelay $0x4  }
0xe9: {  	v2 =	vadd.f32 v3, v2;
	_ =	sdelay $0x1  }
0xea: {  	v3 =	vmul.f32 $2.000000030e-01, v2  }
0xeb: {  	vm0 =	vge.f32 v2, $0.0e+00  }
0xec: {  	v2 =	vsel vm0, v2, v3  }
0xed: {  	v2 =	vmul.f32 $1.442695020e+00, v2;
	_ =	sdelay $0x1  }
0xee: {  	(erf) = vpow2.f32 v2;
	_ =	sdelay $0x2  }
0xef: {  	v2 =	vld [tilespmem:$0x5010]  }
0xf0: {  	v3 =	vld [tilespmem:$0x5090];
	_ =	sdelay $0x4  }
0xf1: {  	[tilespmem:$0x5190] =	vst v3;
	v4 =	vpop (erf)  }
0xf2: {  	[tilespmem:$0x5280] =	vst v4  }
0xf3: {  	v2 =	vld.idx.msk [tilespmem:v2+s4+$0x0], $0xffff  }
0xf4: {  	v3 =	vld.idx.msk [tilespmem:v3+s22+$0x0], $0xffff;
	_ =	sdelay $0x4  }
0xf5: {  	v2 =	vadd.f32 v3, v2;
	_ =	sdelay $0x1  }
0xf6: {  	v3 =	vmul.f32 $2.000000030e-01, v2  }
0xf7: {  	vm11 =	vge.f32 v2, $0.0e+00  }
0xf8: {  	v2 =	vsel vm11, v2, v3  }
0xf9: {  	v2 =	vmul.f32 $1.442695020e+00, v2;
	_ =	sdelay $0x1  }
0xfa: {  	(erf) = vpow2.f32 v2;
	_ =	sdelay $0x2  }
0xfb: {  	v2 =	vld [tilespmem:$0x5020]  }
0xfc: {  	v3 =	vld [tilespmem:$0x50A0];
	_ =	sdelay $0x4  }
0xfd: {  	[tilespmem:$0x51A0] =	vst v3;
	v4 =	vpop (erf)  }
0xfe: {  	[tilespmem:$0x5290] =	vst v4  }
0xff: {  	v2 =	vld.idx.msk [tilespmem:v2+s4+$0x0], $0xffff  }
0x100: {  	v3 =	vld.idx.msk [tilespmem:v3+s22+$0x0], $0xffff;
	_ =	sdelay $0x4  }
0x101: {  	v2 =	vadd.f32 v3, v2;
	_ =	sdelay $0x1  }
0x102: {  	v3 =	vmul.f32 $2.000000030e-01, v2  }
0x103: {  	vm12 =	vge.f32 v2, $0.0e+00  }
0x104: {  	v2 =	vsel vm12, v2, v3  }
0x105: {  	v2 =	vmul.f32 $1.442695020e+00, v2;
	_ =	sdelay $0x1  }
0x106: {  	(erf) = vpow2.f32 v2;
	_ =	sdelay $0x2  }
0x107: {  	v2 =	vld [tilespmem:$0x5030]  }
0x108: {  	v3 =	vld [tilespmem:$0x50B0];
	_ =	sdelay $0x4  }
0x109: {  	[tilespmem:$0x51B0] =	vst v3;
	v4 =	vpop (erf)  }
0x10a: {  	[tilespmem:$0x52A0] =	vst v4  }
0x10b: {  	v2 =	vld.idx.msk [tilespmem:v2+s4+$0x0], $0xffff  }
0x10c: {  	v3 =	vld.idx.msk [tilespmem:v3+s22+$0x0], $0xffff;
	_ =	sdelay $0x4  }
0x10d: {  	v2 =	vadd.f32 v3, v2;
	_ =	sdelay $0x1  }
0x10e: {  	v3 =	vmul.f32 $2.000000030e-01, v2  }
0x10f: {  	vm13 =	vge.f32 v2, $0.0e+00  }
0x110: {  	v2 =	vsel vm13, v2, v3  }
0x111: {  	v2 =	vmul.f32 $1.442695020e+00, v2;
	_ =	sdelay $0x1  }
0x112: {  	(erf) = vpow2.f32 v2;
	_ =	sdelay $0x2  }
0x113: {  	v2 =	vld [tilespmem:$0x5040]  }
0x114: {  	v3 =	vld [tilespmem:$0x50C0];
	_ =	sdelay $0x4  }
0x115: {  	[tilespmem:$0x51C0] =	vst v3;
	v4 =	vpop (erf)  }
0x116: {  	[tilespmem:$0x52B0] =	vst v4  }
0x117: {  	v2 =	vld.idx.msk [tilespmem:v2+s4+$0x0], $0xffff  }
0x118: {  	v3 =	vld.idx.msk [tilespmem:v3+s22+$0x0], $0xffff;
	_ =	sdelay $0x4  }
0x119: {  	v2 =	vadd.f32 v3, v2;
	_ =	sdelay $0x1  }
0x11a: {  	v3 =	vmul.f32 $2.000000030e-01, v2  }
0x11b: {  	vm14 =	vge.f32 v2, $0.0e+00  }
0x11c: {  	v2 =	vsel vm14, v2, v3  }
0x11d: {  	v2 =	vmul.f32 $1.442695020e+00, v2;
	_ =	sdelay $0x1  }
0x11e: {  	(erf) = vpow2.f32 v2;
	_ =	sdelay $0x2  }
0x11f: {  	v2 =	vld [tilespmem:$0x5050]  }
0x120: {  	v3 =	vld [tilespmem:$0x50D0];
	_ =	sdelay $0x4  }
0x121: {  	[tilespmem:$0x51D0] =	vst v3;
	v4 =	vpop (erf)  }
0x122: {  	[tilespmem:$0x52C0] =	vst v4  }
0x123: {  	v2 =	vld.idx.msk [tilespmem:v2+s4+$0x0], $0xffff  }
0x124: {  	v3 =	vld.idx.msk [tilespmem:v3+s22+$0x0], $0xffff;
	_ =	sdelay $0x4  }
0x125: {  	v2 =	vadd.f32 v3, v2;
	_ =	sdelay $0x1  }
0x126: {  	v3 =	vmul.f32 $2.000000030e-01, v2  }
0x127: {  	vm15 =	vge.f32 v2, $0.0e+00  }
0x128: {  	v2 =	vsel vm15, v2, v3  }
0x129: {  	v2 =	vmul.f32 $1.442695020e+00, v2;
	_ =	sdelay $0x1  }
0x12a: {  	(erf) = vpow2.f32 v2;
	_ =	sdelay $0x8  }
0x12b: {  	v2 =	vpop (erf)  }
0x12c: {  	[tilespmem:$0x52D0] =	vst v2  }
0x12d: {  	s15 =	sadd.s32 @!p0 s24, s18;
	_ =	swait.ge [sflag:s5], $0x3000  }
0x12e: {  	s19 =	simm.s32 @!p0 $0x5000;
	s15 =	sshrl.u32 @!p0 s15, $0x3;
	[sflag:s5] =	ssyncset.done $0x0  }
0x12f: {  	s15 =	sadd.s32 @!p0 s1, s15;
	s16 =	simm.s32 @!p0 $0x0;
	[sflag:s5] =	ssyncadd.s32 $0xFFFFD000  }
0x130: {  	[tilespmem:s19], [sflag:$0x2] =	stream.linear.gather @!p0 [hbm4b:s15+s16], $0x100, $0x38;
	[tilespmem:$0x1EF00] =	vst v63  }
0x131: {  	s15 =	simm.s32 @!p0 $0x1  }
0x132: {  	_ =	swait.ge @!p0 [sflag:s15], $0x100  }
0x133: {  	[sflag:s15] =	ssyncset.done @!p0 $0x0  }
0x134: {  	[sflag:s15] =	ssyncadd.s32 @!p0 $0xFFFFFF00;
	s15 =	simm.s32 @!p0 $0x5  }
0x135: {  	_ =	swait.ge @!p0 [sflag:s15], $0x3000  }
0x136: {  	s20 =	simm.s32 $0x0;
	s16 =	simm.s32 @!p0 $0x4F00;
	[sflag:s15] =	ssyncset.done @!p0 $0x0  }
0x137: {  	s19 =	simm.s32 @!p0 $0x5300;
	[sflag:s15] =	ssyncadd.s32 @!p0 $0xFFFFD000;
	s15 =	simm.s32 @!p0 $0x60  }
0x138: {  	[tilespmem:s19], [sflag:$0x3] =	stream.indirect.gather @!p0 [hbm4b:s7+s15], $0x80, s16, s15, $0xb8;
	[tilespmem:$0x1EF00] =	vst v63  }
0x139: {  	v3 =	vmov s20;
	s19 =	simm.s32 $0x1;
	s15 =	simm.s32 $0x8380  }
0x13a: {  	v3 =	vand.u32 $0xFFFFFFFE, v3;
	v2 =	vmov s19;
	v4 =	vld [tilespmem:s15+$0x0]  }
0x13b: {  	v3 =	vbroadcast v3, $0x0;
	v6 =	vld [tilespmem:s15+$0xFFFFFF90]  }
0x13c: {  	v5 =	vld [tilespmem:s15+$0x20]  }
0x13d: {  	v8 =	vld [tilespmem:s15+$0x40]  }
0x13e: {  	v58 =	vld [tilespmem:s15+$0x10]  }
0x13f: {  	v2 =	vld.idx.msk [tilespmem:v2+s6+$0x0], $0xffff  }
0x140: {  	v59 =	vld [tilespmem:s15+$0x30]  }
0x141: {  	v60 =	vld.idx.msk [tilespmem:v3+s6+$0x0], $0xffff  }
0x142: {  	v3 =	vld [tilespmem:s15+$0xFFFFFFC0]  }
0x143: {  	v13 =	vld [tilespmem:s15+$0xFFFFFFA0]  }
0x144: {  	v7 =	vld [tilespmem:s15+$0xFFFFFF80];
	v4 =	vmul.f32 v4, v2  }
0x145: {  	v61 =	vld [tilespmem:s15+$0xFFFFFFB0];
	v14 =	vmul.f32 v1, v2;
	v9 =	vmul.f32 v58, v2  }
0x146: {  	v5 =	vmul.f32 v5, v2;
	[tilespmem:s15+$0x0] =	vst v4;
	v4 =	vmul.f32 v8, v2  }
0x147: {  	v62 =	vmul.f32 v3, v60;
	v8 =	vmul.f32 v59, v2;
	[tilespmem:s15+$0x10] =	vst v9  }
0x148: {  	v63 =	vmul.f32 v1, v60;
	v3 =	vmul.f32 v13, v60;
	[tilespmem:s15+$0x20] =	vst v5;
	v14 =	vadd.f32 v4, v14  }
0x149: {  	s24 =	simm.s32 $0x3;
	v5 =	vmul.f32 v7, v60;
	v7 =	vmul.f32 v6, v60;
	[tilespmem:s15+$0x30] =	vst v8  }
0x14a: {  	s20 =	simm.s32 $0x2;
	s16 =	simm.s32 $0x8480;
	s19 =	simm.s32 $0x5;
	v2 =	vmov s24;
	v6 =	vadd.f32 v62, v63;
	v4 =	vmul.f32 v61, v60;
	[tilespmem:s15+$0x40] =	vst v14  }
.LBB2_7:
0x14b: {  	v8 =	vmov s19;
	p0 =	sne.s32 s19, $0x5F;
	v9 =	vmov s20;
	v10 =	vld [tilespmem:s16+$0x0];
	[tilespmem:s15+$0xFFFFFF90] =	vst v7;
	s20 =	smov.u32 s19;
	s19 =	sadd.s32 $0x2, s19  }
0x14c: {  	v7 =	vand.u32 $0xFFFFFFFE, v9;
	v9 =	vld [tilespmem:s16+$0xFFFFFF90];
	[tilespmem:s15+$0xFFFFFF80] =	vst v5  }
0x14d: {  	v5 =	vbroadcast v7, $0x0;
	v7 =	vld [tilespmem:s16+$0x20];
	[tilespmem:s15+$0xFFFFFFC0] =	vst v6  }
0x14e: {  	v6 =	vld [tilespmem:s16+$0xFFFFFF80];
	[tilespmem:s15+$0xFFFFFFB0] =	vst v4  }
0x14f: {  	v4 =	vld [tilespmem:s16+$0x40];
	[tilespmem:s15+$0xFFFFFFA0] =	vst v3;
	s15 =	smov.u32 s16  }
0x150: {  	v3 =	vld.idx.msk [tilespmem:v2+s6+$0x0], $0xffff;
	v2 =	vmov v8  }
0x151: {  	v8 =	vld [tilespmem:s16+$0x10]  }
0x152: {  	v11 =	vld [tilespmem:s16+$0x30]  }
0x153: {  	v12 =	vld.idx.msk [tilespmem:v5+s6+$0x0], $0xffff  }
0x154: {  	v5 =	vld [tilespmem:s16+$0xFFFFFFC0]  }
0x155: {  	v13 =	vld [tilespmem:s16+$0xFFFFFFB0]  }
0x156: {  	v10 =	vmul.f32 v10, v3;
	v15 =	vmul.f32 v1, v3;
	v14 =	vld [tilespmem:s16+$0xFFFFFFA0]  }
0x157: {  	v16 =	vmul.f32 v7, v3;
	v8 =	vmul.f32 v8, v3  }
.Ltmp2:
0x158: {  	[tilespmem:s16+$0x0] =	vst v10;
	v10 =	vmul.f32 v11, v3;
	v3 =	vmul.f32 v4, v3;
	(pc) =	sbr.rel @p0 .LBB2_7-.Ltmp2, $4  }
0x159: {  	v11 =	vmul.f32 v1, v12;
	[tilespmem:s16+$0x10] =	vst v8;
	v8 =	vmul.f32 v5, v12  }
0x15a: {  	v7 =	vmul.f32 v9, v12;
	v5 =	vmul.f32 v6, v12;
	[tilespmem:s16+$0x20] =	vst v16;
	v9 =	vadd.f32 v3, v15  }
0x15b: {  	v4 =	vmul.f32 v13, v12;
	v3 =	vmul.f32 v14, v12;
	[tilespmem:s16+$0x30] =	vst v10;
	v6 =	vadd.f32 v8, v11  }
0x15c: {  	s20 =	sadd.s32 $0xFFFFFFFF, s20;
	s16 =	sadd.s32 $0x100, s16;
	[tilespmem:s15+$0x40] =	vst v9  }
0x15d: {  	[tilespmem:s15+$0xFFFFFF90] =	vst v7  }
0x15e: {  	v8 =	vld [tilespmem:s16+$0xFFFFFF90];
	[tilespmem:s15+$0xFFFFFF80] =	vst v5  }
0x15f: {  	v54 =	vmov s20;
	v9 =	vld [tilespmem:s16+$0x0];
	[tilespmem:s15+$0xFFFFFFC0] =	vst v6  }
0x160: {  	v7 =	vand.u32 $0xFFFFFFFE, v54;
	v56 =	vld [tilespmem:s16+$0xFFFFFF80];
	[tilespmem:s15+$0xFFFFFFB0] =	vst v4  }
0x161: {  	v57 =	vld [tilespmem:s16+$0x20];
	v55 =	vbroadcast v7, $0x0;
	[tilespmem:s15+$0xFFFFFFA0] =	vst v3  }
0x162: {  	v2 =	vld.idx.msk [tilespmem:v2+s6+$0x0], $0xffff  }
0x163: {  	v3 =	vld [tilespmem:s16+$0x10]  }
0x164: {  	v58 =	vld [tilespmem:s16+$0x40]  }
0x165: {  	v10 =	vld [tilespmem:s16+$0x30]  }
0x166: {  	v11 =	vld [tilespmem:s16+$0xFFFFFFC0]  }
0x167: {  	v5 =	vld.idx.msk [tilespmem:v55+s6+$0x0], $0xffff;
	v9 =	vmul.f32 v9, v2  }
0x168: {  	v12 =	vmul.f32 v1, v2;
	v3 =	vmul.f32 v3, v2  }
0x169: {  	v59 =	vld [tilespmem:s16+$0xFFFFFFB0];
	v7 =	vmul.f32 v57, v2;
	v4 =	vmul.f32 v58, v2;
	[tilespmem:s16+$0x0] =	vst v9  }
0x16a: {  	v2 =	vmul.f32 v10, v2;
	[tilespmem:s16+$0x10] =	vst v3  }
0x16b: {  	v3 =	vld [tilespmem:s16+$0xFFFFFFA0];
	[tilespmem:s16+$0x20] =	vst v7;
	v4 =	vadd.f32 v4, v12  }
0x16c: {  	[tilespmem:s16+$0x30] =	vst v2;
	v60 =	vmul.f32 v11, v5;
	v8 =	vmul.f32 v8, v5  }
0x16d: {  	s13 =	sadd.s32 $0x1, s13;
	[tilespmem:s16+$0x40] =	vst v4;
	v61 =	vmul.f32 v1, v5;
	v2 =	vmul.f32 v56, v5  }
0x16e: {  	p0 =	sne.s32 s13, $0x35;
	v63 =	vmul.f32 v59, v5;
	[tilespmem:s16+$0xFFFFFF90] =	vst v8  }
.Ltmp3:
0x16f: {  	v62 =	vadd.f32 v60, v61;
	[tilespmem:s16+$0xFFFFFF80] =	vst v2;
	(pc) =	sbr.rel @p0 .LBB2_4-.Ltmp3, $4  }
0x170: {  	v2 =	vmul.f32 v3, v5;
	[tilespmem:s16+$0xFFFFFFB0] =	vst v63  }
0x171: {  	[tilespmem:s16+$0xFFFFFFC0] =	vst v62  }
0x172: {  	[tilespmem:s16+$0xFFFFFFA0] =	vst v2  }
0x173: {  	[spmem:s2] =	stream.indirect.scatter.add.f32 [tilespmem:s31], [sflag:$0x6], $0x80, s9, s28, $0xb8;
	[tilespmem:$0x1EF00] =	vst v63  }
0x174: {  	_ =	swait.ge [sflag:s10], $0x3000  }
0x175: {  	[sflag:s10] =	ssyncset.done $0x0  }
0x176: {  	[sflag:s10] =	ssyncadd.s32 $0xFFFFD000  }
0x177: {  	_ =	swait.ge [sflag:s11], $0x3000  }
0x178: {  	[sflag:s11] =	ssyncset.done $0x0  }
0x179: {  	s13 =	stileid.u32;
	[sflag:s11] =	ssyncadd.s32 $0xFFFFD000  }
0x17a: {  	s13 =	sshll.u32 s13, $0x6;
	[bflag:$0x0] =	sbarrier.arrive $0xFFFF  }
0x17b: {  	s15 =	sshrl.u32 s8, $0x3;
	s13 =	sor.u32 $0x1C07, s13;
	s16 =	rddreg [dreg:$0xd]  }
0x17c: {  	[hbm:s16], [sflag:s13] =	dma.local [spmem:s15], $0x2780  }
0x17d: {  	_ =	swait.ge [sflag:s21], $0x2780  }
0x17e: {  	s12 =	sadd.s32 $0x1, s12;
	s24 =	rddreg [dreg:$0xe]  }
0x17f: {  	p0 =	sne.s32 s12, s24  }
.Ltmp4:
0x180: {  	_ = 	snop;
	(pc) =	sbr.rel @p0 .LBB2_1-.Ltmp4, $3  }
0x181: {  	_ =	sdelay $0x1  }
0x182: {  	[sflag:s21] =	ssyncset.done $0x0  }
0x183: {  	[sflag:s21] =	ssyncadd.s32 $0xFFFFD880  }
0x184: {  	_ =	sfence.sel $0x180000  }
0x185: {  	[bflag:$0x0] =	sbarrier.arrive $0xFFFF  }
0x186: {  	_ =	strace $0x90000047  }
0x187: {  	s0 =	stileid.u32;
	[bflag:$0x2] =	sbarrier.arrive $0xFFFF  }
0x188: {  	p0 =	sne.s32 s0, $0x0;
	s0 =	rddreg [dreg:$0x3]  }
0x189: {  	s0 =	sadd.s32 @!p0 $0x100000, s0  }
0x18a: {  	[sflag:s0] =	ssyncadd.tile.s32 @!p0 $0x1;
	_ =	shalt  }
.Lfunc_end2:
_tile_overlayer_lowered:
.L_overlay_start_2:
0x18b: {  	(tag) =	ssettag $0x2  }
0x18c: {  	s0 =	rddreg [dreg:$0x0];
	s2 =	stileid.u32  }
0x18d: {  	s1 =	rddreg [dreg:$0x1];
	p0 =	sne.s32 s2, $0x0  }
0x18e: {  	s3 =	rddreg [dreg:$0x2];
	[bflag:$0x3] =	sbarrier.arrive $0xFFFF;
	s2 =	simm.s32 @!p0 $0x1C07  }
0x18f: {  	[timem:s3], [sflag:s2] =	dma.local @!p0 [hbm:s0], s1  }
0x190: {  	s0 =	simm.s32 @!p0 $0x7  }
0x191: {  	_ =	swait.ge @!p0 [sflag:s0], s1  }
0x192: {  	s1 =	ssub.s32 @!p0 $0x0, s1;
	[sflag:s0] =	ssyncset.done @!p0 $0x0  }
0x193: {  	[sflag:s0] =	ssyncadd.s32 @!p0 s1  }
0x194: {  	[bflag:$0x3] =	sbarrier.arrive $0xFFFF  }
0x195: {  	_ =	shalt  }

</sc_bundles>
